<compile_context>
chip_gen: v7x
topology: tpu7x:2x2x1
jax: 0.10.2.dev20260603
libtpu: 0.0.44.dev20260713+nightly
codegen_flags: <defaults>
</compile_context>

<pallas_src>
import functools

import jax
import jax.numpy as jnp
from jax import lax
from jax.experimental import pallas as pl
from jax.experimental.pallas import tpu as pltpu
from jax.experimental.pallas import tpu_sc as plsc

B = 8
A = 3
H = 64
W = 64
C = 80
N = 20
STRIDE = 8.0
ROW = 5 + C
P = B * A * H * W
BN = B * N
NWORDS = P * ROW
TAB = NWORDS // 16
GROW = 96

_INFO = plsc.get_sparse_core_info()
_NC = _INFO.num_cores
_NS = _INFO.num_subcores
_NW = _NC * _NS
_PPT = P // _NW
_CHUNK = 128
_NCHUNK = _PPT // _CHUNK
_JPT = BN // _NW


def _softplus(x):
    return jnp.maximum(x, 0.0) + jnp.log1p(jnp.exp(-jnp.abs(x)))


def _assign_body(boxes_ref, labels_ref, xs_ref, ys_ref, sz_ref,
                 pos_ref, win_ref, tx_ref, ty_ref, tw_ref, th_ref, npos_ref):
    bx = boxes_ref[...]
    x1 = bx[:, :, 0]
    y1 = bx[:, :, 1]
    x2 = bx[:, :, 2]
    y2 = bx[:, :, 3]
    cx = (x1 + x2) * 0.5
    cy = (y1 + y2) * 0.5
    gx = jnp.clip((cx / STRIDE).astype(jnp.int32), 0, W - 1)
    gy = jnp.clip((cy / STRIDE).astype(jnp.int32), 0, H - 1)

    lanx = lax.broadcasted_iota(jnp.int32, (B, N, W), 2)
    acx = jnp.sum(jnp.where(gx[:, :, None] == lanx, xs_ref[...][None], 0.0), axis=2)
    lany = lax.broadcasted_iota(jnp.int32, (B, N, H), 2)
    acy = jnp.sum(jnp.where(gy[:, :, None] == lany, ys_ref[...][None], 0.0), axis=2)

    area_g = (x2 - x1) * (y2 - y1)
    ious = []
    for a in range(A):
        aw = sz_ref[a, 0]
        ah = sz_ref[a, 1]
        ax1 = acx - aw * 0.5
        ay1 = acy - ah * 0.5
        ax2 = acx + aw * 0.5
        ay2 = acy + ah * 0.5
        iw = jnp.maximum(jnp.minimum(x2, ax2) - jnp.maximum(x1, ax1), 0.0)
        ih = jnp.maximum(jnp.minimum(y2, ay2) - jnp.maximum(y1, ay1), 0.0)
        inter = iw * ih
        area_a = (ax2 - ax1) * (ay2 - ay1)
        ious.append(inter / (area_g + area_a - inter + 1e-16))

    bi = jnp.maximum(jnp.maximum(ious[0], ious[1]), ious[2])
    ba = jnp.where(ious[0] == bi, 0,
                   jnp.where(ious[1] == bi, 1, 2)).astype(jnp.int32)

    key = ba * (H * W) + gy * W + gx
    ki = key[:, :, None]
    kj = key[:, None, :]
    bii = bi[:, :, None]
    bij = bi[:, None, :]
    ii = lax.broadcasted_iota(jnp.int32, (B, N, N), 1)
    jj = lax.broadcasted_iota(jnp.int32, (B, N, N), 2)
    beats = (ki == kj) & ((bij > bii) | ((bij == bii) & (jj < ii)))
    win = jnp.logical_not(jnp.any(beats, axis=2))

    aw_sel = jnp.where(ba == 0, sz_ref[0, 0],
                       jnp.where(ba == 1, sz_ref[1, 0], sz_ref[2, 0]))
    ah_sel = jnp.where(ba == 0, sz_ref[0, 1],
                       jnp.where(ba == 1, sz_ref[1, 1], sz_ref[2, 1]))
    gw = x2 - x1
    gh = y2 - y1

    bidx = lax.broadcasted_iota(jnp.int32, (B, N), 0)
    pos_ref[...] = bidx * (A * H * W) + key
    win_ref[...] = win.astype(jnp.float32)
    tx_ref[...] = (cx - acx) / STRIDE
    ty_ref[...] = (cy - acy) / STRIDE
    tw_ref[...] = jnp.log(gw / aw_sel + 1e-16)
    th_ref[...] = jnp.log(gh / ah_sel + 1e-16)
    npos_ref[0, 0] = jnp.sum(win.astype(jnp.float32))


def _sc_body(pred_ref, pos_ref, obj_ref, g_ref,
             idx_v, rows_v, objv, posv, pidx, prow, gloc, sem_o, sem_p):
    wid = lax.axis_index("s") * _NC + lax.axis_index("c")
    base = wid * _PPT
    i16 = lax.iota(jnp.int32, 16)

    def _build(c, _):
        for u in range(8):
            pos16 = base + c * _CHUNK + u * 16 + i16
            idx_v[pl.ds(c * _CHUNK + u * 16, 16)] = (pos16 * ROW + 4) >> 4
        return 0
    lax.fori_loop(0, _NCHUNK, _build, 0)

    ohandles = []
    for c in range(_NCHUNK):
        ohandles.append(pltpu.async_copy(
            pred_ref.at[idx_v.at[pl.ds(c * _CHUNK, _CHUNK)]],
            rows_v.at[pl.ds(c * _CHUNK, _CHUNK)], sem_o))

    pltpu.sync_copy(pos_ref, posv)
    phandles = []
    for m in range(_JPT):
        j = wid * _JPT + m
        pj = plsc.load_gather(posv, [jnp.zeros((16,), jnp.int32) + j])
        rb = (pj * ROW) >> 4
        pidx[pl.ds(m * 16, 16)] = jnp.minimum(rb + i16, TAB - 1)
    for m in range(_JPT):
        phandles.append(pltpu.async_copy(
            pred_ref.at[pidx.at[pl.ds(m * 16, 16)]],
            prow.at[pl.ds(m * 16, 16)], sem_p))

    for h in ohandles:
        h.wait()

    def _extract(c, _):
        p16 = base + c * 16 + i16
        s = p16 * ROW + 4
        vals = plsc.load_gather(rows_v, [c * 16 + i16, s & 15])
        objv[pl.ds(c * 16, 16)] = vals
        return 0
    lax.fori_loop(0, _PPT // 16, _extract, 0)
    pltpu.sync_copy(objv, obj_ref.at[pl.ds(base, _PPT)])

    for h in phandles:
        h.wait()
    for m in range(_JPT):
        j = wid * _JPT + m
        pj = plsc.load_gather(posv, [jnp.zeros((16,), jnp.int32) + j])
        off = (pj * ROW) & 15
        for c6 in range(GROW // 16):
            w = off + c6 * 16 + i16
            vals = plsc.load_gather(prow, [m * 16 + (w >> 4), w & 15])
            gloc[pl.ds(m * GROW + c6 * 16, 16)] = vals
    pltpu.sync_copy(gloc, g_ref.at[pl.ds(wid * _JPT * GROW, _JPT * GROW)])


def _final_body(obj_ref, g_ref, win_ref, tx_ref, ty_ref, tw_ref, th_ref,
                lab_ref, npos_ref, out_ref):
    s0 = jnp.sum(_softplus(obj_ref[...]))

    g = g_ref[...]
    lan = lax.broadcasted_iota(jnp.int32, (B, N, GROW), 2)
    g0 = jnp.sum(jnp.where(lan == 0, g, 0.0), axis=2)
    g1 = jnp.sum(jnp.where(lan == 1, g, 0.0), axis=2)
    g2 = jnp.sum(jnp.where(lan == 2, g, 0.0), axis=2)
    g3 = jnp.sum(jnp.where(lan == 3, g, 0.0), axis=2)
    g4 = jnp.sum(jnp.where(lan == 4, g, 0.0), axis=2)
    sp = jnp.sum(jnp.where((lan >= 5) & (lan < ROW), _softplus(g), 0.0), axis=2)
    glab = jnp.sum(jnp.where(lan == lab_ref[...][:, :, None] + 5, g, 0.0), axis=2)

    win = win_ref[...]
    box_sse = ((g0 - tx_ref[...]) ** 2 + (g1 - ty_ref[...]) ** 2
               + (g2 - tw_ref[...]) ** 2 + (g3 - th_ref[...]) ** 2)
    box_s = jnp.sum(win * box_sse)
    obj_corr = jnp.sum(win * g4)
    cls_s = jnp.sum(win * (sp - glab))

    npos = npos_ref[0, 0]
    obj_loss = (s0 - obj_corr) / float(P)
    npos_safe = jnp.where(npos > 0, npos, 1.0)
    box_loss = jnp.where(npos > 0, box_s / (npos_safe * 4.0), 0.0)
    cls_loss = jnp.where(npos > 0, cls_s / (npos_safe * float(C)), 0.0)
    out_ref[0, 0] = 0.05 * box_loss + obj_loss + 0.5 * cls_loss


def kernel(predictions, anchors, gt_boxes, gt_labels):
    f32 = jnp.float32
    xs = anchors[0, 0, :, 0][None, :]
    ys = anchors[0, :, 0, 1][None, :]
    sz = anchors[:, 0, 0, 2:4]
    labels = gt_labels.astype(jnp.int32)

    smem = pl.BlockSpec(memory_space=pltpu.SMEM)

    pos, win, tx, ty, tw, th, npos = pl.pallas_call(
        _assign_body,
        out_shape=[
            jax.ShapeDtypeStruct((B, N), jnp.int32),
            jax.ShapeDtypeStruct((B, N), f32),
            jax.ShapeDtypeStruct((B, N), f32),
            jax.ShapeDtypeStruct((B, N), f32),
            jax.ShapeDtypeStruct((B, N), f32),
            jax.ShapeDtypeStruct((B, N), f32),
            jax.ShapeDtypeStruct((1, 1), f32),
        ],
        in_specs=[pl.BlockSpec(), pl.BlockSpec(), pl.BlockSpec(),
                  pl.BlockSpec(), smem],
        out_specs=[pl.BlockSpec()] * 6 + [smem],
    )(gt_boxes, labels, xs, ys, sz)

    pred16 = predictions.reshape(TAB, 16)
    posf = pos.reshape(BN)

    sc_fn = functools.partial(
        pl.kernel,
        mesh=plsc.VectorSubcoreMesh(core_axis_name="c", subcore_axis_name="s"),
        compiler_params=pltpu.CompilerParams(needs_layout_passes=False,
                                             use_tc_tiling_on_sc=False),
        out_type=[
            jax.ShapeDtypeStruct((P,), f32),
            jax.ShapeDtypeStruct((BN * GROW,), f32),
        ],
        scratch_types=[
            pltpu.VMEM((_PPT,), jnp.int32),
            pltpu.VMEM((_PPT, 16), f32),
            pltpu.VMEM((_PPT,), f32),
            pltpu.VMEM((BN,), jnp.int32),
            pltpu.VMEM((_JPT * 16,), jnp.int32),
            pltpu.VMEM((_JPT * 16, 16), f32),
            pltpu.VMEM((_JPT * GROW,), f32),
            pltpu.SemaphoreType.DMA,
            pltpu.SemaphoreType.DMA,
        ],
    )(_sc_body)
    obj_col, g_flat = sc_fn(pred16, posf)

    g = g_flat.reshape(B, N, GROW)
    obj2 = obj_col.reshape(P // 128, 128)

    out = pl.pallas_call(
        _final_body,
        out_shape=jax.ShapeDtypeStruct((1, 1), f32),
        in_specs=[pl.BlockSpec()] * 8 + [smem],
        out_specs=smem,
    )(obj2, g, win, tx, ty, tw, th, labels, npos)
    return out[0, 0]

# --- scband reference (transcript-rebuilt; emitter-appended) ---
"""Pipeline reference for scband-yololoss-13924283973748 (READ-ONLY COPY).

The authoritative reference and input builder live on the scoring server;
editing this copy changes nothing except your own understanding.
"""

import jax, jax.numpy as jnp
import numpy as np

B = 8
A = 3
H = 64
W = 64
C = 80
N = 20
STRIDE = 8
IN_SIZE = 512


def _build_anchors():
    sizes = np.array([[32.0, 32.0], [64.0, 64.0], [128.0, 128.0]], dtype=np.float32)
    xs = (np.arange(W, dtype=np.float32) + 0.5) * STRIDE
    ys = (np.arange(H, dtype=np.float32) + 0.5) * STRIDE
    cx = np.broadcast_to(xs[None, None, :], (A, H, W))
    cy = np.broadcast_to(ys[None, :, None], (A, H, W))
    aw = np.broadcast_to(sizes[:, 0][:, None, None], (A, H, W))
    ah = np.broadcast_to(sizes[:, 1][:, None, None], (A, H, W))
    return np.stack([cx, cy, aw, ah], axis=-1).astype(np.float32)


def setup_inputs(seed: int = 0):
    key = jax.random.key(seed)
    k1, k2, k3, k4 = jax.random.split(key, 4)
    predictions = jax.random.normal(k1, (B, A, H, W, 5 + C), dtype=jnp.float32)
    anchors = jnp.asarray(_build_anchors())
    cxy = jax.random.uniform(k2, (B, N, 2), minval=40.0, maxval=float(IN_SIZE - 40))
    wh = jax.random.uniform(k3, (B, N, 2), minval=20.0, maxval=140.0)
    x1y1 = jnp.clip(cxy - wh / 2.0, 0.0, float(IN_SIZE - 2))
    x2y2 = jnp.clip(cxy + wh / 2.0, 2.0, float(IN_SIZE))
    gt_boxes = jnp.concatenate([x1y1, x2y2], axis=-1).astype(jnp.float32)
    gt_labels = jax.random.randint(k4, (B, N), 0, C)
    return {"predictions": predictions, "anchors": anchors, "gt_boxes": gt_boxes, "gt_labels": gt_labels}


def _iou_one_to_many(gt, anc):
    ax1 = anc[:, 0] - anc[:, 2] / 2.0
    ay1 = anc[:, 1] - anc[:, 3] / 2.0
    ax2 = anc[:, 0] + anc[:, 2] / 2.0
    ay2 = anc[:, 1] + anc[:, 3] / 2.0
    ix1 = jnp.maximum(gt[0], ax1)
    iy1 = jnp.maximum(gt[1], ay1)
    ix2 = jnp.minimum(gt[2], ax2)
    iy2 = jnp.minimum(gt[3], ay2)
    iw = jnp.clip(ix2 - ix1, 0.0, None)
    ih = jnp.clip(iy2 - iy1, 0.0, None)
    inter = iw * ih
    area_g = (gt[2] - gt[0]) * (gt[3] - gt[1])
    area_a = (ax2 - ax1) * (ay2 - ay1)
    return inter / (area_g + area_a - inter + 1e-16)


def _build_targets(anchors, gt_boxes, gt_labels):
    def per_batch(boxes, labels):
        cx = (boxes[:, 0] + boxes[:, 2]) / 2.0
        cy = (boxes[:, 1] + boxes[:, 3]) / 2.0
        gx = jnp.clip((cx / STRIDE).astype(jnp.int32), 0, W - 1)
        gy = jnp.clip((cy / STRIDE).astype(jnp.int32), 0, H - 1)
        cell_anchors = jnp.transpose(anchors[:, gy, gx, :], (1, 0, 2))
        ious = jax.vmap(_iou_one_to_many)(boxes, cell_anchors)
        ba = jnp.argmax(ious, axis=1)
        bi = jnp.max(ious, axis=1)
        key = ba * (H * W) + gy * W + gx
        idx = jnp.arange(N)
        same = key[:, None] == key[None, :]
        beats = same & (
            (bi[None, :] > bi[:, None])
            | ((bi[None, :] == bi[:, None]) & (idx[None, :] < idx[:, None]))
        )
        win = ~jnp.any(beats, axis=1)
        ai_s = jnp.where(win, ba, A)
        anc_sel = anchors[ba, gy, gx]
        gw = boxes[:, 2] - boxes[:, 0]
        gh = boxes[:, 3] - boxes[:, 1]
        tx = (cx - anc_sel[:, 0]) / STRIDE
        ty = (cy - anc_sel[:, 1]) / STRIDE
        tw = jnp.log(gw / anc_sel[:, 2] + 1e-16)
        th = jnp.log(gh / anc_sel[:, 3] + 1e-16)
        tvals = jnp.stack([tx, ty, tw, th], axis=-1)
        box_t = jnp.zeros((A, H, W, 4), dtype=jnp.float32).at[ai_s, gy, gx].set(tvals, mode="drop")
        obj_t = jnp.zeros((A, H, W), dtype=jnp.float32).at[ai_s, gy, gx].set(1.0, mode="drop")
        cls_t = jnp.zeros((A, H, W, C), dtype=jnp.float32).at[ai_s, gy, gx, labels].set(1.0, mode="drop")
        return box_t, obj_t, cls_t

    return jax.vmap(per_batch)(gt_boxes, gt_labels)


def _bce_logits(logits, targets):
    return jnp.maximum(logits, 0.0) - logits * targets + jnp.log1p(jnp.exp(-jnp.abs(logits)))


def reference(predictions, anchors, gt_boxes, gt_labels):
    box_t, obj_t, cls_t = _build_targets(anchors, gt_boxes, gt_labels)
    mask = obj_t
    num_pos = jnp.sum(obj_t)
    box_pred = predictions[..., :4]
    obj_pred = predictions[..., 4]
    cls_pred = predictions[..., 5:]
    obj_loss = jnp.mean(_bce_logits(obj_pred, obj_t))
    num_pos_safe = jnp.where(num_pos > 0, num_pos, 1.0)
    box_loss_raw = jnp.sum(mask[..., None] * (box_pred - box_t) ** 2) / (num_pos_safe * 4.0)
    cls_loss_raw = jnp.sum(mask[..., None] * _bce_logits(cls_pred, cls_t)) / (num_pos_safe * C)
    box_loss = jnp.where(num_pos > 0, box_loss_raw, jnp.asarray(0.0, dtype=jnp.float32))
    cls_loss = jnp.where(num_pos > 0, cls_loss_raw, jnp.asarray(0.0, dtype=jnp.float32))
    total_loss = 0.05 * box_loss + 1.0 * obj_loss + 0.5 * cls_loss
    return total_loss

if __name__ == "__main__":
    import jax
    _d = setup_inputs()
    print(jax.jit(kernel)(*tuple(_d.values())))

</pallas_src>

<mosaic_0001>
#map = affine_map<(d0, d1) -> (0, 0)>
#map1 = affine_map<(d0, d1) -> (0)>
module attributes {stable_mosaic.version = 14 : i64} {
  func.func @_sc_body(%arg0: i32, %arg1: i32, %arg2: memref<522240x16xf32, #tpu.memory_space<hbm>>, %arg3: memref<160xi32, #tpu.memory_space<hbm>>, %arg4: memref<98304xf32, #tpu.memory_space<hbm>>, %arg5: memref<15360xf32, #tpu.memory_space<hbm>>, %arg6: memref<3072xi32, #tpu.memory_space<vmem>>, %arg7: memref<3072x16xf32, #tpu.memory_space<vmem>>, %arg8: memref<3072xf32, #tpu.memory_space<vmem>>, %arg9: memref<160xi32, #tpu.memory_space<vmem>>, %arg10: memref<80xi32, #tpu.memory_space<vmem>>, %arg11: memref<80x16xf32, #tpu.memory_space<vmem>>, %arg12: memref<480xf32, #tpu.memory_space<vmem>>, %arg13: memref<!tpu.dma_semaphore, #tpu.memory_space<semaphore_mem>>, %arg14: memref<!tpu.dma_semaphore, #tpu.memory_space<semaphore_mem>>) attributes {dimension_semantics = [#tpu.dimension_semantics<core_parallel>, #tpu.dimension_semantics<subcore_parallel>], iteration_bounds = array<i64: 2, 16>, scalar_prefetch = 0 : i64, scratch_operands = 9 : i64, tpu.core_type = #tpu.core_type<sc_vector_subcore>, window_params = [{transform_indices = #map}, {transform_indices = #map1}, {transform_indices = #map1}, {transform_indices = #map1}]} {
    %mul3A = arith.constant 2 : i32
    %mul3A_0 = arith.muli %arg1, %mul3A : i32
    %add3A = arith.addi %mul3A_0, %arg0 : i32
    %mul3A_1 = arith.constant 3072 : i32
    %mul3A_2 = arith.muli %add3A, %mul3A_1 : i32
    %iota3A = tpu.iota {dimensions = array<i32: 0>} : vector<16xi32>
    %scan3A = arith.constant 0 : i32
    %scan3A_3 = arith.constant 0 : i32
    %scan3A_4 = arith.constant 24 : i32
    %scan3A_5 = arith.addi %scan3A_3, %scan3A_4 : i32
    %scan3A_6 = arith.constant 1 : i32
    %scan3A_7 = scf.for %scan3A_1136 = %scan3A_3 to %scan3A_5 step %scan3A_6 iter_args(%scan3A_1137 = %scan3A) -> (i32)  : i32 {
      %mul3A_1138 = arith.constant 128 : i32
      %mul3A_1139 = arith.muli %scan3A_1136, %mul3A_1138 : i32
      %add3A_1140 = arith.addi %mul3A_2, %mul3A_1139 : i32
      %add3A_1141 = arith.constant 0 : i32
      %add3A_1142 = arith.addi %add3A_1140, %add3A_1141 : i32
      %add3A_1143 = vector.broadcast %add3A_1142 : i32 to vector<16xi32>
      %add3A_1144 = arith.addi %add3A_1143, %iota3A : vector<16xi32>
      %mul3A_1145 = arith.constant 85 : i32
      %mul3A_1146 = vector.broadcast %mul3A_1145 : i32 to vector<16xi32>
      %mul3A_1147 = arith.muli %add3A_1144, %mul3A_1146 : vector<16xi32>
      %add3A_1148 = arith.constant 4 : i32
      %add3A_1149 = vector.broadcast %add3A_1148 : i32 to vector<16xi32>
      %add3A_1150 = arith.addi %mul3A_1147, %add3A_1149 : vector<16xi32>
      %shift_right_arithmetic3A_1151 = arith.constant 4 : i32
      %shift_right_arithmetic3A_1152 = vector.broadcast %shift_right_arithmetic3A_1151 : i32 to vector<16xi32>
      %shift_right_arithmetic3A_1153 = arith.shrsi %add3A_1150, %shift_right_arithmetic3A_1152 : vector<16xi32>
      %mul3A_1154 = arith.constant 128 : i32
      %mul3A_1155 = arith.muli %scan3A_1136, %mul3A_1154 : i32
      %add3A_1156 = arith.constant 0 : i32
      %add3A_1157 = arith.addi %mul3A_1155, %add3A_1156 : i32
      %swap3A_1158 = arith.index_cast %add3A_1157 : i32 to index
      %swap3A_1159 = tpu.vector_load %arg6[%swap3A_1158] {strides = array<i32>} : memref<3072xi32, #tpu.memory_space<vmem>>, vector<16xi32>,
      tpu.vector_store %arg6[%swap3A_1158], %shift_right_arithmetic3A_1153 {strides = array<i32>} : memref<3072xi32, #tpu.memory_space<vmem>>, vector<16xi32>,
      %mul3A_1160 = arith.constant 128 : i32
      %mul3A_1161 = arith.muli %scan3A_1136, %mul3A_1160 : i32
      %add3A_1162 = arith.addi %mul3A_2, %mul3A_1161 : i32
      %add3A_1163 = arith.constant 16 : i32
      %add3A_1164 = arith.addi %add3A_1162, %add3A_1163 : i32
      %add3A_1165 = vector.broadcast %add3A_1164 : i32 to vector<16xi32>
      %add3A_1166 = arith.addi %add3A_1165, %iota3A : vector<16xi32>
      %mul3A_1167 = arith.constant 85 : i32
      %mul3A_1168 = vector.broadcast %mul3A_1167 : i32 to vector<16xi32>
      %mul3A_1169 = arith.muli %add3A_1166, %mul3A_1168 : vector<16xi32>
      %add3A_1170 = arith.constant 4 : i32
      %add3A_1171 = vector.broadcast %add3A_1170 : i32 to vector<16xi32>
      %add3A_1172 = arith.addi %mul3A_1169, %add3A_1171 : vector<16xi32>
      %shift_right_arithmetic3A_1173 = arith.constant 4 : i32
      %shift_right_arithmetic3A_1174 = vector.broadcast %shift_right_arithmetic3A_1173 : i32 to vector<16xi32>
      %shift_right_arithmetic3A_1175 = arith.shrsi %add3A_1172, %shift_right_arithmetic3A_1174 : vector<16xi32>
      %mul3A_1176 = arith.constant 128 : i32
      %mul3A_1177 = arith.muli %scan3A_1136, %mul3A_1176 : i32
      %add3A_1178 = arith.constant 16 : i32
      %add3A_1179 = arith.addi %mul3A_1177, %add3A_1178 : i32
      %swap3A_1180 = arith.index_cast %add3A_1179 : i32 to index
      %swap3A_1181 = tpu.vector_load %arg6[%swap3A_1180] {strides = array<i32>} : memref<3072xi32, #tpu.memory_space<vmem>>, vector<16xi32>,
      tpu.vector_store %arg6[%swap3A_1180], %shift_right_arithmetic3A_1175 {strides = array<i32>} : memref<3072xi32, #tpu.memory_space<vmem>>, vector<16xi32>,
      %mul3A_1182 = arith.constant 128 : i32
      %mul3A_1183 = arith.muli %scan3A_1136, %mul3A_1182 : i32
      %add3A_1184 = arith.addi %mul3A_2, %mul3A_1183 : i32
      %add3A_1185 = arith.constant 32 : i32
      %add3A_1186 = arith.addi %add3A_1184, %add3A_1185 : i32
      %add3A_1187 = vector.broadcast %add3A_1186 : i32 to vector<16xi32>
      %add3A_1188 = arith.addi %add3A_1187, %iota3A : vector<16xi32>
      %mul3A_1189 = arith.constant 85 : i32
      %mul3A_1190 = vector.broadcast %mul3A_1189 : i32 to vector<16xi32>
      %mul3A_1191 = arith.muli %add3A_1188, %mul3A_1190 : vector<16xi32>
      %add3A_1192 = arith.constant 4 : i32
      %add3A_1193 = vector.broadcast %add3A_1192 : i32 to vector<16xi32>
      %add3A_1194 = arith.addi %mul3A_1191, %add3A_1193 : vector<16xi32>
      %shift_right_arithmetic3A_1195 = arith.constant 4 : i32
      %shift_right_arithmetic3A_1196 = vector.broadcast %shift_right_arithmetic3A_1195 : i32 to vector<16xi32>
      %shift_right_arithmetic3A_1197 = arith.shrsi %add3A_1194, %shift_right_arithmetic3A_1196 : vector<16xi32>
      %mul3A_1198 = arith.constant 128 : i32
      %mul3A_1199 = arith.muli %scan3A_1136, %mul3A_1198 : i32
      %add3A_1200 = arith.constant 32 : i32
      %add3A_1201 = arith.addi %mul3A_1199, %add3A_1200 : i32
      %swap3A_1202 = arith.index_cast %add3A_1201 : i32 to index
      %swap3A_1203 = tpu.vector_load %arg6[%swap3A_1202] {strides = array<i32>} : memref<3072xi32, #tpu.memory_space<vmem>>, vector<16xi32>,
      tpu.vector_store %arg6[%swap3A_1202], %shift_right_arithmetic3A_1197 {strides = array<i32>} : memref<3072xi32, #tpu.memory_space<vmem>>, vector<16xi32>,
      %mul3A_1204 = arith.constant 128 : i32
      %mul3A_1205 = arith.muli %scan3A_1136, %mul3A_1204 : i32
      %add3A_1206 = arith.addi %mul3A_2, %mul3A_1205 : i32
      %add3A_1207 = arith.constant 48 : i32
      %add3A_1208 = arith.addi %add3A_1206, %add3A_1207 : i32
      %add3A_1209 = vector.broadcast %add3A_1208 : i32 to vector<16xi32>
      %add3A_1210 = arith.addi %add3A_1209, %iota3A : vector<16xi32>
      %mul3A_1211 = arith.constant 85 : i32
      %mul3A_1212 = vector.broadcast %mul3A_1211 : i32 to vector<16xi32>
      %mul3A_1213 = arith.muli %add3A_1210, %mul3A_1212 : vector<16xi32>
      %add3A_1214 = arith.constant 4 : i32
      %add3A_1215 = vector.broadcast %add3A_1214 : i32 to vector<16xi32>
      %add3A_1216 = arith.addi %mul3A_1213, %add3A_1215 : vector<16xi32>
      %shift_right_arithmetic3A_1217 = arith.constant 4 : i32
      %shift_right_arithmetic3A_1218 = vector.broadcast %shift_right_arithmetic3A_1217 : i32 to vector<16xi32>
      %shift_right_arithmetic3A_1219 = arith.shrsi %add3A_1216, %shift_right_arithmetic3A_1218 : vector<16xi32>
      %mul3A_1220 = arith.constant 128 : i32
      %mul3A_1221 = arith.muli %scan3A_1136, %mul3A_1220 : i32
      %add3A_1222 = arith.constant 48 : i32
      %add3A_1223 = arith.addi %mul3A_1221, %add3A_1222 : i32
      %swap3A_1224 = arith.index_cast %add3A_1223 : i32 to index
      %swap3A_1225 = tpu.vector_load %arg6[%swap3A_1224] {strides = array<i32>} : memref<3072xi32, #tpu.memory_space<vmem>>, vector<16xi32>,
      tpu.vector_store %arg6[%swap3A_1224], %shift_right_arithmetic3A_1219 {strides = array<i32>} : memref<3072xi32, #tpu.memory_space<vmem>>, vector<16xi32>,
      %mul3A_1226 = arith.constant 128 : i32
      %mul3A_1227 = arith.muli %scan3A_1136, %mul3A_1226 : i32
      %add3A_1228 = arith.addi %mul3A_2, %mul3A_1227 : i32
      %add3A_1229 = arith.constant 64 : i32
      %add3A_1230 = arith.addi %add3A_1228, %add3A_1229 : i32
      %add3A_1231 = vector.broadcast %add3A_1230 : i32 to vector<16xi32>
      %add3A_1232 = arith.addi %add3A_1231, %iota3A : vector<16xi32>
      %mul3A_1233 = arith.constant 85 : i32
      %mul3A_1234 = vector.broadcast %mul3A_1233 : i32 to vector<16xi32>
      %mul3A_1235 = arith.muli %add3A_1232, %mul3A_1234 : vector<16xi32>
      %add3A_1236 = arith.constant 4 : i32
      %add3A_1237 = vector.broadcast %add3A_1236 : i32 to vector<16xi32>
      %add3A_1238 = arith.addi %mul3A_1235, %add3A_1237 : vector<16xi32>
      %shift_right_arithmetic3A_1239 = arith.constant 4 : i32
      %shift_right_arithmetic3A_1240 = vector.broadcast %shift_right_arithmetic3A_1239 : i32 to vector<16xi32>
      %shift_right_arithmetic3A_1241 = arith.shrsi %add3A_1238, %shift_right_arithmetic3A_1240 : vector<16xi32>
      %mul3A_1242 = arith.constant 128 : i32
      %mul3A_1243 = arith.muli %scan3A_1136, %mul3A_1242 : i32
      %add3A_1244 = arith.constant 64 : i32
      %add3A_1245 = arith.addi %mul3A_1243, %add3A_1244 : i32
      %swap3A_1246 = arith.index_cast %add3A_1245 : i32 to index
      %swap3A_1247 = tpu.vector_load %arg6[%swap3A_1246] {strides = array<i32>} : memref<3072xi32, #tpu.memory_space<vmem>>, vector<16xi32>,
      tpu.vector_store %arg6[%swap3A_1246], %shift_right_arithmetic3A_1241 {strides = array<i32>} : memref<3072xi32, #tpu.memory_space<vmem>>, vector<16xi32>,
      %mul3A_1248 = arith.constant 128 : i32
      %mul3A_1249 = arith.muli %scan3A_1136, %mul3A_1248 : i32
      %add3A_1250 = arith.addi %mul3A_2, %mul3A_1249 : i32
      %add3A_1251 = arith.constant 80 : i32
      %add3A_1252 = arith.addi %add3A_1250, %add3A_1251 : i32
      %add3A_1253 = vector.broadcast %add3A_1252 : i32 to vector<16xi32>
      %add3A_1254 = arith.addi %add3A_1253, %iota3A : vector<16xi32>
      %mul3A_1255 = arith.constant 85 : i32
      %mul3A_1256 = vector.broadcast %mul3A_1255 : i32 to vector<16xi32>
      %mul3A_1257 = arith.muli %add3A_1254, %mul3A_1256 : vector<16xi32>
      %add3A_1258 = arith.constant 4 : i32
      %add3A_1259 = vector.broadcast %add3A_1258 : i32 to vector<16xi32>
      %add3A_1260 = arith.addi %mul3A_1257, %add3A_1259 : vector<16xi32>
      %shift_right_arithmetic3A_1261 = arith.constant 4 : i32
      %shift_right_arithmetic3A_1262 = vector.broadcast %shift_right_arithmetic3A_1261 : i32 to vector<16xi32>
      %shift_right_arithmetic3A_1263 = arith.shrsi %add3A_1260, %shift_right_arithmetic3A_1262 : vector<16xi32>
      %mul3A_1264 = arith.constant 128 : i32
      %mul3A_1265 = arith.muli %scan3A_1136, %mul3A_1264 : i32
      %add3A_1266 = arith.constant 80 : i32
      %add3A_1267 = arith.addi %mul3A_1265, %add3A_1266 : i32
      %swap3A_1268 = arith.index_cast %add3A_1267 : i32 to index
      %swap3A_1269 = tpu.vector_load %arg6[%swap3A_1268] {strides = array<i32>} : memref<3072xi32, #tpu.memory_space<vmem>>, vector<16xi32>,
      tpu.vector_store %arg6[%swap3A_1268], %shift_right_arithmetic3A_1263 {strides = array<i32>} : memref<3072xi32, #tpu.memory_space<vmem>>, vector<16xi32>,
      %mul3A_1270 = arith.constant 128 : i32
      %mul3A_1271 = arith.muli %scan3A_1136, %mul3A_1270 : i32
      %add3A_1272 = arith.addi %mul3A_2, %mul3A_1271 : i32
      %add3A_1273 = arith.constant 96 : i32
      %add3A_1274 = arith.addi %add3A_1272, %add3A_1273 : i32
      %add3A_1275 = vector.broadcast %add3A_1274 : i32 to vector<16xi32>
      %add3A_1276 = arith.addi %add3A_1275, %iota3A : vector<16xi32>
      %mul3A_1277 = arith.constant 85 : i32
      %mul3A_1278 = vector.broadcast %mul3A_1277 : i32 to vector<16xi32>
      %mul3A_1279 = arith.muli %add3A_1276, %mul3A_1278 : vector<16xi32>
      %add3A_1280 = arith.constant 4 : i32
      %add3A_1281 = vector.broadcast %add3A_1280 : i32 to vector<16xi32>
      %add3A_1282 = arith.addi %mul3A_1279, %add3A_1281 : vector<16xi32>
      %shift_right_arithmetic3A_1283 = arith.constant 4 : i32
      %shift_right_arithmetic3A_1284 = vector.broadcast %shift_right_arithmetic3A_1283 : i32 to vector<16xi32>
      %shift_right_arithmetic3A_1285 = arith.shrsi %add3A_1282, %shift_right_arithmetic3A_1284 : vector<16xi32>
      %mul3A_1286 = arith.constant 128 : i32
      %mul3A_1287 = arith.muli %scan3A_1136, %mul3A_1286 : i32
      %add3A_1288 = arith.constant 96 : i32
      %add3A_1289 = arith.addi %mul3A_1287, %add3A_1288 : i32
      %swap3A_1290 = arith.index_cast %add3A_1289 : i32 to index
      %swap3A_1291 = tpu.vector_load %arg6[%swap3A_1290] {strides = array<i32>} : memref<3072xi32, #tpu.memory_space<vmem>>, vector<16xi32>,
      tpu.vector_store %arg6[%swap3A_1290], %shift_right_arithmetic3A_1285 {strides = array<i32>} : memref<3072xi32, #tpu.memory_space<vmem>>, vector<16xi32>,
      %mul3A_1292 = arith.constant 128 : i32
      %mul3A_1293 = arith.muli %scan3A_1136, %mul3A_1292 : i32
      %add3A_1294 = arith.addi %mul3A_2, %mul3A_1293 : i32
      %add3A_1295 = arith.constant 112 : i32
      %add3A_1296 = arith.addi %add3A_1294, %add3A_1295 : i32
      %add3A_1297 = vector.broadcast %add3A_1296 : i32 to vector<16xi32>
      %add3A_1298 = arith.addi %add3A_1297, %iota3A : vector<16xi32>
      %mul3A_1299 = arith.constant 85 : i32
      %mul3A_1300 = vector.broadcast %mul3A_1299 : i32 to vector<16xi32>
      %mul3A_1301 = arith.muli %add3A_1298, %mul3A_1300 : vector<16xi32>
      %add3A_1302 = arith.constant 4 : i32
      %add3A_1303 = vector.broadcast %add3A_1302 : i32 to vector<16xi32>
      %add3A_1304 = arith.addi %mul3A_1301, %add3A_1303 : vector<16xi32>
      %shift_right_arithmetic3A_1305 = arith.constant 4 : i32
      %shift_right_arithmetic3A_1306 = vector.broadcast %shift_right_arithmetic3A_1305 : i32 to vector<16xi32>
      %shift_right_arithmetic3A_1307 = arith.shrsi %add3A_1304, %shift_right_arithmetic3A_1306 : vector<16xi32>
      %mul3A_1308 = arith.constant 128 : i32
      %mul3A_1309 = arith.muli %scan3A_1136, %mul3A_1308 : i32
      %add3A_1310 = arith.constant 112 : i32
      %add3A_1311 = arith.addi %mul3A_1309, %add3A_1310 : i32
      %swap3A_1312 = arith.index_cast %add3A_1311 : i32 to index
      %swap3A_1313 = tpu.vector_load %arg6[%swap3A_1312] {strides = array<i32>} : memref<3072xi32, #tpu.memory_space<vmem>>, vector<16xi32>,
      tpu.vector_store %arg6[%swap3A_1312], %shift_right_arithmetic3A_1307 {strides = array<i32>} : memref<3072xi32, #tpu.memory_space<vmem>>, vector<16xi32>,
      %scan3A_1314 = arith.constant 0 : i32
      scf.yield %scan3A_1314 : i32
    }
    %scan3A_8 = arith.constant 24 : i32
    %dma_start3A = arith.constant 0 : i32
    %dma_start3A_9 = arith.constant 0 : i32
    %dma_start3A_10 = tpu.memref_slice %arg7[%dma_start3A, %dma_start3A_9] : memref<3072x16xf32, #tpu.memory_space<vmem>> -> memref<128x16xf32, #tpu.memory_space<vmem>>
    %dma_start3A_11 = arith.constant 0 : i32
    %dma_start3A_12 = tpu.memref_slice %arg6[%dma_start3A_11] : memref<3072xi32, #tpu.memory_space<vmem>> -> memref<128xi32, #tpu.memory_space<vmem>>
    %dma_start3A_13 = arith.constant 0 : i32
    %dma_start3A_14 = arith.constant 0 : i32
    %dma_start3A_15 = tpu.memref_slice %arg2[%dma_start3A_13, %dma_start3A_14] : memref<522240x16xf32, #tpu.memory_space<hbm>> -> memref<522240x16xf32, #tpu.memory_space<hbm>>
    tpu.enqueue_indirect_dma source(%dma_start3A_15 : memref<522240x16xf32, #tpu.memory_space<hbm>>) target(%dma_start3A_10 : memref<128x16xf32, #tpu.memory_space<vmem>>) offsets(%dma_start3A_12 : memref<128xi32, #tpu.memory_space<vmem>>) semaphore(%arg13 : memref<!tpu.dma_semaphore, #tpu.memory_space<semaphore_mem>>)
    %dma_start3A_16 = arith.constant 128 : i32
    %dma_start3A_17 = arith.constant 0 : i32
    %dma_start3A_18 = tpu.memref_slice %arg7[%dma_start3A_16, %dma_start3A_17] : memref<3072x16xf32, #tpu.memory_space<vmem>> -> memref<128x16xf32, #tpu.memory_space<vmem>>
    %dma_start3A_19 = arith.constant 128 : i32
    %dma_start3A_20 = tpu.memref_slice %arg6[%dma_start3A_19] : memref<3072xi32, #tpu.memory_space<vmem>> -> memref<128xi32, #tpu.memory_space<vmem>>
    %dma_start3A_21 = arith.constant 0 : i32
    %dma_start3A_22 = arith.constant 0 : i32
    %dma_start3A_23 = tpu.memref_slice %arg2[%dma_start3A_21, %dma_start3A_22] : memref<522240x16xf32, #tpu.memory_space<hbm>> -> memref<522240x16xf32, #tpu.memory_space<hbm>>
    tpu.enqueue_indirect_dma source(%dma_start3A_23 : memref<522240x16xf32, #tpu.memory_space<hbm>>) target(%dma_start3A_18 : memref<128x16xf32, #tpu.memory_space<vmem>>) offsets(%dma_start3A_20 : memref<128xi32, #tpu.memory_space<vmem>>) semaphore(%arg13 : memref<!tpu.dma_semaphore, #tpu.memory_space<semaphore_mem>>)
    %dma_start3A_24 = arith.constant 256 : i32
    %dma_start3A_25 = arith.constant 0 : i32
    %dma_start3A_26 = tpu.memref_slice %arg7[%dma_start3A_24, %dma_start3A_25] : memref<3072x16xf32, #tpu.memory_space<vmem>> -> memref<128x16xf32, #tpu.memory_space<vmem>>
    %dma_start3A_27 = arith.constant 256 : i32
    %dma_start3A_28 = tpu.memref_slice %arg6[%dma_start3A_27] : memref<3072xi32, #tpu.memory_space<vmem>> -> memref<128xi32, #tpu.memory_space<vmem>>
    %dma_start3A_29 = arith.constant 0 : i32
    %dma_start3A_30 = arith.constant 0 : i32
    %dma_start3A_31 = tpu.memref_slice %arg2[%dma_start3A_29, %dma_start3A_30] : memref<522240x16xf32, #tpu.memory_space<hbm>> -> memref<522240x16xf32, #tpu.memory_space<hbm>>
    tpu.enqueue_indirect_dma source(%dma_start3A_31 : memref<522240x16xf32, #tpu.memory_space<hbm>>) target(%dma_start3A_26 : memref<128x16xf32, #tpu.memory_space<vmem>>) offsets(%dma_start3A_28 : memref<128xi32, #tpu.memory_space<vmem>>) semaphore(%arg13 : memref<!tpu.dma_semaphore, #tpu.memory_space<semaphore_mem>>)
    %dma_start3A_32 = arith.constant 384 : i32
    %dma_start3A_33 = arith.constant 0 : i32
    %dma_start3A_34 = tpu.memref_slice %arg7[%dma_start3A_32, %dma_start3A_33] : memref<3072x16xf32, #tpu.memory_space<vmem>> -> memref<128x16xf32, #tpu.memory_space<vmem>>
    %dma_start3A_35 = arith.constant 384 : i32
    %dma_start3A_36 = tpu.memref_slice %arg6[%dma_start3A_35] : memref<3072xi32, #tpu.memory_space<vmem>> -> memref<128xi32, #tpu.memory_space<vmem>>
    %dma_start3A_37 = arith.constant 0 : i32
    %dma_start3A_38 = arith.constant 0 : i32
    %dma_start3A_39 = tpu.memref_slice %arg2[%dma_start3A_37, %dma_start3A_38] : memref<522240x16xf32, #tpu.memory_space<hbm>> -> memref<522240x16xf32, #tpu.memory_space<hbm>>
    tpu.enqueue_indirect_dma source(%dma_start3A_39 : memref<522240x16xf32, #tpu.memory_space<hbm>>) target(%dma_start3A_34 : memref<128x16xf32, #tpu.memory_space<vmem>>) offsets(%dma_start3A_36 : memref<128xi32, #tpu.memory_space<vmem>>) semaphore(%arg13 : memref<!tpu.dma_semaphore, #tpu.memory_space<semaphore_mem>>)
    %dma_start3A_40 = arith.constant 512 : i32
    %dma_start3A_41 = arith.constant 0 : i32
    %dma_start3A_42 = tpu.memref_slice %arg7[%dma_start3A_40, %dma_start3A_41] : memref<3072x16xf32, #tpu.memory_space<vmem>> -> memref<128x16xf32, #tpu.memory_space<vmem>>
    %dma_start3A_43 = arith.constant 512 : i32
    %dma_start3A_44 = tpu.memref_slice %arg6[%dma_start3A_43] : memref<3072xi32, #tpu.memory_space<vmem>> -> memref<128xi32, #tpu.memory_space<vmem>>
    %dma_start3A_45 = arith.constant 0 : i32
    %dma_start3A_46 = arith.constant 0 : i32
    %dma_start3A_47 = tpu.memref_slice %arg2[%dma_start3A_45, %dma_start3A_46] : memref<522240x16xf32, #tpu.memory_space<hbm>> -> memref<522240x16xf32, #tpu.memory_space<hbm>>
    tpu.enqueue_indirect_dma source(%dma_start3A_47 : memref<522240x16xf32, #tpu.memory_space<hbm>>) target(%dma_start3A_42 : memref<128x16xf32, #tpu.memory_space<vmem>>) offsets(%dma_start3A_44 : memref<128xi32, #tpu.memory_space<vmem>>) semaphore(%arg13 : memref<!tpu.dma_semaphore, #tpu.memory_space<semaphore_mem>>)
    %dma_start3A_48 = arith.constant 640 : i32
    %dma_start3A_49 = arith.constant 0 : i32
    %dma_start3A_50 = tpu.memref_slice %arg7[%dma_start3A_48, %dma_start3A_49] : memref<3072x16xf32, #tpu.memory_space<vmem>> -> memref<128x16xf32, #tpu.memory_space<vmem>>
    %dma_start3A_51 = arith.constant 640 : i32
    %dma_start3A_52 = tpu.memref_slice %arg6[%dma_start3A_51] : memref<3072xi32, #tpu.memory_space<vmem>> -> memref<128xi32, #tpu.memory_space<vmem>>
    %dma_start3A_53 = arith.constant 0 : i32
    %dma_start3A_54 = arith.constant 0 : i32
    %dma_start3A_55 = tpu.memref_slice %arg2[%dma_start3A_53, %dma_start3A_54] : memref<522240x16xf32, #tpu.memory_space<hbm>> -> memref<522240x16xf32, #tpu.memory_space<hbm>>
    tpu.enqueue_indirect_dma source(%dma_start3A_55 : memref<522240x16xf32, #tpu.memory_space<hbm>>) target(%dma_start3A_50 : memref<128x16xf32, #tpu.memory_space<vmem>>) offsets(%dma_start3A_52 : memref<128xi32, #tpu.memory_space<vmem>>) semaphore(%arg13 : memref<!tpu.dma_semaphore, #tpu.memory_space<semaphore_mem>>)
    %dma_start3A_56 = arith.constant 768 : i32
    %dma_start3A_57 = arith.constant 0 : i32
    %dma_start3A_58 = tpu.memref_slice %arg7[%dma_start3A_56, %dma_start3A_57] : memref<3072x16xf32, #tpu.memory_space<vmem>> -> memref<128x16xf32, #tpu.memory_space<vmem>>
    %dma_start3A_59 = arith.constant 768 : i32
    %dma_start3A_60 = tpu.memref_slice %arg6[%dma_start3A_59] : memref<3072xi32, #tpu.memory_space<vmem>> -> memref<128xi32, #tpu.memory_space<vmem>>
    %dma_start3A_61 = arith.constant 0 : i32
    %dma_start3A_62 = arith.constant 0 : i32
    %dma_start3A_63 = tpu.memref_slice %arg2[%dma_start3A_61, %dma_start3A_62] : memref<522240x16xf32, #tpu.memory_space<hbm>> -> memref<522240x16xf32, #tpu.memory_space<hbm>>
    tpu.enqueue_indirect_dma source(%dma_start3A_63 : memref<522240x16xf32, #tpu.memory_space<hbm>>) target(%dma_start3A_58 : memref<128x16xf32, #tpu.memory_space<vmem>>) offsets(%dma_start3A_60 : memref<128xi32, #tpu.memory_space<vmem>>) semaphore(%arg13 : memref<!tpu.dma_semaphore, #tpu.memory_space<semaphore_mem>>)
    %dma_start3A_64 = arith.constant 896 : i32
    %dma_start3A_65 = arith.constant 0 : i32
    %dma_start3A_66 = tpu.memref_slice %arg7[%dma_start3A_64, %dma_start3A_65] : memref<3072x16xf32, #tpu.memory_space<vmem>> -> memref<128x16xf32, #tpu.memory_space<vmem>>
    %dma_start3A_67 = arith.constant 896 : i32
    %dma_start3A_68 = tpu.memref_slice %arg6[%dma_start3A_67] : memref<3072xi32, #tpu.memory_space<vmem>> -> memref<128xi32, #tpu.memory_space<vmem>>
    %dma_start3A_69 = arith.constant 0 : i32
    %dma_start3A_70 = arith.constant 0 : i32
    %dma_start3A_71 = tpu.memref_slice %arg2[%dma_start3A_69, %dma_start3A_70] : memref<522240x16xf32, #tpu.memory_space<hbm>> -> memref<522240x16xf32, #tpu.memory_space<hbm>>
    tpu.enqueue_indirect_dma source(%dma_start3A_71 : memref<522240x16xf32, #tpu.memory_space<hbm>>) target(%dma_start3A_66 : memref<128x16xf32, #tpu.memory_space<vmem>>) offsets(%dma_start3A_68 : memref<128xi32, #tpu.memory_space<vmem>>) semaphore(%arg13 : memref<!tpu.dma_semaphore, #tpu.memory_space<semaphore_mem>>)
    %dma_start3A_72 = arith.constant 1024 : i32
    %dma_start3A_73 = arith.constant 0 : i32
    %dma_start3A_74 = tpu.memref_slice %arg7[%dma_start3A_72, %dma_start3A_73] : memref<3072x16xf32, #tpu.memory_space<vmem>> -> memref<128x16xf32, #tpu.memory_space<vmem>>
    %dma_start3A_75 = arith.constant 1024 : i32
    %dma_start3A_76 = tpu.memref_slice %arg6[%dma_start3A_75] : memref<3072xi32, #tpu.memory_space<vmem>> -> memref<128xi32, #tpu.memory_space<vmem>>
    %dma_start3A_77 = arith.constant 0 : i32
    %dma_start3A_78 = arith.constant 0 : i32
    %dma_start3A_79 = tpu.memref_slice %arg2[%dma_start3A_77, %dma_start3A_78] : memref<522240x16xf32, #tpu.memory_space<hbm>> -> memref<522240x16xf32, #tpu.memory_space<hbm>>
    tpu.enqueue_indirect_dma source(%dma_start3A_79 : memref<522240x16xf32, #tpu.memory_space<hbm>>) target(%dma_start3A_74 : memref<128x16xf32, #tpu.memory_space<vmem>>) offsets(%dma_start3A_76 : memref<128xi32, #tpu.memory_space<vmem>>) semaphore(%arg13 : memref<!tpu.dma_semaphore, #tpu.memory_space<semaphore_mem>>)
    %dma_start3A_80 = arith.constant 1152 : i32
    %dma_start3A_81 = arith.constant 0 : i32
    %dma_start3A_82 = tpu.memref_slice %arg7[%dma_start3A_80, %dma_start3A_81] : memref<3072x16xf32, #tpu.memory_space<vmem>> -> memref<128x16xf32, #tpu.memory_space<vmem>>
    %dma_start3A_83 = arith.constant 1152 : i32
    %dma_start3A_84 = tpu.memref_slice %arg6[%dma_start3A_83] : memref<3072xi32, #tpu.memory_space<vmem>> -> memref<128xi32, #tpu.memory_space<vmem>>
    %dma_start3A_85 = arith.constant 0 : i32
    %dma_start3A_86 = arith.constant 0 : i32
    %dma_start3A_87 = tpu.memref_slice %arg2[%dma_start3A_85, %dma_start3A_86] : memref<522240x16xf32, #tpu.memory_space<hbm>> -> memref<522240x16xf32, #tpu.memory_space<hbm>>
    tpu.enqueue_indirect_dma source(%dma_start3A_87 : memref<522240x16xf32, #tpu.memory_space<hbm>>) target(%dma_start3A_82 : memref<128x16xf32, #tpu.memory_space<vmem>>) offsets(%dma_start3A_84 : memref<128xi32, #tpu.memory_space<vmem>>) semaphore(%arg13 : memref<!tpu.dma_semaphore, #tpu.memory_space<semaphore_mem>>)
    %dma_start3A_88 = arith.constant 1280 : i32
    %dma_start3A_89 = arith.constant 0 : i32
    %dma_start3A_90 = tpu.memref_slice %arg7[%dma_start3A_88, %dma_start3A_89] : memref<3072x16xf32, #tpu.memory_space<vmem>> -> memref<128x16xf32, #tpu.memory_space<vmem>>
    %dma_start3A_91 = arith.constant 1280 : i32
    %dma_start3A_92 = tpu.memref_slice %arg6[%dma_start3A_91] : memref<3072xi32, #tpu.memory_space<vmem>> -> memref<128xi32, #tpu.memory_space<vmem>>
    %dma_start3A_93 = arith.constant 0 : i32
    %dma_start3A_94 = arith.constant 0 : i32
    %dma_start3A_95 = tpu.memref_slice %arg2[%dma_start3A_93, %dma_start3A_94] : memref<522240x16xf32, #tpu.memory_space<hbm>> -> memref<522240x16xf32, #tpu.memory_space<hbm>>
    tpu.enqueue_indirect_dma source(%dma_start3A_95 : memref<522240x16xf32, #tpu.memory_space<hbm>>) target(%dma_start3A_90 : memref<128x16xf32, #tpu.memory_space<vmem>>) offsets(%dma_start3A_92 : memref<128xi32, #tpu.memory_space<vmem>>) semaphore(%arg13 : memref<!tpu.dma_semaphore, #tpu.memory_space<semaphore_mem>>)
    %dma_start3A_96 = arith.constant 1408 : i32
    %dma_start3A_97 = arith.constant 0 : i32
    %dma_start3A_98 = tpu.memref_slice %arg7[%dma_start3A_96, %dma_start3A_97] : memref<3072x16xf32, #tpu.memory_space<vmem>> -> memref<128x16xf32, #tpu.memory_space<vmem>>
    %dma_start3A_99 = arith.constant 1408 : i32
    %dma_start3A_100 = tpu.memref_slice %arg6[%dma_start3A_99] : memref<3072xi32, #tpu.memory_space<vmem>> -> memref<128xi32, #tpu.memory_space<vmem>>
    %dma_start3A_101 = arith.constant 0 : i32
    %dma_start3A_102 = arith.constant 0 : i32
    %dma_start3A_103 = tpu.memref_slice %arg2[%dma_start3A_101, %dma_start3A_102] : memref<522240x16xf32, #tpu.memory_space<hbm>> -> memref<522240x16xf32, #tpu.memory_space<hbm>>
    tpu.enqueue_indirect_dma source(%dma_start3A_103 : memref<522240x16xf32, #tpu.memory_space<hbm>>) target(%dma_start3A_98 : memref<128x16xf32, #tpu.memory_space<vmem>>) offsets(%dma_start3A_100 : memref<128xi32, #tpu.memory_space<vmem>>) semaphore(%arg13 : memref<!tpu.dma_semaphore, #tpu.memory_space<semaphore_mem>>)
    %dma_start3A_104 = arith.constant 1536 : i32
    %dma_start3A_105 = arith.constant 0 : i32
    %dma_start3A_106 = tpu.memref_slice %arg7[%dma_start3A_104, %dma_start3A_105] : memref<3072x16xf32, #tpu.memory_space<vmem>> -> memref<128x16xf32, #tpu.memory_space<vmem>>
    %dma_start3A_107 = arith.constant 1536 : i32
    %dma_start3A_108 = tpu.memref_slice %arg6[%dma_start3A_107] : memref<3072xi32, #tpu.memory_space<vmem>> -> memref<128xi32, #tpu.memory_space<vmem>>
    %dma_start3A_109 = arith.constant 0 : i32
    %dma_start3A_110 = arith.constant 0 : i32
    %dma_start3A_111 = tpu.memref_slice %arg2[%dma_start3A_109, %dma_start3A_110] : memref<522240x16xf32, #tpu.memory_space<hbm>> -> memref<522240x16xf32, #tpu.memory_space<hbm>>
    tpu.enqueue_indirect_dma source(%dma_start3A_111 : memref<522240x16xf32, #tpu.memory_space<hbm>>) target(%dma_start3A_106 : memref<128x16xf32, #tpu.memory_space<vmem>>) offsets(%dma_start3A_108 : memref<128xi32, #tpu.memory_space<vmem>>) semaphore(%arg13 : memref<!tpu.dma_semaphore, #tpu.memory_space<semaphore_mem>>)
    %dma_start3A_112 = arith.constant 1664 : i32
    %dma_start3A_113 = arith.constant 0 : i32
    %dma_start3A_114 = tpu.memref_slice %arg7[%dma_start3A_112, %dma_start3A_113] : memref<3072x16xf32, #tpu.memory_space<vmem>> -> memref<128x16xf32, #tpu.memory_space<vmem>>
    %dma_start3A_115 = arith.constant 1664 : i32
    %dma_start3A_116 = tpu.memref_slice %arg6[%dma_start3A_115] : memref<3072xi32, #tpu.memory_space<vmem>> -> memref<128xi32, #tpu.memory_space<vmem>>
    %dma_start3A_117 = arith.constant 0 : i32
    %dma_start3A_118 = arith.constant 0 : i32
    %dma_start3A_119 = tpu.memref_slice %arg2[%dma_start3A_117, %dma_start3A_118] : memref<522240x16xf32, #tpu.memory_space<hbm>> -> memref<522240x16xf32, #tpu.memory_space<hbm>>
    tpu.enqueue_indirect_dma source(%dma_start3A_119 : memref<522240x16xf32, #tpu.memory_space<hbm>>) target(%dma_start3A_114 : memref<128x16xf32, #tpu.memory_space<vmem>>) offsets(%dma_start3A_116 : memref<128xi32, #tpu.memory_space<vmem>>) semaphore(%arg13 : memref<!tpu.dma_semaphore, #tpu.memory_space<semaphore_mem>>)
    %dma_start3A_120 = arith.constant 1792 : i32
    %dma_start3A_121 = arith.constant 0 : i32
    %dma_start3A_122 = tpu.memref_slice %arg7[%dma_start3A_120, %dma_start3A_121] : memref<3072x16xf32, #tpu.memory_space<vmem>> -> memref<128x16xf32, #tpu.memory_space<vmem>>
    %dma_start3A_123 = arith.constant 1792 : i32
    %dma_start3A_124 = tpu.memref_slice %arg6[%dma_start3A_123] : memref<3072xi32, #tpu.memory_space<vmem>> -> memref<128xi32, #tpu.memory_space<vmem>>
    %dma_start3A_125 = arith.constant 0 : i32
    %dma_start3A_126 = arith.constant 0 : i32
    %dma_start3A_127 = tpu.memref_slice %arg2[%dma_start3A_125, %dma_start3A_126] : memref<522240x16xf32, #tpu.memory_space<hbm>> -> memref<522240x16xf32, #tpu.memory_space<hbm>>
    tpu.enqueue_indirect_dma source(%dma_start3A_127 : memref<522240x16xf32, #tpu.memory_space<hbm>>) target(%dma_start3A_122 : memref<128x16xf32, #tpu.memory_space<vmem>>) offsets(%dma_start3A_124 : memref<128xi32, #tpu.memory_space<vmem>>) semaphore(%arg13 : memref<!tpu.dma_semaphore, #tpu.memory_space<semaphore_mem>>)
    %dma_start3A_128 = arith.constant 1920 : i32
    %dma_start3A_129 = arith.constant 0 : i32
    %dma_start3A_130 = tpu.memref_slice %arg7[%dma_start3A_128, %dma_start3A_129] : memref<3072x16xf32, #tpu.memory_space<vmem>> -> memref<128x16xf32, #tpu.memory_space<vmem>>
    %dma_start3A_131 = arith.constant 1920 : i32
    %dma_start3A_132 = tpu.memref_slice %arg6[%dma_start3A_131] : memref<3072xi32, #tpu.memory_space<vmem>> -> memref<128xi32, #tpu.memory_space<vmem>>
    %dma_start3A_133 = arith.constant 0 : i32
    %dma_start3A_134 = arith.constant 0 : i32
    %dma_start3A_135 = tpu.memref_slice %arg2[%dma_start3A_133, %dma_start3A_134] : memref<522240x16xf32, #tpu.memory_space<hbm>> -> memref<522240x16xf32, #tpu.memory_space<hbm>>
    tpu.enqueue_indirect_dma source(%dma_start3A_135 : memref<522240x16xf32, #tpu.memory_space<hbm>>) target(%dma_start3A_130 : memref<128x16xf32, #tpu.memory_space<vmem>>) offsets(%dma_start3A_132 : memref<128xi32, #tpu.memory_space<vmem>>) semaphore(%arg13 : memref<!tpu.dma_semaphore, #tpu.memory_space<semaphore_mem>>)
    %dma_start3A_136 = arith.constant 2048 : i32
    %dma_start3A_137 = arith.constant 0 : i32
    %dma_start3A_138 = tpu.memref_slice %arg7[%dma_start3A_136, %dma_start3A_137] : memref<3072x16xf32, #tpu.memory_space<vmem>> -> memref<128x16xf32, #tpu.memory_space<vmem>>
    %dma_start3A_139 = arith.constant 2048 : i32
    %dma_start3A_140 = tpu.memref_slice %arg6[%dma_start3A_139] : memref<3072xi32, #tpu.memory_space<vmem>> -> memref<128xi32, #tpu.memory_space<vmem>>
    %dma_start3A_141 = arith.constant 0 : i32
    %dma_start3A_142 = arith.constant 0 : i32
    %dma_start3A_143 = tpu.memref_slice %arg2[%dma_start3A_141, %dma_start3A_142] : memref<522240x16xf32, #tpu.memory_space<hbm>> -> memref<522240x16xf32, #tpu.memory_space<hbm>>
    tpu.enqueue_indirect_dma source(%dma_start3A_143 : memref<522240x16xf32, #tpu.memory_space<hbm>>) target(%dma_start3A_138 : memref<128x16xf32, #tpu.memory_space<vmem>>) offsets(%dma_start3A_140 : memref<128xi32, #tpu.memory_space<vmem>>) semaphore(%arg13 : memref<!tpu.dma_semaphore, #tpu.memory_space<semaphore_mem>>)
    %dma_start3A_144 = arith.constant 2176 : i32
    %dma_start3A_145 = arith.constant 0 : i32
    %dma_start3A_146 = tpu.memref_slice %arg7[%dma_start3A_144, %dma_start3A_145] : memref<3072x16xf32, #tpu.memory_space<vmem>> -> memref<128x16xf32, #tpu.memory_space<vmem>>
    %dma_start3A_147 = arith.constant 2176 : i32
    %dma_start3A_148 = tpu.memref_slice %arg6[%dma_start3A_147] : memref<3072xi32, #tpu.memory_space<vmem>> -> memref<128xi32, #tpu.memory_space<vmem>>
    %dma_start3A_149 = arith.constant 0 : i32
    %dma_start3A_150 = arith.constant 0 : i32
    %dma_start3A_151 = tpu.memref_slice %arg2[%dma_start3A_149, %dma_start3A_150] : memref<522240x16xf32, #tpu.memory_space<hbm>> -> memref<522240x16xf32, #tpu.memory_space<hbm>>
    tpu.enqueue_indirect_dma source(%dma_start3A_151 : memref<522240x16xf32, #tpu.memory_space<hbm>>) target(%dma_start3A_146 : memref<128x16xf32, #tpu.memory_space<vmem>>) offsets(%dma_start3A_148 : memref<128xi32, #tpu.memory_space<vmem>>) semaphore(%arg13 : memref<!tpu.dma_semaphore, #tpu.memory_space<semaphore_mem>>)
    %dma_start3A_152 = arith.constant 2304 : i32
    %dma_start3A_153 = arith.constant 0 : i32
    %dma_start3A_154 = tpu.memref_slice %arg7[%dma_start3A_152, %dma_start3A_153] : memref<3072x16xf32, #tpu.memory_space<vmem>> -> memref<128x16xf32, #tpu.memory_space<vmem>>
    %dma_start3A_155 = arith.constant 2304 : i32
    %dma_start3A_156 = tpu.memref_slice %arg6[%dma_start3A_155] : memref<3072xi32, #tpu.memory_space<vmem>> -> memref<128xi32, #tpu.memory_space<vmem>>
    %dma_start3A_157 = arith.constant 0 : i32
    %dma_start3A_158 = arith.constant 0 : i32
    %dma_start3A_159 = tpu.memref_slice %arg2[%dma_start3A_157, %dma_start3A_158] : memref<522240x16xf32, #tpu.memory_space<hbm>> -> memref<522240x16xf32, #tpu.memory_space<hbm>>
    tpu.enqueue_indirect_dma source(%dma_start3A_159 : memref<522240x16xf32, #tpu.memory_space<hbm>>) target(%dma_start3A_154 : memref<128x16xf32, #tpu.memory_space<vmem>>) offsets(%dma_start3A_156 : memref<128xi32, #tpu.memory_space<vmem>>) semaphore(%arg13 : memref<!tpu.dma_semaphore, #tpu.memory_space<semaphore_mem>>)
    %dma_start3A_160 = arith.constant 2432 : i32
    %dma_start3A_161 = arith.constant 0 : i32
    %dma_start3A_162 = tpu.memref_slice %arg7[%dma_start3A_160, %dma_start3A_161] : memref<3072x16xf32, #tpu.memory_space<vmem>> -> memref<128x16xf32, #tpu.memory_space<vmem>>
    %dma_start3A_163 = arith.constant 2432 : i32
    %dma_start3A_164 = tpu.memref_slice %arg6[%dma_start3A_163] : memref<3072xi32, #tpu.memory_space<vmem>> -> memref<128xi32, #tpu.memory_space<vmem>>
    %dma_start3A_165 = arith.constant 0 : i32
    %dma_start3A_166 = arith.constant 0 : i32
    %dma_start3A_167 = tpu.memref_slice %arg2[%dma_start3A_165, %dma_start3A_166] : memref<522240x16xf32, #tpu.memory_space<hbm>> -> memref<522240x16xf32, #tpu.memory_space<hbm>>
    tpu.enqueue_indirect_dma source(%dma_start3A_167 : memref<522240x16xf32, #tpu.memory_space<hbm>>) target(%dma_start3A_162 : memref<128x16xf32, #tpu.memory_space<vmem>>) offsets(%dma_start3A_164 : memref<128xi32, #tpu.memory_space<vmem>>) semaphore(%arg13 : memref<!tpu.dma_semaphore, #tpu.memory_space<semaphore_mem>>)
    %dma_start3A_168 = arith.constant 2560 : i32
    %dma_start3A_169 = arith.constant 0 : i32
    %dma_start3A_170 = tpu.memref_slice %arg7[%dma_start3A_168, %dma_start3A_169] : memref<3072x16xf32, #tpu.memory_space<vmem>> -> memref<128x16xf32, #tpu.memory_space<vmem>>
    %dma_start3A_171 = arith.constant 2560 : i32
    %dma_start3A_172 = tpu.memref_slice %arg6[%dma_start3A_171] : memref<3072xi32, #tpu.memory_space<vmem>> -> memref<128xi32, #tpu.memory_space<vmem>>
    %dma_start3A_173 = arith.constant 0 : i32
    %dma_start3A_174 = arith.constant 0 : i32
    %dma_start3A_175 = tpu.memref_slice %arg2[%dma_start3A_173, %dma_start3A_174] : memref<522240x16xf32, #tpu.memory_space<hbm>> -> memref<522240x16xf32, #tpu.memory_space<hbm>>
    tpu.enqueue_indirect_dma source(%dma_start3A_175 : memref<522240x16xf32, #tpu.memory_space<hbm>>) target(%dma_start3A_170 : memref<128x16xf32, #tpu.memory_space<vmem>>) offsets(%dma_start3A_172 : memref<128xi32, #tpu.memory_space<vmem>>) semaphore(%arg13 : memref<!tpu.dma_semaphore, #tpu.memory_space<semaphore_mem>>)
    %dma_start3A_176 = arith.constant 2688 : i32
    %dma_start3A_177 = arith.constant 0 : i32
    %dma_start3A_178 = tpu.memref_slice %arg7[%dma_start3A_176, %dma_start3A_177] : memref<3072x16xf32, #tpu.memory_space<vmem>> -> memref<128x16xf32, #tpu.memory_space<vmem>>
    %dma_start3A_179 = arith.constant 2688 : i32
    %dma_start3A_180 = tpu.memref_slice %arg6[%dma_start3A_179] : memref<3072xi32, #tpu.memory_space<vmem>> -> memref<128xi32, #tpu.memory_space<vmem>>
    %dma_start3A_181 = arith.constant 0 : i32
    %dma_start3A_182 = arith.constant 0 : i32
    %dma_start3A_183 = tpu.memref_slice %arg2[%dma_start3A_181, %dma_start3A_182] : memref<522240x16xf32, #tpu.memory_space<hbm>> -> memref<522240x16xf32, #tpu.memory_space<hbm>>
    tpu.enqueue_indirect_dma source(%dma_start3A_183 : memref<522240x16xf32, #tpu.memory_space<hbm>>) target(%dma_start3A_178 : memref<128x16xf32, #tpu.memory_space<vmem>>) offsets(%dma_start3A_180 : memref<128xi32, #tpu.memory_space<vmem>>) semaphore(%arg13 : memref<!tpu.dma_semaphore, #tpu.memory_space<semaphore_mem>>)
    %dma_start3A_184 = arith.constant 2816 : i32
    %dma_start3A_185 = arith.constant 0 : i32
    %dma_start3A_186 = tpu.memref_slice %arg7[%dma_start3A_184, %dma_start3A_185] : memref<3072x16xf32, #tpu.memory_space<vmem>> -> memref<128x16xf32, #tpu.memory_space<vmem>>
    %dma_start3A_187 = arith.constant 2816 : i32
    %dma_start3A_188 = tpu.memref_slice %arg6[%dma_start3A_187] : memref<3072xi32, #tpu.memory_space<vmem>> -> memref<128xi32, #tpu.memory_space<vmem>>
    %dma_start3A_189 = arith.constant 0 : i32
    %dma_start3A_190 = arith.constant 0 : i32
    %dma_start3A_191 = tpu.memref_slice %arg2[%dma_start3A_189, %dma_start3A_190] : memref<522240x16xf32, #tpu.memory_space<hbm>> -> memref<522240x16xf32, #tpu.memory_space<hbm>>
    tpu.enqueue_indirect_dma source(%dma_start3A_191 : memref<522240x16xf32, #tpu.memory_space<hbm>>) target(%dma_start3A_186 : memref<128x16xf32, #tpu.memory_space<vmem>>) offsets(%dma_start3A_188 : memref<128xi32, #tpu.memory_space<vmem>>) semaphore(%arg13 : memref<!tpu.dma_semaphore, #tpu.memory_space<semaphore_mem>>)
    %dma_start3A_192 = arith.constant 2944 : i32
    %dma_start3A_193 = arith.constant 0 : i32
    %dma_start3A_194 = tpu.memref_slice %arg7[%dma_start3A_192, %dma_start3A_193] : memref<3072x16xf32, #tpu.memory_space<vmem>> -> memref<128x16xf32, #tpu.memory_space<vmem>>
    %dma_start3A_195 = arith.constant 2944 : i32
    %dma_start3A_196 = tpu.memref_slice %arg6[%dma_start3A_195] : memref<3072xi32, #tpu.memory_space<vmem>> -> memref<128xi32, #tpu.memory_space<vmem>>
    %dma_start3A_197 = arith.constant 0 : i32
    %dma_start3A_198 = arith.constant 0 : i32
    %dma_start3A_199 = tpu.memref_slice %arg2[%dma_start3A_197, %dma_start3A_198] : memref<522240x16xf32, #tpu.memory_space<hbm>> -> memref<522240x16xf32, #tpu.memory_space<hbm>>
    tpu.enqueue_indirect_dma source(%dma_start3A_199 : memref<522240x16xf32, #tpu.memory_space<hbm>>) target(%dma_start3A_194 : memref<128x16xf32, #tpu.memory_space<vmem>>) offsets(%dma_start3A_196 : memref<128xi32, #tpu.memory_space<vmem>>) semaphore(%arg13 : memref<!tpu.dma_semaphore, #tpu.memory_space<semaphore_mem>>)
    "tpu.region"() ({
      %run_scoped3A = tpu.sem_alloc : memref<!tpu.dma_semaphore, #tpu.memory_space<semaphore_mem>>
      tpu.enqueue_dma source(%arg3 : memref<160xi32, #tpu.memory_space<hbm>>) target(%arg9 : memref<160xi32, #tpu.memory_space<vmem>>) target_semaphore(%run_scoped3A : memref<!tpu.dma_semaphore, #tpu.memory_space<semaphore_mem>>)
      tpu.wait_dma2 semaphore(%run_scoped3A : memref<!tpu.dma_semaphore, #tpu.memory_space<semaphore_mem>>) src(%arg3 : memref<160xi32, #tpu.memory_space<hbm>>) dst(%arg9 : memref<160xi32, #tpu.memory_space<vmem>>)
      tpu.yield
    }) : () -> ()
    %mul3A_200 = arith.constant 5 : i32
    %mul3A_201 = arith.muli %add3A, %mul3A_200 : i32
    %add3A_202 = arith.constant 0 : i32
    %add3A_203 = arith.addi %mul3A_201, %add3A_202 : i32
    %broadcast_in_dim3A = arith.constant 0 : i32
    %broadcast_in_dim3A_204 = vector.broadcast %broadcast_in_dim3A : i32 to vector<16xi32>
    %add3A_205 = vector.broadcast %add3A_203 : i32 to vector<16xi32>
    %add3A_206 = arith.addi %broadcast_in_dim3A_204, %add3A_205 : vector<16xi32>
    %gather3A = tpu.vector_load_idx %arg9[%add3A_206] : memref<160xi32, #tpu.memory_space<vmem>>[vector<16xi32>], vector<16xi32>,
    %mul3A_207 = arith.constant 85 : i32
    %mul3A_208 = vector.broadcast %mul3A_207 : i32 to vector<16xi32>
    %mul3A_209 = arith.muli %gather3A, %mul3A_208 : vector<16xi32>
    %shift_right_arithmetic3A = arith.constant 4 : i32
    %shift_right_arithmetic3A_210 = vector.broadcast %shift_right_arithmetic3A : i32 to vector<16xi32>
    %shift_right_arithmetic3A_211 = arith.shrsi %mul3A_209, %shift_right_arithmetic3A_210 : vector<16xi32>
    %add3A_212 = arith.addi %shift_right_arithmetic3A_211, %iota3A : vector<16xi32>
    %min3A = arith.constant 522239 : i32
    %min3A_213 = vector.broadcast %min3A : i32 to vector<16xi32>
    %min3A_214 = arith.minsi %add3A_212, %min3A_213 : vector<16xi32>
    %swap3A = arith.constant 0 : index
    %swap3A_215 = tpu.vector_load %arg10[%swap3A] {strides = array<i32>} : memref<80xi32, #tpu.memory_space<vmem>>, vector<16xi32>,
    tpu.vector_store %arg10[%swap3A], %min3A_214 {strides = array<i32>} : memref<80xi32, #tpu.memory_space<vmem>>, vector<16xi32>,
    %mul3A_216 = arith.constant 5 : i32
    %mul3A_217 = arith.muli %add3A, %mul3A_216 : i32
    %add3A_218 = arith.constant 1 : i32
    %add3A_219 = arith.addi %mul3A_217, %add3A_218 : i32
    %broadcast_in_dim3A_220 = arith.constant 0 : i32
    %broadcast_in_dim3A_221 = vector.broadcast %broadcast_in_dim3A_220 : i32 to vector<16xi32>
    %add3A_222 = vector.broadcast %add3A_219 : i32 to vector<16xi32>
    %add3A_223 = arith.addi %broadcast_in_dim3A_221, %add3A_222 : vector<16xi32>
    %gather3A_224 = tpu.vector_load_idx %arg9[%add3A_223] : memref<160xi32, #tpu.memory_space<vmem>>[vector<16xi32>], vector<16xi32>,
    %mul3A_225 = arith.constant 85 : i32
    %mul3A_226 = vector.broadcast %mul3A_225 : i32 to vector<16xi32>
    %mul3A_227 = arith.muli %gather3A_224, %mul3A_226 : vector<16xi32>
    %shift_right_arithmetic3A_228 = arith.constant 4 : i32
    %shift_right_arithmetic3A_229 = vector.broadcast %shift_right_arithmetic3A_228 : i32 to vector<16xi32>
    %shift_right_arithmetic3A_230 = arith.shrsi %mul3A_227, %shift_right_arithmetic3A_229 : vector<16xi32>
    %add3A_231 = arith.addi %shift_right_arithmetic3A_230, %iota3A : vector<16xi32>
    %min3A_232 = arith.constant 522239 : i32
    %min3A_233 = vector.broadcast %min3A_232 : i32 to vector<16xi32>
    %min3A_234 = arith.minsi %add3A_231, %min3A_233 : vector<16xi32>
    %swap3A_235 = arith.constant 16 : index
    %swap3A_236 = tpu.vector_load %arg10[%swap3A_235] {strides = array<i32>} : memref<80xi32, #tpu.memory_space<vmem>>, vector<16xi32>,
    tpu.vector_store %arg10[%swap3A_235], %min3A_234 {strides = array<i32>} : memref<80xi32, #tpu.memory_space<vmem>>, vector<16xi32>,
    %mul3A_237 = arith.constant 5 : i32
    %mul3A_238 = arith.muli %add3A, %mul3A_237 : i32
    %add3A_239 = arith.constant 2 : i32
    %add3A_240 = arith.addi %mul3A_238, %add3A_239 : i32
    %broadcast_in_dim3A_241 = arith.constant 0 : i32
    %broadcast_in_dim3A_242 = vector.broadcast %broadcast_in_dim3A_241 : i32 to vector<16xi32>
    %add3A_243 = vector.broadcast %add3A_240 : i32 to vector<16xi32>
    %add3A_244 = arith.addi %broadcast_in_dim3A_242, %add3A_243 : vector<16xi32>
    %gather3A_245 = tpu.vector_load_idx %arg9[%add3A_244] : memref<160xi32, #tpu.memory_space<vmem>>[vector<16xi32>], vector<16xi32>,
    %mul3A_246 = arith.constant 85 : i32
    %mul3A_247 = vector.broadcast %mul3A_246 : i32 to vector<16xi32>
    %mul3A_248 = arith.muli %gather3A_245, %mul3A_247 : vector<16xi32>
    %shift_right_arithmetic3A_249 = arith.constant 4 : i32
    %shift_right_arithmetic3A_250 = vector.broadcast %shift_right_arithmetic3A_249 : i32 to vector<16xi32>
    %shift_right_arithmetic3A_251 = arith.shrsi %mul3A_248, %shift_right_arithmetic3A_250 : vector<16xi32>
    %add3A_252 = arith.addi %shift_right_arithmetic3A_251, %iota3A : vector<16xi32>
    %min3A_253 = arith.constant 522239 : i32
    %min3A_254 = vector.broadcast %min3A_253 : i32 to vector<16xi32>
    %min3A_255 = arith.minsi %add3A_252, %min3A_254 : vector<16xi32>
    %swap3A_256 = arith.constant 32 : index
    %swap3A_257 = tpu.vector_load %arg10[%swap3A_256] {strides = array<i32>} : memref<80xi32, #tpu.memory_space<vmem>>, vector<16xi32>,
    tpu.vector_store %arg10[%swap3A_256], %min3A_255 {strides = array<i32>} : memref<80xi32, #tpu.memory_space<vmem>>, vector<16xi32>,
    %mul3A_258 = arith.constant 5 : i32
    %mul3A_259 = arith.muli %add3A, %mul3A_258 : i32
    %add3A_260 = arith.constant 3 : i32
    %add3A_261 = arith.addi %mul3A_259, %add3A_260 : i32
    %broadcast_in_dim3A_262 = arith.constant 0 : i32
    %broadcast_in_dim3A_263 = vector.broadcast %broadcast_in_dim3A_262 : i32 to vector<16xi32>
    %add3A_264 = vector.broadcast %add3A_261 : i32 to vector<16xi32>
    %add3A_265 = arith.addi %broadcast_in_dim3A_263, %add3A_264 : vector<16xi32>
    %gather3A_266 = tpu.vector_load_idx %arg9[%add3A_265] : memref<160xi32, #tpu.memory_space<vmem>>[vector<16xi32>], vector<16xi32>,
    %mul3A_267 = arith.constant 85 : i32
    %mul3A_268 = vector.broadcast %mul3A_267 : i32 to vector<16xi32>
    %mul3A_269 = arith.muli %gather3A_266, %mul3A_268 : vector<16xi32>
    %shift_right_arithmetic3A_270 = arith.constant 4 : i32
    %shift_right_arithmetic3A_271 = vector.broadcast %shift_right_arithmetic3A_270 : i32 to vector<16xi32>
    %shift_right_arithmetic3A_272 = arith.shrsi %mul3A_269, %shift_right_arithmetic3A_271 : vector<16xi32>
    %add3A_273 = arith.addi %shift_right_arithmetic3A_272, %iota3A : vector<16xi32>
    %min3A_274 = arith.constant 522239 : i32
    %min3A_275 = vector.broadcast %min3A_274 : i32 to vector<16xi32>
    %min3A_276 = arith.minsi %add3A_273, %min3A_275 : vector<16xi32>
    %swap3A_277 = arith.constant 48 : index
    %swap3A_278 = tpu.vector_load %arg10[%swap3A_277] {strides = array<i32>} : memref<80xi32, #tpu.memory_space<vmem>>, vector<16xi32>,
    tpu.vector_store %arg10[%swap3A_277], %min3A_276 {strides = array<i32>} : memref<80xi32, #tpu.memory_space<vmem>>, vector<16xi32>,
    %mul3A_279 = arith.constant 5 : i32
    %mul3A_280 = arith.muli %add3A, %mul3A_279 : i32
    %add3A_281 = arith.constant 4 : i32
    %add3A_282 = arith.addi %mul3A_280, %add3A_281 : i32
    %broadcast_in_dim3A_283 = arith.constant 0 : i32
    %broadcast_in_dim3A_284 = vector.broadcast %broadcast_in_dim3A_283 : i32 to vector<16xi32>
    %add3A_285 = vector.broadcast %add3A_282 : i32 to vector<16xi32>
    %add3A_286 = arith.addi %broadcast_in_dim3A_284, %add3A_285 : vector<16xi32>
    %gather3A_287 = tpu.vector_load_idx %arg9[%add3A_286] : memref<160xi32, #tpu.memory_space<vmem>>[vector<16xi32>], vector<16xi32>,
    %mul3A_288 = arith.constant 85 : i32
    %mul3A_289 = vector.broadcast %mul3A_288 : i32 to vector<16xi32>
    %mul3A_290 = arith.muli %gather3A_287, %mul3A_289 : vector<16xi32>
    %shift_right_arithmetic3A_291 = arith.constant 4 : i32
    %shift_right_arithmetic3A_292 = vector.broadcast %shift_right_arithmetic3A_291 : i32 to vector<16xi32>
    %shift_right_arithmetic3A_293 = arith.shrsi %mul3A_290, %shift_right_arithmetic3A_292 : vector<16xi32>
    %add3A_294 = arith.addi %shift_right_arithmetic3A_293, %iota3A : vector<16xi32>
    %min3A_295 = arith.constant 522239 : i32
    %min3A_296 = vector.broadcast %min3A_295 : i32 to vector<16xi32>
    %min3A_297 = arith.minsi %add3A_294, %min3A_296 : vector<16xi32>
    %swap3A_298 = arith.constant 64 : index
    %swap3A_299 = tpu.vector_load %arg10[%swap3A_298] {strides = array<i32>} : memref<80xi32, #tpu.memory_space<vmem>>, vector<16xi32>,
    tpu.vector_store %arg10[%swap3A_298], %min3A_297 {strides = array<i32>} : memref<80xi32, #tpu.memory_space<vmem>>, vector<16xi32>,
    %dma_start3A_300 = arith.constant 0 : i32
    %dma_start3A_301 = arith.constant 0 : i32
    %dma_start3A_302 = tpu.memref_slice %arg11[%dma_start3A_300, %dma_start3A_301] : memref<80x16xf32, #tpu.memory_space<vmem>> -> memref<16x16xf32, #tpu.memory_space<vmem>>
    %dma_start3A_303 = arith.constant 0 : i32
    %dma_start3A_304 = tpu.memref_slice %arg10[%dma_start3A_303] : memref<80xi32, #tpu.memory_space<vmem>> -> memref<16xi32, #tpu.memory_space<vmem>>
    %dma_start3A_305 = arith.constant 0 : i32
    %dma_start3A_306 = arith.constant 0 : i32
    %dma_start3A_307 = tpu.memref_slice %arg2[%dma_start3A_305, %dma_start3A_306] : memref<522240x16xf32, #tpu.memory_space<hbm>> -> memref<522240x16xf32, #tpu.memory_space<hbm>>
    tpu.enqueue_indirect_dma source(%dma_start3A_307 : memref<522240x16xf32, #tpu.memory_space<hbm>>) target(%dma_start3A_302 : memref<16x16xf32, #tpu.memory_space<vmem>>) offsets(%dma_start3A_304 : memref<16xi32, #tpu.memory_space<vmem>>) semaphore(%arg14 : memref<!tpu.dma_semaphore, #tpu.memory_space<semaphore_mem>>)
    %dma_start3A_308 = arith.constant 16 : i32
    %dma_start3A_309 = arith.constant 0 : i32
    %dma_start3A_310 = tpu.memref_slice %arg11[%dma_start3A_308, %dma_start3A_309] : memref<80x16xf32, #tpu.memory_space<vmem>> -> memref<16x16xf32, #tpu.memory_space<vmem>>
    %dma_start3A_311 = arith.constant 16 : i32
    %dma_start3A_312 = tpu.memref_slice %arg10[%dma_start3A_311] : memref<80xi32, #tpu.memory_space<vmem>> -> memref<16xi32, #tpu.memory_space<vmem>>
    %dma_start3A_313 = arith.constant 0 : i32
    %dma_start3A_314 = arith.constant 0 : i32
    %dma_start3A_315 = tpu.memref_slice %arg2[%dma_start3A_313, %dma_start3A_314] : memref<522240x16xf32, #tpu.memory_space<hbm>> -> memref<522240x16xf32, #tpu.memory_space<hbm>>
    tpu.enqueue_indirect_dma source(%dma_start3A_315 : memref<522240x16xf32, #tpu.memory_space<hbm>>) target(%dma_start3A_310 : memref<16x16xf32, #tpu.memory_space<vmem>>) offsets(%dma_start3A_312 : memref<16xi32, #tpu.memory_space<vmem>>) semaphore(%arg14 : memref<!tpu.dma_semaphore, #tpu.memory_space<semaphore_mem>>)
    %dma_start3A_316 = arith.constant 32 : i32
    %dma_start3A_317 = arith.constant 0 : i32
    %dma_start3A_318 = tpu.memref_slice %arg11[%dma_start3A_316, %dma_start3A_317] : memref<80x16xf32, #tpu.memory_space<vmem>> -> memref<16x16xf32, #tpu.memory_space<vmem>>
    %dma_start3A_319 = arith.constant 32 : i32
    %dma_start3A_320 = tpu.memref_slice %arg10[%dma_start3A_319] : memref<80xi32, #tpu.memory_space<vmem>> -> memref<16xi32, #tpu.memory_space<vmem>>
    %dma_start3A_321 = arith.constant 0 : i32
    %dma_start3A_322 = arith.constant 0 : i32
    %dma_start3A_323 = tpu.memref_slice %arg2[%dma_start3A_321, %dma_start3A_322] : memref<522240x16xf32, #tpu.memory_space<hbm>> -> memref<522240x16xf32, #tpu.memory_space<hbm>>
    tpu.enqueue_indirect_dma source(%dma_start3A_323 : memref<522240x16xf32, #tpu.memory_space<hbm>>) target(%dma_start3A_318 : memref<16x16xf32, #tpu.memory_space<vmem>>) offsets(%dma_start3A_320 : memref<16xi32, #tpu.memory_space<vmem>>) semaphore(%arg14 : memref<!tpu.dma_semaphore, #tpu.memory_space<semaphore_mem>>)
    %dma_start3A_324 = arith.constant 48 : i32
    %dma_start3A_325 = arith.constant 0 : i32
    %dma_start3A_326 = tpu.memref_slice %arg11[%dma_start3A_324, %dma_start3A_325] : memref<80x16xf32, #tpu.memory_space<vmem>> -> memref<16x16xf32, #tpu.memory_space<vmem>>
    %dma_start3A_327 = arith.constant 48 : i32
    %dma_start3A_328 = tpu.memref_slice %arg10[%dma_start3A_327] : memref<80xi32, #tpu.memory_space<vmem>> -> memref<16xi32, #tpu.memory_space<vmem>>
    %dma_start3A_329 = arith.constant 0 : i32
    %dma_start3A_330 = arith.constant 0 : i32
    %dma_start3A_331 = tpu.memref_slice %arg2[%dma_start3A_329, %dma_start3A_330] : memref<522240x16xf32, #tpu.memory_space<hbm>> -> memref<522240x16xf32, #tpu.memory_space<hbm>>
    tpu.enqueue_indirect_dma source(%dma_start3A_331 : memref<522240x16xf32, #tpu.memory_space<hbm>>) target(%dma_start3A_326 : memref<16x16xf32, #tpu.memory_space<vmem>>) offsets(%dma_start3A_328 : memref<16xi32, #tpu.memory_space<vmem>>) semaphore(%arg14 : memref<!tpu.dma_semaphore, #tpu.memory_space<semaphore_mem>>)
    %dma_start3A_332 = arith.constant 64 : i32
    %dma_start3A_333 = arith.constant 0 : i32
    %dma_start3A_334 = tpu.memref_slice %arg11[%dma_start3A_332, %dma_start3A_333] : memref<80x16xf32, #tpu.memory_space<vmem>> -> memref<16x16xf32, #tpu.memory_space<vmem>>
    %dma_start3A_335 = arith.constant 64 : i32
    %dma_start3A_336 = tpu.memref_slice %arg10[%dma_start3A_335] : memref<80xi32, #tpu.memory_space<vmem>> -> memref<16xi32, #tpu.memory_space<vmem>>
    %dma_start3A_337 = arith.constant 0 : i32
    %dma_start3A_338 = arith.constant 0 : i32
    %dma_start3A_339 = tpu.memref_slice %arg2[%dma_start3A_337, %dma_start3A_338] : memref<522240x16xf32, #tpu.memory_space<hbm>> -> memref<522240x16xf32, #tpu.memory_space<hbm>>
    tpu.enqueue_indirect_dma source(%dma_start3A_339 : memref<522240x16xf32, #tpu.memory_space<hbm>>) target(%dma_start3A_334 : memref<16x16xf32, #tpu.memory_space<vmem>>) offsets(%dma_start3A_336 : memref<16xi32, #tpu.memory_space<vmem>>) semaphore(%arg14 : memref<!tpu.dma_semaphore, #tpu.memory_space<semaphore_mem>>)
    %dma_wait3A = arith.constant 0 : i32
    %dma_wait3A_340 = arith.constant 0 : i32
    %dma_wait3A_341 = tpu.memref_slice %arg7[%dma_wait3A, %dma_wait3A_340] : memref<3072x16xf32, #tpu.memory_space<vmem>> -> memref<128x16xf32, #tpu.memory_space<vmem>>
    %dma_wait3A_342 = arith.constant 0 : i32
    %dma_wait3A_343 = tpu.memref_slice %arg6[%dma_wait3A_342] : memref<3072xi32, #tpu.memory_space<vmem>> -> memref<128xi32, #tpu.memory_space<vmem>>
    %dma_wait3A_344 = arith.constant 0 : i32
    %dma_wait3A_345 = arith.constant 0 : i32
    %dma_wait3A_346 = tpu.memref_slice %arg2[%dma_wait3A_344, %dma_wait3A_345] : memref<522240x16xf32, #tpu.memory_space<hbm>> -> memref<522240x16xf32, #tpu.memory_space<hbm>>
    tpu.wait_indirect_dma semaphore(%arg13 : memref<!tpu.dma_semaphore, #tpu.memory_space<semaphore_mem>>) src(%dma_wait3A_346 : memref<522240x16xf32, #tpu.memory_space<hbm>>) dst(%dma_wait3A_341 : memref<128x16xf32, #tpu.memory_space<vmem>>)
    %dma_wait3A_347 = arith.constant 128 : i32
    %dma_wait3A_348 = arith.constant 0 : i32
    %dma_wait3A_349 = tpu.memref_slice %arg7[%dma_wait3A_347, %dma_wait3A_348] : memref<3072x16xf32, #tpu.memory_space<vmem>> -> memref<128x16xf32, #tpu.memory_space<vmem>>
    %dma_wait3A_350 = arith.constant 128 : i32
    %dma_wait3A_351 = tpu.memref_slice %arg6[%dma_wait3A_350] : memref<3072xi32, #tpu.memory_space<vmem>> -> memref<128xi32, #tpu.memory_space<vmem>>
    %dma_wait3A_352 = arith.constant 0 : i32
    %dma_wait3A_353 = arith.constant 0 : i32
    %dma_wait3A_354 = tpu.memref_slice %arg2[%dma_wait3A_352, %dma_wait3A_353] : memref<522240x16xf32, #tpu.memory_space<hbm>> -> memref<522240x16xf32, #tpu.memory_space<hbm>>
    tpu.wait_indirect_dma semaphore(%arg13 : memref<!tpu.dma_semaphore, #tpu.memory_space<semaphore_mem>>) src(%dma_wait3A_354 : memref<522240x16xf32, #tpu.memory_space<hbm>>) dst(%dma_wait3A_349 : memref<128x16xf32, #tpu.memory_space<vmem>>)
    %dma_wait3A_355 = arith.constant 256 : i32
    %dma_wait3A_356 = arith.constant 0 : i32
    %dma_wait3A_357 = tpu.memref_slice %arg7[%dma_wait3A_355, %dma_wait3A_356] : memref<3072x16xf32, #tpu.memory_space<vmem>> -> memref<128x16xf32, #tpu.memory_space<vmem>>
    %dma_wait3A_358 = arith.constant 256 : i32
    %dma_wait3A_359 = tpu.memref_slice %arg6[%dma_wait3A_358] : memref<3072xi32, #tpu.memory_space<vmem>> -> memref<128xi32, #tpu.memory_space<vmem>>
    %dma_wait3A_360 = arith.constant 0 : i32
    %dma_wait3A_361 = arith.constant 0 : i32
    %dma_wait3A_362 = tpu.memref_slice %arg2[%dma_wait3A_360, %dma_wait3A_361] : memref<522240x16xf32, #tpu.memory_space<hbm>> -> memref<522240x16xf32, #tpu.memory_space<hbm>>
    tpu.wait_indirect_dma semaphore(%arg13 : memref<!tpu.dma_semaphore, #tpu.memory_space<semaphore_mem>>) src(%dma_wait3A_362 : memref<522240x16xf32, #tpu.memory_space<hbm>>) dst(%dma_wait3A_357 : memref<128x16xf32, #tpu.memory_space<vmem>>)
    %dma_wait3A_363 = arith.constant 384 : i32
    %dma_wait3A_364 = arith.constant 0 : i32
    %dma_wait3A_365 = tpu.memref_slice %arg7[%dma_wait3A_363, %dma_wait3A_364] : memref<3072x16xf32, #tpu.memory_space<vmem>> -> memref<128x16xf32, #tpu.memory_space<vmem>>
    %dma_wait3A_366 = arith.constant 384 : i32
    %dma_wait3A_367 = tpu.memref_slice %arg6[%dma_wait3A_366] : memref<3072xi32, #tpu.memory_space<vmem>> -> memref<128xi32, #tpu.memory_space<vmem>>
    %dma_wait3A_368 = arith.constant 0 : i32
    %dma_wait3A_369 = arith.constant 0 : i32
    %dma_wait3A_370 = tpu.memref_slice %arg2[%dma_wait3A_368, %dma_wait3A_369] : memref<522240x16xf32, #tpu.memory_space<hbm>> -> memref<522240x16xf32, #tpu.memory_space<hbm>>
    tpu.wait_indirect_dma semaphore(%arg13 : memref<!tpu.dma_semaphore, #tpu.memory_space<semaphore_mem>>) src(%dma_wait3A_370 : memref<522240x16xf32, #tpu.memory_space<hbm>>) dst(%dma_wait3A_365 : memref<128x16xf32, #tpu.memory_space<vmem>>)
    %dma_wait3A_371 = arith.constant 512 : i32
    %dma_wait3A_372 = arith.constant 0 : i32
    %dma_wait3A_373 = tpu.memref_slice %arg7[%dma_wait3A_371, %dma_wait3A_372] : memref<3072x16xf32, #tpu.memory_space<vmem>> -> memref<128x16xf32, #tpu.memory_space<vmem>>
    %dma_wait3A_374 = arith.constant 512 : i32
    %dma_wait3A_375 = tpu.memref_slice %arg6[%dma_wait3A_374] : memref<3072xi32, #tpu.memory_space<vmem>> -> memref<128xi32, #tpu.memory_space<vmem>>
    %dma_wait3A_376 = arith.constant 0 : i32
    %dma_wait3A_377 = arith.constant 0 : i32
    %dma_wait3A_378 = tpu.memref_slice %arg2[%dma_wait3A_376, %dma_wait3A_377] : memref<522240x16xf32, #tpu.memory_space<hbm>> -> memref<522240x16xf32, #tpu.memory_space<hbm>>
    tpu.wait_indirect_dma semaphore(%arg13 : memref<!tpu.dma_semaphore, #tpu.memory_space<semaphore_mem>>) src(%dma_wait3A_378 : memref<522240x16xf32, #tpu.memory_space<hbm>>) dst(%dma_wait3A_373 : memref<128x16xf32, #tpu.memory_space<vmem>>)
    %dma_wait3A_379 = arith.constant 640 : i32
    %dma_wait3A_380 = arith.constant 0 : i32
    %dma_wait3A_381 = tpu.memref_slice %arg7[%dma_wait3A_379, %dma_wait3A_380] : memref<3072x16xf32, #tpu.memory_space<vmem>> -> memref<128x16xf32, #tpu.memory_space<vmem>>
    %dma_wait3A_382 = arith.constant 640 : i32
    %dma_wait3A_383 = tpu.memref_slice %arg6[%dma_wait3A_382] : memref<3072xi32, #tpu.memory_space<vmem>> -> memref<128xi32, #tpu.memory_space<vmem>>
    %dma_wait3A_384 = arith.constant 0 : i32
    %dma_wait3A_385 = arith.constant 0 : i32
    %dma_wait3A_386 = tpu.memref_slice %arg2[%dma_wait3A_384, %dma_wait3A_385] : memref<522240x16xf32, #tpu.memory_space<hbm>> -> memref<522240x16xf32, #tpu.memory_space<hbm>>
    tpu.wait_indirect_dma semaphore(%arg13 : memref<!tpu.dma_semaphore, #tpu.memory_space<semaphore_mem>>) src(%dma_wait3A_386 : memref<522240x16xf32, #tpu.memory_space<hbm>>) dst(%dma_wait3A_381 : memref<128x16xf32, #tpu.memory_space<vmem>>)
    %dma_wait3A_387 = arith.constant 768 : i32
    %dma_wait3A_388 = arith.constant 0 : i32
    %dma_wait3A_389 = tpu.memref_slice %arg7[%dma_wait3A_387, %dma_wait3A_388] : memref<3072x16xf32, #tpu.memory_space<vmem>> -> memref<128x16xf32, #tpu.memory_space<vmem>>
    %dma_wait3A_390 = arith.constant 768 : i32
    %dma_wait3A_391 = tpu.memref_slice %arg6[%dma_wait3A_390] : memref<3072xi32, #tpu.memory_space<vmem>> -> memref<128xi32, #tpu.memory_space<vmem>>
    %dma_wait3A_392 = arith.constant 0 : i32
    %dma_wait3A_393 = arith.constant 0 : i32
    %dma_wait3A_394 = tpu.memref_slice %arg2[%dma_wait3A_392, %dma_wait3A_393] : memref<522240x16xf32, #tpu.memory_space<hbm>> -> memref<522240x16xf32, #tpu.memory_space<hbm>>
    tpu.wait_indirect_dma semaphore(%arg13 : memref<!tpu.dma_semaphore, #tpu.memory_space<semaphore_mem>>) src(%dma_wait3A_394 : memref<522240x16xf32, #tpu.memory_space<hbm>>) dst(%dma_wait3A_389 : memref<128x16xf32, #tpu.memory_space<vmem>>)
    %dma_wait3A_395 = arith.constant 896 : i32
    %dma_wait3A_396 = arith.constant 0 : i32
    %dma_wait3A_397 = tpu.memref_slice %arg7[%dma_wait3A_395, %dma_wait3A_396] : memref<3072x16xf32, #tpu.memory_space<vmem>> -> memref<128x16xf32, #tpu.memory_space<vmem>>
    %dma_wait3A_398 = arith.constant 896 : i32
    %dma_wait3A_399 = tpu.memref_slice %arg6[%dma_wait3A_398] : memref<3072xi32, #tpu.memory_space<vmem>> -> memref<128xi32, #tpu.memory_space<vmem>>
    %dma_wait3A_400 = arith.constant 0 : i32
    %dma_wait3A_401 = arith.constant 0 : i32
    %dma_wait3A_402 = tpu.memref_slice %arg2[%dma_wait3A_400, %dma_wait3A_401] : memref<522240x16xf32, #tpu.memory_space<hbm>> -> memref<522240x16xf32, #tpu.memory_space<hbm>>
    tpu.wait_indirect_dma semaphore(%arg13 : memref<!tpu.dma_semaphore, #tpu.memory_space<semaphore_mem>>) src(%dma_wait3A_402 : memref<522240x16xf32, #tpu.memory_space<hbm>>) dst(%dma_wait3A_397 : memref<128x16xf32, #tpu.memory_space<vmem>>)
    %dma_wait3A_403 = arith.constant 1024 : i32
    %dma_wait3A_404 = arith.constant 0 : i32
    %dma_wait3A_405 = tpu.memref_slice %arg7[%dma_wait3A_403, %dma_wait3A_404] : memref<3072x16xf32, #tpu.memory_space<vmem>> -> memref<128x16xf32, #tpu.memory_space<vmem>>
    %dma_wait3A_406 = arith.constant 1024 : i32
    %dma_wait3A_407 = tpu.memref_slice %arg6[%dma_wait3A_406] : memref<3072xi32, #tpu.memory_space<vmem>> -> memref<128xi32, #tpu.memory_space<vmem>>
    %dma_wait3A_408 = arith.constant 0 : i32
    %dma_wait3A_409 = arith.constant 0 : i32
    %dma_wait3A_410 = tpu.memref_slice %arg2[%dma_wait3A_408, %dma_wait3A_409] : memref<522240x16xf32, #tpu.memory_space<hbm>> -> memref<522240x16xf32, #tpu.memory_space<hbm>>
    tpu.wait_indirect_dma semaphore(%arg13 : memref<!tpu.dma_semaphore, #tpu.memory_space<semaphore_mem>>) src(%dma_wait3A_410 : memref<522240x16xf32, #tpu.memory_space<hbm>>) dst(%dma_wait3A_405 : memref<128x16xf32, #tpu.memory_space<vmem>>)
    %dma_wait3A_411 = arith.constant 1152 : i32
    %dma_wait3A_412 = arith.constant 0 : i32
    %dma_wait3A_413 = tpu.memref_slice %arg7[%dma_wait3A_411, %dma_wait3A_412] : memref<3072x16xf32, #tpu.memory_space<vmem>> -> memref<128x16xf32, #tpu.memory_space<vmem>>
    %dma_wait3A_414 = arith.constant 1152 : i32
    %dma_wait3A_415 = tpu.memref_slice %arg6[%dma_wait3A_414] : memref<3072xi32, #tpu.memory_space<vmem>> -> memref<128xi32, #tpu.memory_space<vmem>>
    %dma_wait3A_416 = arith.constant 0 : i32
    %dma_wait3A_417 = arith.constant 0 : i32
    %dma_wait3A_418 = tpu.memref_slice %arg2[%dma_wait3A_416, %dma_wait3A_417] : memref<522240x16xf32, #tpu.memory_space<hbm>> -> memref<522240x16xf32, #tpu.memory_space<hbm>>
    tpu.wait_indirect_dma semaphore(%arg13 : memref<!tpu.dma_semaphore, #tpu.memory_space<semaphore_mem>>) src(%dma_wait3A_418 : memref<522240x16xf32, #tpu.memory_space<hbm>>) dst(%dma_wait3A_413 : memref<128x16xf32, #tpu.memory_space<vmem>>)
    %dma_wait3A_419 = arith.constant 1280 : i32
    %dma_wait3A_420 = arith.constant 0 : i32
    %dma_wait3A_421 = tpu.memref_slice %arg7[%dma_wait3A_419, %dma_wait3A_420] : memref<3072x16xf32, #tpu.memory_space<vmem>> -> memref<128x16xf32, #tpu.memory_space<vmem>>
    %dma_wait3A_422 = arith.constant 1280 : i32
    %dma_wait3A_423 = tpu.memref_slice %arg6[%dma_wait3A_422] : memref<3072xi32, #tpu.memory_space<vmem>> -> memref<128xi32, #tpu.memory_space<vmem>>
    %dma_wait3A_424 = arith.constant 0 : i32
    %dma_wait3A_425 = arith.constant 0 : i32
    %dma_wait3A_426 = tpu.memref_slice %arg2[%dma_wait3A_424, %dma_wait3A_425] : memref<522240x16xf32, #tpu.memory_space<hbm>> -> memref<522240x16xf32, #tpu.memory_space<hbm>>
    tpu.wait_indirect_dma semaphore(%arg13 : memref<!tpu.dma_semaphore, #tpu.memory_space<semaphore_mem>>) src(%dma_wait3A_426 : memref<522240x16xf32, #tpu.memory_space<hbm>>) dst(%dma_wait3A_421 : memref<128x16xf32, #tpu.memory_space<vmem>>)
    %dma_wait3A_427 = arith.constant 1408 : i32
    %dma_wait3A_428 = arith.constant 0 : i32
    %dma_wait3A_429 = tpu.memref_slice %arg7[%dma_wait3A_427, %dma_wait3A_428] : memref<3072x16xf32, #tpu.memory_space<vmem>> -> memref<128x16xf32, #tpu.memory_space<vmem>>
    %dma_wait3A_430 = arith.constant 1408 : i32
    %dma_wait3A_431 = tpu.memref_slice %arg6[%dma_wait3A_430] : memref<3072xi32, #tpu.memory_space<vmem>> -> memref<128xi32, #tpu.memory_space<vmem>>
    %dma_wait3A_432 = arith.constant 0 : i32
    %dma_wait3A_433 = arith.constant 0 : i32
    %dma_wait3A_434 = tpu.memref_slice %arg2[%dma_wait3A_432, %dma_wait3A_433] : memref<522240x16xf32, #tpu.memory_space<hbm>> -> memref<522240x16xf32, #tpu.memory_space<hbm>>
    tpu.wait_indirect_dma semaphore(%arg13 : memref<!tpu.dma_semaphore, #tpu.memory_space<semaphore_mem>>) src(%dma_wait3A_434 : memref<522240x16xf32, #tpu.memory_space<hbm>>) dst(%dma_wait3A_429 : memref<128x16xf32, #tpu.memory_space<vmem>>)
    %dma_wait3A_435 = arith.constant 1536 : i32
    %dma_wait3A_436 = arith.constant 0 : i32
    %dma_wait3A_437 = tpu.memref_slice %arg7[%dma_wait3A_435, %dma_wait3A_436] : memref<3072x16xf32, #tpu.memory_space<vmem>> -> memref<128x16xf32, #tpu.memory_space<vmem>>
    %dma_wait3A_438 = arith.constant 1536 : i32
    %dma_wait3A_439 = tpu.memref_slice %arg6[%dma_wait3A_438] : memref<3072xi32, #tpu.memory_space<vmem>> -> memref<128xi32, #tpu.memory_space<vmem>>
    %dma_wait3A_440 = arith.constant 0 : i32
    %dma_wait3A_441 = arith.constant 0 : i32
    %dma_wait3A_442 = tpu.memref_slice %arg2[%dma_wait3A_440, %dma_wait3A_441] : memref<522240x16xf32, #tpu.memory_space<hbm>> -> memref<522240x16xf32, #tpu.memory_space<hbm>>
    tpu.wait_indirect_dma semaphore(%arg13 : memref<!tpu.dma_semaphore, #tpu.memory_space<semaphore_mem>>) src(%dma_wait3A_442 : memref<522240x16xf32, #tpu.memory_space<hbm>>) dst(%dma_wait3A_437 : memref<128x16xf32, #tpu.memory_space<vmem>>)
    %dma_wait3A_443 = arith.constant 1664 : i32
    %dma_wait3A_444 = arith.constant 0 : i32
    %dma_wait3A_445 = tpu.memref_slice %arg7[%dma_wait3A_443, %dma_wait3A_444] : memref<3072x16xf32, #tpu.memory_space<vmem>> -> memref<128x16xf32, #tpu.memory_space<vmem>>
    %dma_wait3A_446 = arith.constant 1664 : i32
    %dma_wait3A_447 = tpu.memref_slice %arg6[%dma_wait3A_446] : memref<3072xi32, #tpu.memory_space<vmem>> -> memref<128xi32, #tpu.memory_space<vmem>>
    %dma_wait3A_448 = arith.constant 0 : i32
    %dma_wait3A_449 = arith.constant 0 : i32
    %dma_wait3A_450 = tpu.memref_slice %arg2[%dma_wait3A_448, %dma_wait3A_449] : memref<522240x16xf32, #tpu.memory_space<hbm>> -> memref<522240x16xf32, #tpu.memory_space<hbm>>
    tpu.wait_indirect_dma semaphore(%arg13 : memref<!tpu.dma_semaphore, #tpu.memory_space<semaphore_mem>>) src(%dma_wait3A_450 : memref<522240x16xf32, #tpu.memory_space<hbm>>) dst(%dma_wait3A_445 : memref<128x16xf32, #tpu.memory_space<vmem>>)
    %dma_wait3A_451 = arith.constant 1792 : i32
    %dma_wait3A_452 = arith.constant 0 : i32
    %dma_wait3A_453 = tpu.memref_slice %arg7[%dma_wait3A_451, %dma_wait3A_452] : memref<3072x16xf32, #tpu.memory_space<vmem>> -> memref<128x16xf32, #tpu.memory_space<vmem>>
    %dma_wait3A_454 = arith.constant 1792 : i32
    %dma_wait3A_455 = tpu.memref_slice %arg6[%dma_wait3A_454] : memref<3072xi32, #tpu.memory_space<vmem>> -> memref<128xi32, #tpu.memory_space<vmem>>
    %dma_wait3A_456 = arith.constant 0 : i32
    %dma_wait3A_457 = arith.constant 0 : i32
    %dma_wait3A_458 = tpu.memref_slice %arg2[%dma_wait3A_456, %dma_wait3A_457] : memref<522240x16xf32, #tpu.memory_space<hbm>> -> memref<522240x16xf32, #tpu.memory_space<hbm>>
    tpu.wait_indirect_dma semaphore(%arg13 : memref<!tpu.dma_semaphore, #tpu.memory_space<semaphore_mem>>) src(%dma_wait3A_458 : memref<522240x16xf32, #tpu.memory_space<hbm>>) dst(%dma_wait3A_453 : memref<128x16xf32, #tpu.memory_space<vmem>>)
    %dma_wait3A_459 = arith.constant 1920 : i32
    %dma_wait3A_460 = arith.constant 0 : i32
    %dma_wait3A_461 = tpu.memref_slice %arg7[%dma_wait3A_459, %dma_wait3A_460] : memref<3072x16xf32, #tpu.memory_space<vmem>> -> memref<128x16xf32, #tpu.memory_space<vmem>>
    %dma_wait3A_462 = arith.constant 1920 : i32
    %dma_wait3A_463 = tpu.memref_slice %arg6[%dma_wait3A_462] : memref<3072xi32, #tpu.memory_space<vmem>> -> memref<128xi32, #tpu.memory_space<vmem>>
    %dma_wait3A_464 = arith.constant 0 : i32
    %dma_wait3A_465 = arith.constant 0 : i32
    %dma_wait3A_466 = tpu.memref_slice %arg2[%dma_wait3A_464, %dma_wait3A_465] : memref<522240x16xf32, #tpu.memory_space<hbm>> -> memref<522240x16xf32, #tpu.memory_space<hbm>>
    tpu.wait_indirect_dma semaphore(%arg13 : memref<!tpu.dma_semaphore, #tpu.memory_space<semaphore_mem>>) src(%dma_wait3A_466 : memref<522240x16xf32, #tpu.memory_space<hbm>>) dst(%dma_wait3A_461 : memref<128x16xf32, #tpu.memory_space<vmem>>)
    %dma_wait3A_467 = arith.constant 2048 : i32
    %dma_wait3A_468 = arith.constant 0 : i32
    %dma_wait3A_469 = tpu.memref_slice %arg7[%dma_wait3A_467, %dma_wait3A_468] : memref<3072x16xf32, #tpu.memory_space<vmem>> -> memref<128x16xf32, #tpu.memory_space<vmem>>
    %dma_wait3A_470 = arith.constant 2048 : i32
    %dma_wait3A_471 = tpu.memref_slice %arg6[%dma_wait3A_470] : memref<3072xi32, #tpu.memory_space<vmem>> -> memref<128xi32, #tpu.memory_space<vmem>>
    %dma_wait3A_472 = arith.constant 0 : i32
    %dma_wait3A_473 = arith.constant 0 : i32
    %dma_wait3A_474 = tpu.memref_slice %arg2[%dma_wait3A_472, %dma_wait3A_473] : memref<522240x16xf32, #tpu.memory_space<hbm>> -> memref<522240x16xf32, #tpu.memory_space<hbm>>
    tpu.wait_indirect_dma semaphore(%arg13 : memref<!tpu.dma_semaphore, #tpu.memory_space<semaphore_mem>>) src(%dma_wait3A_474 : memref<522240x16xf32, #tpu.memory_space<hbm>>) dst(%dma_wait3A_469 : memref<128x16xf32, #tpu.memory_space<vmem>>)
    %dma_wait3A_475 = arith.constant 2176 : i32
    %dma_wait3A_476 = arith.constant 0 : i32
    %dma_wait3A_477 = tpu.memref_slice %arg7[%dma_wait3A_475, %dma_wait3A_476] : memref<3072x16xf32, #tpu.memory_space<vmem>> -> memref<128x16xf32, #tpu.memory_space<vmem>>
    %dma_wait3A_478 = arith.constant 2176 : i32
    %dma_wait3A_479 = tpu.memref_slice %arg6[%dma_wait3A_478] : memref<3072xi32, #tpu.memory_space<vmem>> -> memref<128xi32, #tpu.memory_space<vmem>>
    %dma_wait3A_480 = arith.constant 0 : i32
    %dma_wait3A_481 = arith.constant 0 : i32
    %dma_wait3A_482 = tpu.memref_slice %arg2[%dma_wait3A_480, %dma_wait3A_481] : memref<522240x16xf32, #tpu.memory_space<hbm>> -> memref<522240x16xf32, #tpu.memory_space<hbm>>
    tpu.wait_indirect_dma semaphore(%arg13 : memref<!tpu.dma_semaphore, #tpu.memory_space<semaphore_mem>>) src(%dma_wait3A_482 : memref<522240x16xf32, #tpu.memory_space<hbm>>) dst(%dma_wait3A_477 : memref<128x16xf32, #tpu.memory_space<vmem>>)
    %dma_wait3A_483 = arith.constant 2304 : i32
    %dma_wait3A_484 = arith.constant 0 : i32
    %dma_wait3A_485 = tpu.memref_slice %arg7[%dma_wait3A_483, %dma_wait3A_484] : memref<3072x16xf32, #tpu.memory_space<vmem>> -> memref<128x16xf32, #tpu.memory_space<vmem>>
    %dma_wait3A_486 = arith.constant 2304 : i32
    %dma_wait3A_487 = tpu.memref_slice %arg6[%dma_wait3A_486] : memref<3072xi32, #tpu.memory_space<vmem>> -> memref<128xi32, #tpu.memory_space<vmem>>
    %dma_wait3A_488 = arith.constant 0 : i32
    %dma_wait3A_489 = arith.constant 0 : i32
    %dma_wait3A_490 = tpu.memref_slice %arg2[%dma_wait3A_488, %dma_wait3A_489] : memref<522240x16xf32, #tpu.memory_space<hbm>> -> memref<522240x16xf32, #tpu.memory_space<hbm>>
    tpu.wait_indirect_dma semaphore(%arg13 : memref<!tpu.dma_semaphore, #tpu.memory_space<semaphore_mem>>) src(%dma_wait3A_490 : memref<522240x16xf32, #tpu.memory_space<hbm>>) dst(%dma_wait3A_485 : memref<128x16xf32, #tpu.memory_space<vmem>>)
    %dma_wait3A_491 = arith.constant 2432 : i32
    %dma_wait3A_492 = arith.constant 0 : i32
    %dma_wait3A_493 = tpu.memref_slice %arg7[%dma_wait3A_491, %dma_wait3A_492] : memref<3072x16xf32, #tpu.memory_space<vmem>> -> memref<128x16xf32, #tpu.memory_space<vmem>>
    %dma_wait3A_494 = arith.constant 2432 : i32
    %dma_wait3A_495 = tpu.memref_slice %arg6[%dma_wait3A_494] : memref<3072xi32, #tpu.memory_space<vmem>> -> memref<128xi32, #tpu.memory_space<vmem>>
    %dma_wait3A_496 = arith.constant 0 : i32
    %dma_wait3A_497 = arith.constant 0 : i32
    %dma_wait3A_498 = tpu.memref_slice %arg2[%dma_wait3A_496, %dma_wait3A_497] : memref<522240x16xf32, #tpu.memory_space<hbm>> -> memref<522240x16xf32, #tpu.memory_space<hbm>>
    tpu.wait_indirect_dma semaphore(%arg13 : memref<!tpu.dma_semaphore, #tpu.memory_space<semaphore_mem>>) src(%dma_wait3A_498 : memref<522240x16xf32, #tpu.memory_space<hbm>>) dst(%dma_wait3A_493 : memref<128x16xf32, #tpu.memory_space<vmem>>)
    %dma_wait3A_499 = arith.constant 2560 : i32
    %dma_wait3A_500 = arith.constant 0 : i32
    %dma_wait3A_501 = tpu.memref_slice %arg7[%dma_wait3A_499, %dma_wait3A_500] : memref<3072x16xf32, #tpu.memory_space<vmem>> -> memref<128x16xf32, #tpu.memory_space<vmem>>
    %dma_wait3A_502 = arith.constant 2560 : i32
    %dma_wait3A_503 = tpu.memref_slice %arg6[%dma_wait3A_502] : memref<3072xi32, #tpu.memory_space<vmem>> -> memref<128xi32, #tpu.memory_space<vmem>>
    %dma_wait3A_504 = arith.constant 0 : i32
    %dma_wait3A_505 = arith.constant 0 : i32
    %dma_wait3A_506 = tpu.memref_slice %arg2[%dma_wait3A_504, %dma_wait3A_505] : memref<522240x16xf32, #tpu.memory_space<hbm>> -> memref<522240x16xf32, #tpu.memory_space<hbm>>
    tpu.wait_indirect_dma semaphore(%arg13 : memref<!tpu.dma_semaphore, #tpu.memory_space<semaphore_mem>>) src(%dma_wait3A_506 : memref<522240x16xf32, #tpu.memory_space<hbm>>) dst(%dma_wait3A_501 : memref<128x16xf32, #tpu.memory_space<vmem>>)
    %dma_wait3A_507 = arith.constant 2688 : i32
    %dma_wait3A_508 = arith.constant 0 : i32
    %dma_wait3A_509 = tpu.memref_slice %arg7[%dma_wait3A_507, %dma_wait3A_508] : memref<3072x16xf32, #tpu.memory_space<vmem>> -> memref<128x16xf32, #tpu.memory_space<vmem>>
    %dma_wait3A_510 = arith.constant 2688 : i32
    %dma_wait3A_511 = tpu.memref_slice %arg6[%dma_wait3A_510] : memref<3072xi32, #tpu.memory_space<vmem>> -> memref<128xi32, #tpu.memory_space<vmem>>
    %dma_wait3A_512 = arith.constant 0 : i32
    %dma_wait3A_513 = arith.constant 0 : i32
    %dma_wait3A_514 = tpu.memref_slice %arg2[%dma_wait3A_512, %dma_wait3A_513] : memref<522240x16xf32, #tpu.memory_space<hbm>> -> memref<522240x16xf32, #tpu.memory_space<hbm>>
    tpu.wait_indirect_dma semaphore(%arg13 : memref<!tpu.dma_semaphore, #tpu.memory_space<semaphore_mem>>) src(%dma_wait3A_514 : memref<522240x16xf32, #tpu.memory_space<hbm>>) dst(%dma_wait3A_509 : memref<128x16xf32, #tpu.memory_space<vmem>>)
    %dma_wait3A_515 = arith.constant 2816 : i32
    %dma_wait3A_516 = arith.constant 0 : i32
    %dma_wait3A_517 = tpu.memref_slice %arg7[%dma_wait3A_515, %dma_wait3A_516] : memref<3072x16xf32, #tpu.memory_space<vmem>> -> memref<128x16xf32, #tpu.memory_space<vmem>>
    %dma_wait3A_518 = arith.constant 2816 : i32
    %dma_wait3A_519 = tpu.memref_slice %arg6[%dma_wait3A_518] : memref<3072xi32, #tpu.memory_space<vmem>> -> memref<128xi32, #tpu.memory_space<vmem>>
    %dma_wait3A_520 = arith.constant 0 : i32
    %dma_wait3A_521 = arith.constant 0 : i32
    %dma_wait3A_522 = tpu.memref_slice %arg2[%dma_wait3A_520, %dma_wait3A_521] : memref<522240x16xf32, #tpu.memory_space<hbm>> -> memref<522240x16xf32, #tpu.memory_space<hbm>>
    tpu.wait_indirect_dma semaphore(%arg13 : memref<!tpu.dma_semaphore, #tpu.memory_space<semaphore_mem>>) src(%dma_wait3A_522 : memref<522240x16xf32, #tpu.memory_space<hbm>>) dst(%dma_wait3A_517 : memref<128x16xf32, #tpu.memory_space<vmem>>)
    %dma_wait3A_523 = arith.constant 2944 : i32
    %dma_wait3A_524 = arith.constant 0 : i32
    %dma_wait3A_525 = tpu.memref_slice %arg7[%dma_wait3A_523, %dma_wait3A_524] : memref<3072x16xf32, #tpu.memory_space<vmem>> -> memref<128x16xf32, #tpu.memory_space<vmem>>
    %dma_wait3A_526 = arith.constant 2944 : i32
    %dma_wait3A_527 = tpu.memref_slice %arg6[%dma_wait3A_526] : memref<3072xi32, #tpu.memory_space<vmem>> -> memref<128xi32, #tpu.memory_space<vmem>>
    %dma_wait3A_528 = arith.constant 0 : i32
    %dma_wait3A_529 = arith.constant 0 : i32
    %dma_wait3A_530 = tpu.memref_slice %arg2[%dma_wait3A_528, %dma_wait3A_529] : memref<522240x16xf32, #tpu.memory_space<hbm>> -> memref<522240x16xf32, #tpu.memory_space<hbm>>
    tpu.wait_indirect_dma semaphore(%arg13 : memref<!tpu.dma_semaphore, #tpu.memory_space<semaphore_mem>>) src(%dma_wait3A_530 : memref<522240x16xf32, #tpu.memory_space<hbm>>) dst(%dma_wait3A_525 : memref<128x16xf32, #tpu.memory_space<vmem>>)
    %scan3A_531 = arith.constant 0 : i32
    %scan3A_532 = arith.constant 0 : i32
    %scan3A_533 = arith.constant 192 : i32
    %scan3A_534 = arith.addi %scan3A_532, %scan3A_533 : i32
    %scan3A_535 = arith.constant 1 : i32
    %scan3A_536 = scf.for %scan3A_1136 = %scan3A_532 to %scan3A_534 step %scan3A_535 iter_args(%scan3A_1137 = %scan3A_531) -> (i32)  : i32 {
      %mul3A_1138 = arith.constant 16 : i32
      %mul3A_1139 = arith.muli %scan3A_1136, %mul3A_1138 : i32
      %add3A_1140 = arith.addi %mul3A_2, %mul3A_1139 : i32
      %add3A_1141 = vector.broadcast %add3A_1140 : i32 to vector<16xi32>
      %add3A_1142 = arith.addi %add3A_1141, %iota3A : vector<16xi32>
      %mul3A_1143 = arith.constant 85 : i32
      %mul3A_1144 = vector.broadcast %mul3A_1143 : i32 to vector<16xi32>
      %mul3A_1145 = arith.muli %add3A_1142, %mul3A_1144 : vector<16xi32>
      %add3A_1146 = arith.constant 4 : i32
      %add3A_1147 = vector.broadcast %add3A_1146 : i32 to vector<16xi32>
      %add3A_1148 = arith.addi %mul3A_1145, %add3A_1147 : vector<16xi32>
      %mul3A_1149 = arith.constant 16 : i32
      %mul3A_1150 = arith.muli %scan3A_1136, %mul3A_1149 : i32
      %add3A_1151 = vector.broadcast %mul3A_1150 : i32 to vector<16xi32>
      %add3A_1152 = arith.addi %add3A_1151, %iota3A : vector<16xi32>
      %and3A_1153 = arith.constant 15 : i32
      %and3A_1154 = vector.broadcast %and3A_1153 : i32 to vector<16xi32>
      %and3A_1155 = arith.andi %add3A_1148, %and3A_1154 : vector<16xi32>
      %gather3A_1156 = tpu.vector_load_idx %arg7[%add3A_1152, %and3A_1155] : memref<3072x16xf32, #tpu.memory_space<vmem>>[vector<16xi32>, vector<16xi32>], vector<16xf32>,
      %mul3A_1157 = arith.constant 16 : i32
      %mul3A_1158 = arith.muli %scan3A_1136, %mul3A_1157 : i32
      %swap3A_1159 = arith.index_cast %mul3A_1158 : i32 to index
      %swap3A_1160 = tpu.vector_load %arg8[%swap3A_1159] {strides = array<i32>} : memref<3072xf32, #tpu.memory_space<vmem>>, vector<16xf32>,
      tpu.vector_store %arg8[%swap3A_1159], %gather3A_1156 {strides = array<i32>} : memref<3072xf32, #tpu.memory_space<vmem>>, vector<16xf32>,
      %scan3A_1161 = arith.constant 0 : i32
      scf.yield %scan3A_1161 : i32
    }
    %scan3A_537 = arith.constant 192 : i32
    "tpu.region"() ({
      %run_scoped3A = tpu.sem_alloc : memref<!tpu.dma_semaphore, #tpu.memory_space<semaphore_mem>>
      %dma_start3A_1136 = tpu.memref_slice %arg4[%mul3A_2] : memref<98304xf32, #tpu.memory_space<hbm>> -> memref<3072xf32, #tpu.memory_space<hbm>>
      %dma_start3A_1137 = tpu.memref_slice %arg4[%mul3A_2] : memref<98304xf32, #tpu.memory_space<hbm>> -> memref<3072xf32, #tpu.memory_space<hbm>>
      tpu.enqueue_dma source(%arg8 : memref<3072xf32, #tpu.memory_space<vmem>>) target(%dma_start3A_1137 : memref<3072xf32, #tpu.memory_space<hbm>>) target_semaphore(%run_scoped3A : memref<!tpu.dma_semaphore, #tpu.memory_space<semaphore_mem>>)
      %dma_wait3A_1138 = tpu.memref_slice %arg4[%mul3A_2] : memref<98304xf32, #tpu.memory_space<hbm>> -> memref<3072xf32, #tpu.memory_space<hbm>>
      %dma_wait3A_1139 = tpu.memref_slice %arg4[%mul3A_2] : memref<98304xf32, #tpu.memory_space<hbm>> -> memref<3072xf32, #tpu.memory_space<hbm>>
      tpu.wait_dma2 semaphore(%run_scoped3A : memref<!tpu.dma_semaphore, #tpu.memory_space<semaphore_mem>>) src(%arg8 : memref<3072xf32, #tpu.memory_space<vmem>>) dst(%dma_wait3A_1139 : memref<3072xf32, #tpu.memory_space<hbm>>)
      tpu.yield
    }) : () -> ()
    %dma_wait3A_538 = arith.constant 0 : i32
    %dma_wait3A_539 = arith.constant 0 : i32
    %dma_wait3A_540 = tpu.memref_slice %arg11[%dma_wait3A_538, %dma_wait3A_539] : memref<80x16xf32, #tpu.memory_space<vmem>> -> memref<16x16xf32, #tpu.memory_space<vmem>>
    %dma_wait3A_541 = arith.constant 0 : i32
    %dma_wait3A_542 = tpu.memref_slice %arg10[%dma_wait3A_541] : memref<80xi32, #tpu.memory_space<vmem>> -> memref<16xi32, #tpu.memory_space<vmem>>
    %dma_wait3A_543 = arith.constant 0 : i32
    %dma_wait3A_544 = arith.constant 0 : i32
    %dma_wait3A_545 = tpu.memref_slice %arg2[%dma_wait3A_543, %dma_wait3A_544] : memref<522240x16xf32, #tpu.memory_space<hbm>> -> memref<522240x16xf32, #tpu.memory_space<hbm>>
    tpu.wait_indirect_dma semaphore(%arg14 : memref<!tpu.dma_semaphore, #tpu.memory_space<semaphore_mem>>) src(%dma_wait3A_545 : memref<522240x16xf32, #tpu.memory_space<hbm>>) dst(%dma_wait3A_540 : memref<16x16xf32, #tpu.memory_space<vmem>>)
    %dma_wait3A_546 = arith.constant 16 : i32
    %dma_wait3A_547 = arith.constant 0 : i32
    %dma_wait3A_548 = tpu.memref_slice %arg11[%dma_wait3A_546, %dma_wait3A_547] : memref<80x16xf32, #tpu.memory_space<vmem>> -> memref<16x16xf32, #tpu.memory_space<vmem>>
    %dma_wait3A_549 = arith.constant 16 : i32
    %dma_wait3A_550 = tpu.memref_slice %arg10[%dma_wait3A_549] : memref<80xi32, #tpu.memory_space<vmem>> -> memref<16xi32, #tpu.memory_space<vmem>>
    %dma_wait3A_551 = arith.constant 0 : i32
    %dma_wait3A_552 = arith.constant 0 : i32
    %dma_wait3A_553 = tpu.memref_slice %arg2[%dma_wait3A_551, %dma_wait3A_552] : memref<522240x16xf32, #tpu.memory_space<hbm>> -> memref<522240x16xf32, #tpu.memory_space<hbm>>
    tpu.wait_indirect_dma semaphore(%arg14 : memref<!tpu.dma_semaphore, #tpu.memory_space<semaphore_mem>>) src(%dma_wait3A_553 : memref<522240x16xf32, #tpu.memory_space<hbm>>) dst(%dma_wait3A_548 : memref<16x16xf32, #tpu.memory_space<vmem>>)
    %dma_wait3A_554 = arith.constant 32 : i32
    %dma_wait3A_555 = arith.constant 0 : i32
    %dma_wait3A_556 = tpu.memref_slice %arg11[%dma_wait3A_554, %dma_wait3A_555] : memref<80x16xf32, #tpu.memory_space<vmem>> -> memref<16x16xf32, #tpu.memory_space<vmem>>
    %dma_wait3A_557 = arith.constant 32 : i32
    %dma_wait3A_558 = tpu.memref_slice %arg10[%dma_wait3A_557] : memref<80xi32, #tpu.memory_space<vmem>> -> memref<16xi32, #tpu.memory_space<vmem>>
    %dma_wait3A_559 = arith.constant 0 : i32
    %dma_wait3A_560 = arith.constant 0 : i32
    %dma_wait3A_561 = tpu.memref_slice %arg2[%dma_wait3A_559, %dma_wait3A_560] : memref<522240x16xf32, #tpu.memory_space<hbm>> -> memref<522240x16xf32, #tpu.memory_space<hbm>>
    tpu.wait_indirect_dma semaphore(%arg14 : memref<!tpu.dma_semaphore, #tpu.memory_space<semaphore_mem>>) src(%dma_wait3A_561 : memref<522240x16xf32, #tpu.memory_space<hbm>>) dst(%dma_wait3A_556 : memref<16x16xf32, #tpu.memory_space<vmem>>)
    %dma_wait3A_562 = arith.constant 48 : i32
    %dma_wait3A_563 = arith.constant 0 : i32
    %dma_wait3A_564 = tpu.memref_slice %arg11[%dma_wait3A_562, %dma_wait3A_563] : memref<80x16xf32, #tpu.memory_space<vmem>> -> memref<16x16xf32, #tpu.memory_space<vmem>>
    %dma_wait3A_565 = arith.constant 48 : i32
    %dma_wait3A_566 = tpu.memref_slice %arg10[%dma_wait3A_565] : memref<80xi32, #tpu.memory_space<vmem>> -> memref<16xi32, #tpu.memory_space<vmem>>
    %dma_wait3A_567 = arith.constant 0 : i32
    %dma_wait3A_568 = arith.constant 0 : i32
    %dma_wait3A_569 = tpu.memref_slice %arg2[%dma_wait3A_567, %dma_wait3A_568] : memref<522240x16xf32, #tpu.memory_space<hbm>> -> memref<522240x16xf32, #tpu.memory_space<hbm>>
    tpu.wait_indirect_dma semaphore(%arg14 : memref<!tpu.dma_semaphore, #tpu.memory_space<semaphore_mem>>) src(%dma_wait3A_569 : memref<522240x16xf32, #tpu.memory_space<hbm>>) dst(%dma_wait3A_564 : memref<16x16xf32, #tpu.memory_space<vmem>>)
    %dma_wait3A_570 = arith.constant 64 : i32
    %dma_wait3A_571 = arith.constant 0 : i32
    %dma_wait3A_572 = tpu.memref_slice %arg11[%dma_wait3A_570, %dma_wait3A_571] : memref<80x16xf32, #tpu.memory_space<vmem>> -> memref<16x16xf32, #tpu.memory_space<vmem>>
    %dma_wait3A_573 = arith.constant 64 : i32
    %dma_wait3A_574 = tpu.memref_slice %arg10[%dma_wait3A_573] : memref<80xi32, #tpu.memory_space<vmem>> -> memref<16xi32, #tpu.memory_space<vmem>>
    %dma_wait3A_575 = arith.constant 0 : i32
    %dma_wait3A_576 = arith.constant 0 : i32
    %dma_wait3A_577 = tpu.memref_slice %arg2[%dma_wait3A_575, %dma_wait3A_576] : memref<522240x16xf32, #tpu.memory_space<hbm>> -> memref<522240x16xf32, #tpu.memory_space<hbm>>
    tpu.wait_indirect_dma semaphore(%arg14 : memref<!tpu.dma_semaphore, #tpu.memory_space<semaphore_mem>>) src(%dma_wait3A_577 : memref<522240x16xf32, #tpu.memory_space<hbm>>) dst(%dma_wait3A_572 : memref<16x16xf32, #tpu.memory_space<vmem>>)
    %mul3A_578 = arith.constant 5 : i32
    %mul3A_579 = arith.muli %add3A, %mul3A_578 : i32
    %add3A_580 = arith.constant 0 : i32
    %add3A_581 = arith.addi %mul3A_579, %add3A_580 : i32
    %broadcast_in_dim3A_582 = arith.constant 0 : i32
    %broadcast_in_dim3A_583 = vector.broadcast %broadcast_in_dim3A_582 : i32 to vector<16xi32>
    %add3A_584 = vector.broadcast %add3A_581 : i32 to vector<16xi32>
    %add3A_585 = arith.addi %broadcast_in_dim3A_583, %add3A_584 : vector<16xi32>
    %gather3A_586 = tpu.vector_load_idx %arg9[%add3A_585] : memref<160xi32, #tpu.memory_space<vmem>>[vector<16xi32>], vector<16xi32>,
    %mul3A_587 = arith.constant 85 : i32
    %mul3A_588 = vector.broadcast %mul3A_587 : i32 to vector<16xi32>
    %mul3A_589 = arith.muli %gather3A_586, %mul3A_588 : vector<16xi32>
    %and3A = arith.constant 15 : i32
    %and3A_590 = vector.broadcast %and3A : i32 to vector<16xi32>
    %and3A_591 = arith.andi %mul3A_589, %and3A_590 : vector<16xi32>
    %add3A_592 = arith.constant 0 : i32
    %add3A_593 = vector.broadcast %add3A_592 : i32 to vector<16xi32>
    %add3A_594 = arith.addi %and3A_591, %add3A_593 : vector<16xi32>
    %add3A_595 = arith.addi %add3A_594, %iota3A : vector<16xi32>
    %shift_right_arithmetic3A_596 = arith.constant 4 : i32
    %shift_right_arithmetic3A_597 = vector.broadcast %shift_right_arithmetic3A_596 : i32 to vector<16xi32>
    %shift_right_arithmetic3A_598 = arith.shrsi %add3A_595, %shift_right_arithmetic3A_597 : vector<16xi32>
    %add3A_599 = arith.constant 0 : i32
    %add3A_600 = vector.broadcast %add3A_599 : i32 to vector<16xi32>
    %add3A_601 = arith.addi %add3A_600, %shift_right_arithmetic3A_598 : vector<16xi32>
    %and3A_602 = arith.constant 15 : i32
    %and3A_603 = vector.broadcast %and3A_602 : i32 to vector<16xi32>
    %and3A_604 = arith.andi %add3A_595, %and3A_603 : vector<16xi32>
    %gather3A_605 = tpu.vector_load_idx %arg11[%add3A_601, %and3A_604] : memref<80x16xf32, #tpu.memory_space<vmem>>[vector<16xi32>, vector<16xi32>], vector<16xf32>,
    %swap3A_606 = arith.constant 0 : index
    %swap3A_607 = tpu.vector_load %arg12[%swap3A_606] {strides = array<i32>} : memref<480xf32, #tpu.memory_space<vmem>>, vector<16xf32>,
    tpu.vector_store %arg12[%swap3A_606], %gather3A_605 {strides = array<i32>} : memref<480xf32, #tpu.memory_space<vmem>>, vector<16xf32>,
    %add3A_608 = arith.constant 16 : i32
    %add3A_609 = vector.broadcast %add3A_608 : i32 to vector<16xi32>
    %add3A_610 = arith.addi %and3A_591, %add3A_609 : vector<16xi32>
    %add3A_611 = arith.addi %add3A_610, %iota3A : vector<16xi32>
    %shift_right_arithmetic3A_612 = arith.constant 4 : i32
    %shift_right_arithmetic3A_613 = vector.broadcast %shift_right_arithmetic3A_612 : i32 to vector<16xi32>
    %shift_right_arithmetic3A_614 = arith.shrsi %add3A_611, %shift_right_arithmetic3A_613 : vector<16xi32>
    %add3A_615 = arith.constant 0 : i32
    %add3A_616 = vector.broadcast %add3A_615 : i32 to vector<16xi32>
    %add3A_617 = arith.addi %add3A_616, %shift_right_arithmetic3A_614 : vector<16xi32>
    %and3A_618 = arith.constant 15 : i32
    %and3A_619 = vector.broadcast %and3A_618 : i32 to vector<16xi32>
    %and3A_620 = arith.andi %add3A_611, %and3A_619 : vector<16xi32>
    %gather3A_621 = tpu.vector_load_idx %arg11[%add3A_617, %and3A_620] : memref<80x16xf32, #tpu.memory_space<vmem>>[vector<16xi32>, vector<16xi32>], vector<16xf32>,
    %swap3A_622 = arith.constant 16 : index
    %swap3A_623 = tpu.vector_load %arg12[%swap3A_622] {strides = array<i32>} : memref<480xf32, #tpu.memory_space<vmem>>, vector<16xf32>,
    tpu.vector_store %arg12[%swap3A_622], %gather3A_621 {strides = array<i32>} : memref<480xf32, #tpu.memory_space<vmem>>, vector<16xf32>,
    %add3A_624 = arith.constant 32 : i32
    %add3A_625 = vector.broadcast %add3A_624 : i32 to vector<16xi32>
    %add3A_626 = arith.addi %and3A_591, %add3A_625 : vector<16xi32>
    %add3A_627 = arith.addi %add3A_626, %iota3A : vector<16xi32>
    %shift_right_arithmetic3A_628 = arith.constant 4 : i32
    %shift_right_arithmetic3A_629 = vector.broadcast %shift_right_arithmetic3A_628 : i32 to vector<16xi32>
    %shift_right_arithmetic3A_630 = arith.shrsi %add3A_627, %shift_right_arithmetic3A_629 : vector<16xi32>
    %add3A_631 = arith.constant 0 : i32
    %add3A_632 = vector.broadcast %add3A_631 : i32 to vector<16xi32>
    %add3A_633 = arith.addi %add3A_632, %shift_right_arithmetic3A_630 : vector<16xi32>
    %and3A_634 = arith.constant 15 : i32
    %and3A_635 = vector.broadcast %and3A_634 : i32 to vector<16xi32>
    %and3A_636 = arith.andi %add3A_627, %and3A_635 : vector<16xi32>
    %gather3A_637 = tpu.vector_load_idx %arg11[%add3A_633, %and3A_636] : memref<80x16xf32, #tpu.memory_space<vmem>>[vector<16xi32>, vector<16xi32>], vector<16xf32>,
    %swap3A_638 = arith.constant 32 : index
    %swap3A_639 = tpu.vector_load %arg12[%swap3A_638] {strides = array<i32>} : memref<480xf32, #tpu.memory_space<vmem>>, vector<16xf32>,
    tpu.vector_store %arg12[%swap3A_638], %gather3A_637 {strides = array<i32>} : memref<480xf32, #tpu.memory_space<vmem>>, vector<16xf32>,
    %add3A_640 = arith.constant 48 : i32
    %add3A_641 = vector.broadcast %add3A_640 : i32 to vector<16xi32>
    %add3A_642 = arith.addi %and3A_591, %add3A_641 : vector<16xi32>
    %add3A_643 = arith.addi %add3A_642, %iota3A : vector<16xi32>
    %shift_right_arithmetic3A_644 = arith.constant 4 : i32
    %shift_right_arithmetic3A_645 = vector.broadcast %shift_right_arithmetic3A_644 : i32 to vector<16xi32>
    %shift_right_arithmetic3A_646 = arith.shrsi %add3A_643, %shift_right_arithmetic3A_645 : vector<16xi32>
    %add3A_647 = arith.constant 0 : i32
    %add3A_648 = vector.broadcast %add3A_647 : i32 to vector<16xi32>
    %add3A_649 = arith.addi %add3A_648, %shift_right_arithmetic3A_646 : vector<16xi32>
    %and3A_650 = arith.constant 15 : i32
    %and3A_651 = vector.broadcast %and3A_650 : i32 to vector<16xi32>
    %and3A_652 = arith.andi %add3A_643, %and3A_651 : vector<16xi32>
    %gather3A_653 = tpu.vector_load_idx %arg11[%add3A_649, %and3A_652] : memref<80x16xf32, #tpu.memory_space<vmem>>[vector<16xi32>, vector<16xi32>], vector<16xf32>,
    %swap3A_654 = arith.constant 48 : index
    %swap3A_655 = tpu.vector_load %arg12[%swap3A_654] {strides = array<i32>} : memref<480xf32, #tpu.memory_space<vmem>>, vector<16xf32>,
    tpu.vector_store %arg12[%swap3A_654], %gather3A_653 {strides = array<i32>} : memref<480xf32, #tpu.memory_space<vmem>>, vector<16xf32>,
    %add3A_656 = arith.constant 64 : i32
    %add3A_657 = vector.broadcast %add3A_656 : i32 to vector<16xi32>
    %add3A_658 = arith.addi %and3A_591, %add3A_657 : vector<16xi32>
    %add3A_659 = arith.addi %add3A_658, %iota3A : vector<16xi32>
    %shift_right_arithmetic3A_660 = arith.constant 4 : i32
    %shift_right_arithmetic3A_661 = vector.broadcast %shift_right_arithmetic3A_660 : i32 to vector<16xi32>
    %shift_right_arithmetic3A_662 = arith.shrsi %add3A_659, %shift_right_arithmetic3A_661 : vector<16xi32>
    %add3A_663 = arith.constant 0 : i32
    %add3A_664 = vector.broadcast %add3A_663 : i32 to vector<16xi32>
    %add3A_665 = arith.addi %add3A_664, %shift_right_arithmetic3A_662 : vector<16xi32>
    %and3A_666 = arith.constant 15 : i32
    %and3A_667 = vector.broadcast %and3A_666 : i32 to vector<16xi32>
    %and3A_668 = arith.andi %add3A_659, %and3A_667 : vector<16xi32>
    %gather3A_669 = tpu.vector_load_idx %arg11[%add3A_665, %and3A_668] : memref<80x16xf32, #tpu.memory_space<vmem>>[vector<16xi32>, vector<16xi32>], vector<16xf32>,
    %swap3A_670 = arith.constant 64 : index
    %swap3A_671 = tpu.vector_load %arg12[%swap3A_670] {strides = array<i32>} : memref<480xf32, #tpu.memory_space<vmem>>, vector<16xf32>,
    tpu.vector_store %arg12[%swap3A_670], %gather3A_669 {strides = array<i32>} : memref<480xf32, #tpu.memory_space<vmem>>, vector<16xf32>,
    %add3A_672 = arith.constant 80 : i32
    %add3A_673 = vector.broadcast %add3A_672 : i32 to vector<16xi32>
    %add3A_674 = arith.addi %and3A_591, %add3A_673 : vector<16xi32>
    %add3A_675 = arith.addi %add3A_674, %iota3A : vector<16xi32>
    %shift_right_arithmetic3A_676 = arith.constant 4 : i32
    %shift_right_arithmetic3A_677 = vector.broadcast %shift_right_arithmetic3A_676 : i32 to vector<16xi32>
    %shift_right_arithmetic3A_678 = arith.shrsi %add3A_675, %shift_right_arithmetic3A_677 : vector<16xi32>
    %add3A_679 = arith.constant 0 : i32
    %add3A_680 = vector.broadcast %add3A_679 : i32 to vector<16xi32>
    %add3A_681 = arith.addi %add3A_680, %shift_right_arithmetic3A_678 : vector<16xi32>
    %and3A_682 = arith.constant 15 : i32
    %and3A_683 = vector.broadcast %and3A_682 : i32 to vector<16xi32>
    %and3A_684 = arith.andi %add3A_675, %and3A_683 : vector<16xi32>
    %gather3A_685 = tpu.vector_load_idx %arg11[%add3A_681, %and3A_684] : memref<80x16xf32, #tpu.memory_space<vmem>>[vector<16xi32>, vector<16xi32>], vector<16xf32>,
    %swap3A_686 = arith.constant 80 : index
    %swap3A_687 = tpu.vector_load %arg12[%swap3A_686] {strides = array<i32>} : memref<480xf32, #tpu.memory_space<vmem>>, vector<16xf32>,
    tpu.vector_store %arg12[%swap3A_686], %gather3A_685 {strides = array<i32>} : memref<480xf32, #tpu.memory_space<vmem>>, vector<16xf32>,
    %mul3A_688 = arith.constant 5 : i32
    %mul3A_689 = arith.muli %add3A, %mul3A_688 : i32
    %add3A_690 = arith.constant 1 : i32
    %add3A_691 = arith.addi %mul3A_689, %add3A_690 : i32
    %broadcast_in_dim3A_692 = arith.constant 0 : i32
    %broadcast_in_dim3A_693 = vector.broadcast %broadcast_in_dim3A_692 : i32 to vector<16xi32>
    %add3A_694 = vector.broadcast %add3A_691 : i32 to vector<16xi32>
    %add3A_695 = arith.addi %broadcast_in_dim3A_693, %add3A_694 : vector<16xi32>
    %gather3A_696 = tpu.vector_load_idx %arg9[%add3A_695] : memref<160xi32, #tpu.memory_space<vmem>>[vector<16xi32>], vector<16xi32>,
    %mul3A_697 = arith.constant 85 : i32
    %mul3A_698 = vector.broadcast %mul3A_697 : i32 to vector<16xi32>
    %mul3A_699 = arith.muli %gather3A_696, %mul3A_698 : vector<16xi32>
    %and3A_700 = arith.constant 15 : i32
    %and3A_701 = vector.broadcast %and3A_700 : i32 to vector<16xi32>
    %and3A_702 = arith.andi %mul3A_699, %and3A_701 : vector<16xi32>
    %add3A_703 = arith.constant 0 : i32
    %add3A_704 = vector.broadcast %add3A_703 : i32 to vector<16xi32>
    %add3A_705 = arith.addi %and3A_702, %add3A_704 : vector<16xi32>
    %add3A_706 = arith.addi %add3A_705, %iota3A : vector<16xi32>
    %shift_right_arithmetic3A_707 = arith.constant 4 : i32
    %shift_right_arithmetic3A_708 = vector.broadcast %shift_right_arithmetic3A_707 : i32 to vector<16xi32>
    %shift_right_arithmetic3A_709 = arith.shrsi %add3A_706, %shift_right_arithmetic3A_708 : vector<16xi32>
    %add3A_710 = arith.constant 16 : i32
    %add3A_711 = vector.broadcast %add3A_710 : i32 to vector<16xi32>
    %add3A_712 = arith.addi %add3A_711, %shift_right_arithmetic3A_709 : vector<16xi32>
    %and3A_713 = arith.constant 15 : i32
    %and3A_714 = vector.broadcast %and3A_713 : i32 to vector<16xi32>
    %and3A_715 = arith.andi %add3A_706, %and3A_714 : vector<16xi32>
    %gather3A_716 = tpu.vector_load_idx %arg11[%add3A_712, %and3A_715] : memref<80x16xf32, #tpu.memory_space<vmem>>[vector<16xi32>, vector<16xi32>], vector<16xf32>,
    %swap3A_717 = arith.constant 96 : index
    %swap3A_718 = tpu.vector_load %arg12[%swap3A_717] {strides = array<i32>} : memref<480xf32, #tpu.memory_space<vmem>>, vector<16xf32>,
    tpu.vector_store %arg12[%swap3A_717], %gather3A_716 {strides = array<i32>} : memref<480xf32, #tpu.memory_space<vmem>>, vector<16xf32>,
    %add3A_719 = arith.constant 16 : i32
    %add3A_720 = vector.broadcast %add3A_719 : i32 to vector<16xi32>
    %add3A_721 = arith.addi %and3A_702, %add3A_720 : vector<16xi32>
    %add3A_722 = arith.addi %add3A_721, %iota3A : vector<16xi32>
    %shift_right_arithmetic3A_723 = arith.constant 4 : i32
    %shift_right_arithmetic3A_724 = vector.broadcast %shift_right_arithmetic3A_723 : i32 to vector<16xi32>
    %shift_right_arithmetic3A_725 = arith.shrsi %add3A_722, %shift_right_arithmetic3A_724 : vector<16xi32>
    %add3A_726 = arith.constant 16 : i32
    %add3A_727 = vector.broadcast %add3A_726 : i32 to vector<16xi32>
    %add3A_728 = arith.addi %add3A_727, %shift_right_arithmetic3A_725 : vector<16xi32>
    %and3A_729 = arith.constant 15 : i32
    %and3A_730 = vector.broadcast %and3A_729 : i32 to vector<16xi32>
    %and3A_731 = arith.andi %add3A_722, %and3A_730 : vector<16xi32>
    %gather3A_732 = tpu.vector_load_idx %arg11[%add3A_728, %and3A_731] : memref<80x16xf32, #tpu.memory_space<vmem>>[vector<16xi32>, vector<16xi32>], vector<16xf32>,
    %swap3A_733 = arith.constant 112 : index
    %swap3A_734 = tpu.vector_load %arg12[%swap3A_733] {strides = array<i32>} : memref<480xf32, #tpu.memory_space<vmem>>, vector<16xf32>,
    tpu.vector_store %arg12[%swap3A_733], %gather3A_732 {strides = array<i32>} : memref<480xf32, #tpu.memory_space<vmem>>, vector<16xf32>,
    %add3A_735 = arith.constant 32 : i32
    %add3A_736 = vector.broadcast %add3A_735 : i32 to vector<16xi32>
    %add3A_737 = arith.addi %and3A_702, %add3A_736 : vector<16xi32>
    %add3A_738 = arith.addi %add3A_737, %iota3A : vector<16xi32>
    %shift_right_arithmetic3A_739 = arith.constant 4 : i32
    %shift_right_arithmetic3A_740 = vector.broadcast %shift_right_arithmetic3A_739 : i32 to vector<16xi32>
    %shift_right_arithmetic3A_741 = arith.shrsi %add3A_738, %shift_right_arithmetic3A_740 : vector<16xi32>
    %add3A_742 = arith.constant 16 : i32
    %add3A_743 = vector.broadcast %add3A_742 : i32 to vector<16xi32>
    %add3A_744 = arith.addi %add3A_743, %shift_right_arithmetic3A_741 : vector<16xi32>
    %and3A_745 = arith.constant 15 : i32
    %and3A_746 = vector.broadcast %and3A_745 : i32 to vector<16xi32>
    %and3A_747 = arith.andi %add3A_738, %and3A_746 : vector<16xi32>
    %gather3A_748 = tpu.vector_load_idx %arg11[%add3A_744, %and3A_747] : memref<80x16xf32, #tpu.memory_space<vmem>>[vector<16xi32>, vector<16xi32>], vector<16xf32>,
    %swap3A_749 = arith.constant 128 : index
    %swap3A_750 = tpu.vector_load %arg12[%swap3A_749] {strides = array<i32>} : memref<480xf32, #tpu.memory_space<vmem>>, vector<16xf32>,
    tpu.vector_store %arg12[%swap3A_749], %gather3A_748 {strides = array<i32>} : memref<480xf32, #tpu.memory_space<vmem>>, vector<16xf32>,
    %add3A_751 = arith.constant 48 : i32
    %add3A_752 = vector.broadcast %add3A_751 : i32 to vector<16xi32>
    %add3A_753 = arith.addi %and3A_702, %add3A_752 : vector<16xi32>
    %add3A_754 = arith.addi %add3A_753, %iota3A : vector<16xi32>
    %shift_right_arithmetic3A_755 = arith.constant 4 : i32
    %shift_right_arithmetic3A_756 = vector.broadcast %shift_right_arithmetic3A_755 : i32 to vector<16xi32>
    %shift_right_arithmetic3A_757 = arith.shrsi %add3A_754, %shift_right_arithmetic3A_756 : vector<16xi32>
    %add3A_758 = arith.constant 16 : i32
    %add3A_759 = vector.broadcast %add3A_758 : i32 to vector<16xi32>
    %add3A_760 = arith.addi %add3A_759, %shift_right_arithmetic3A_757 : vector<16xi32>
    %and3A_761 = arith.constant 15 : i32
    %and3A_762 = vector.broadcast %and3A_761 : i32 to vector<16xi32>
    %and3A_763 = arith.andi %add3A_754, %and3A_762 : vector<16xi32>
    %gather3A_764 = tpu.vector_load_idx %arg11[%add3A_760, %and3A_763] : memref<80x16xf32, #tpu.memory_space<vmem>>[vector<16xi32>, vector<16xi32>], vector<16xf32>,
    %swap3A_765 = arith.constant 144 : index
    %swap3A_766 = tpu.vector_load %arg12[%swap3A_765] {strides = array<i32>} : memref<480xf32, #tpu.memory_space<vmem>>, vector<16xf32>,
    tpu.vector_store %arg12[%swap3A_765], %gather3A_764 {strides = array<i32>} : memref<480xf32, #tpu.memory_space<vmem>>, vector<16xf32>,
    %add3A_767 = arith.constant 64 : i32
    %add3A_768 = vector.broadcast %add3A_767 : i32 to vector<16xi32>
    %add3A_769 = arith.addi %and3A_702, %add3A_768 : vector<16xi32>
    %add3A_770 = arith.addi %add3A_769, %iota3A : vector<16xi32>
    %shift_right_arithmetic3A_771 = arith.constant 4 : i32
    %shift_right_arithmetic3A_772 = vector.broadcast %shift_right_arithmetic3A_771 : i32 to vector<16xi32>
    %shift_right_arithmetic3A_773 = arith.shrsi %add3A_770, %shift_right_arithmetic3A_772 : vector<16xi32>
    %add3A_774 = arith.constant 16 : i32
    %add3A_775 = vector.broadcast %add3A_774 : i32 to vector<16xi32>
    %add3A_776 = arith.addi %add3A_775, %shift_right_arithmetic3A_773 : vector<16xi32>
    %and3A_777 = arith.constant 15 : i32
    %and3A_778 = vector.broadcast %and3A_777 : i32 to vector<16xi32>
    %and3A_779 = arith.andi %add3A_770, %and3A_778 : vector<16xi32>
    %gather3A_780 = tpu.vector_load_idx %arg11[%add3A_776, %and3A_779] : memref<80x16xf32, #tpu.memory_space<vmem>>[vector<16xi32>, vector<16xi32>], vector<16xf32>,
    %swap3A_781 = arith.constant 160 : index
    %swap3A_782 = tpu.vector_load %arg12[%swap3A_781] {strides = array<i32>} : memref<480xf32, #tpu.memory_space<vmem>>, vector<16xf32>,
    tpu.vector_store %arg12[%swap3A_781], %gather3A_780 {strides = array<i32>} : memref<480xf32, #tpu.memory_space<vmem>>, vector<16xf32>,
    %add3A_783 = arith.constant 80 : i32
    %add3A_784 = vector.broadcast %add3A_783 : i32 to vector<16xi32>
    %add3A_785 = arith.addi %and3A_702, %add3A_784 : vector<16xi32>
    %add3A_786 = arith.addi %add3A_785, %iota3A : vector<16xi32>
    %shift_right_arithmetic3A_787 = arith.constant 4 : i32
    %shift_right_arithmetic3A_788 = vector.broadcast %shift_right_arithmetic3A_787 : i32 to vector<16xi32>
    %shift_right_arithmetic3A_789 = arith.shrsi %add3A_786, %shift_right_arithmetic3A_788 : vector<16xi32>
    %add3A_790 = arith.constant 16 : i32
    %add3A_791 = vector.broadcast %add3A_790 : i32 to vector<16xi32>
    %add3A_792 = arith.addi %add3A_791, %shift_right_arithmetic3A_789 : vector<16xi32>
    %and3A_793 = arith.constant 15 : i32
    %and3A_794 = vector.broadcast %and3A_793 : i32 to vector<16xi32>
    %and3A_795 = arith.andi %add3A_786, %and3A_794 : vector<16xi32>
    %gather3A_796 = tpu.vector_load_idx %arg11[%add3A_792, %and3A_795] : memref<80x16xf32, #tpu.memory_space<vmem>>[vector<16xi32>, vector<16xi32>], vector<16xf32>,
    %swap3A_797 = arith.constant 176 : index
    %swap3A_798 = tpu.vector_load %arg12[%swap3A_797] {strides = array<i32>} : memref<480xf32, #tpu.memory_space<vmem>>, vector<16xf32>,
    tpu.vector_store %arg12[%swap3A_797], %gather3A_796 {strides = array<i32>} : memref<480xf32, #tpu.memory_space<vmem>>, vector<16xf32>,
    %mul3A_799 = arith.constant 5 : i32
    %mul3A_800 = arith.muli %add3A, %mul3A_799 : i32
    %add3A_801 = arith.constant 2 : i32
    %add3A_802 = arith.addi %mul3A_800, %add3A_801 : i32
    %broadcast_in_dim3A_803 = arith.constant 0 : i32
    %broadcast_in_dim3A_804 = vector.broadcast %broadcast_in_dim3A_803 : i32 to vector<16xi32>
    %add3A_805 = vector.broadcast %add3A_802 : i32 to vector<16xi32>
    %add3A_806 = arith.addi %broadcast_in_dim3A_804, %add3A_805 : vector<16xi32>
    %gather3A_807 = tpu.vector_load_idx %arg9[%add3A_806] : memref<160xi32, #tpu.memory_space<vmem>>[vector<16xi32>], vector<16xi32>,
    %mul3A_808 = arith.constant 85 : i32
    %mul3A_809 = vector.broadcast %mul3A_808 : i32 to vector<16xi32>
    %mul3A_810 = arith.muli %gather3A_807, %mul3A_809 : vector<16xi32>
    %and3A_811 = arith.constant 15 : i32
    %and3A_812 = vector.broadcast %and3A_811 : i32 to vector<16xi32>
    %and3A_813 = arith.andi %mul3A_810, %and3A_812 : vector<16xi32>
    %add3A_814 = arith.constant 0 : i32
    %add3A_815 = vector.broadcast %add3A_814 : i32 to vector<16xi32>
    %add3A_816 = arith.addi %and3A_813, %add3A_815 : vector<16xi32>
    %add3A_817 = arith.addi %add3A_816, %iota3A : vector<16xi32>
    %shift_right_arithmetic3A_818 = arith.constant 4 : i32
    %shift_right_arithmetic3A_819 = vector.broadcast %shift_right_arithmetic3A_818 : i32 to vector<16xi32>
    %shift_right_arithmetic3A_820 = arith.shrsi %add3A_817, %shift_right_arithmetic3A_819 : vector<16xi32>
    %add3A_821 = arith.constant 32 : i32
    %add3A_822 = vector.broadcast %add3A_821 : i32 to vector<16xi32>
    %add3A_823 = arith.addi %add3A_822, %shift_right_arithmetic3A_820 : vector<16xi32>
    %and3A_824 = arith.constant 15 : i32
    %and3A_825 = vector.broadcast %and3A_824 : i32 to vector<16xi32>
    %and3A_826 = arith.andi %add3A_817, %and3A_825 : vector<16xi32>
    %gather3A_827 = tpu.vector_load_idx %arg11[%add3A_823, %and3A_826] : memref<80x16xf32, #tpu.memory_space<vmem>>[vector<16xi32>, vector<16xi32>], vector<16xf32>,
    %swap3A_828 = arith.constant 192 : index
    %swap3A_829 = tpu.vector_load %arg12[%swap3A_828] {strides = array<i32>} : memref<480xf32, #tpu.memory_space<vmem>>, vector<16xf32>,
    tpu.vector_store %arg12[%swap3A_828], %gather3A_827 {strides = array<i32>} : memref<480xf32, #tpu.memory_space<vmem>>, vector<16xf32>,
    %add3A_830 = arith.constant 16 : i32
    %add3A_831 = vector.broadcast %add3A_830 : i32 to vector<16xi32>
    %add3A_832 = arith.addi %and3A_813, %add3A_831 : vector<16xi32>
    %add3A_833 = arith.addi %add3A_832, %iota3A : vector<16xi32>
    %shift_right_arithmetic3A_834 = arith.constant 4 : i32
    %shift_right_arithmetic3A_835 = vector.broadcast %shift_right_arithmetic3A_834 : i32 to vector<16xi32>
    %shift_right_arithmetic3A_836 = arith.shrsi %add3A_833, %shift_right_arithmetic3A_835 : vector<16xi32>
    %add3A_837 = arith.constant 32 : i32
    %add3A_838 = vector.broadcast %add3A_837 : i32 to vector<16xi32>
    %add3A_839 = arith.addi %add3A_838, %shift_right_arithmetic3A_836 : vector<16xi32>
    %and3A_840 = arith.constant 15 : i32
    %and3A_841 = vector.broadcast %and3A_840 : i32 to vector<16xi32>
    %and3A_842 = arith.andi %add3A_833, %and3A_841 : vector<16xi32>
    %gather3A_843 = tpu.vector_load_idx %arg11[%add3A_839, %and3A_842] : memref<80x16xf32, #tpu.memory_space<vmem>>[vector<16xi32>, vector<16xi32>], vector<16xf32>,
    %swap3A_844 = arith.constant 208 : index
    %swap3A_845 = tpu.vector_load %arg12[%swap3A_844] {strides = array<i32>} : memref<480xf32, #tpu.memory_space<vmem>>, vector<16xf32>,
    tpu.vector_store %arg12[%swap3A_844], %gather3A_843 {strides = array<i32>} : memref<480xf32, #tpu.memory_space<vmem>>, vector<16xf32>,
    %add3A_846 = arith.constant 32 : i32
    %add3A_847 = vector.broadcast %add3A_846 : i32 to vector<16xi32>
    %add3A_848 = arith.addi %and3A_813, %add3A_847 : vector<16xi32>
    %add3A_849 = arith.addi %add3A_848, %iota3A : vector<16xi32>
    %shift_right_arithmetic3A_850 = arith.constant 4 : i32
    %shift_right_arithmetic3A_851 = vector.broadcast %shift_right_arithmetic3A_850 : i32 to vector<16xi32>
    %shift_right_arithmetic3A_852 = arith.shrsi %add3A_849, %shift_right_arithmetic3A_851 : vector<16xi32>
    %add3A_853 = arith.constant 32 : i32
    %add3A_854 = vector.broadcast %add3A_853 : i32 to vector<16xi32>
    %add3A_855 = arith.addi %add3A_854, %shift_right_arithmetic3A_852 : vector<16xi32>
    %and3A_856 = arith.constant 15 : i32
    %and3A_857 = vector.broadcast %and3A_856 : i32 to vector<16xi32>
    %and3A_858 = arith.andi %add3A_849, %and3A_857 : vector<16xi32>
    %gather3A_859 = tpu.vector_load_idx %arg11[%add3A_855, %and3A_858] : memref<80x16xf32, #tpu.memory_space<vmem>>[vector<16xi32>, vector<16xi32>], vector<16xf32>,
    %swap3A_860 = arith.constant 224 : index
    %swap3A_861 = tpu.vector_load %arg12[%swap3A_860] {strides = array<i32>} : memref<480xf32, #tpu.memory_space<vmem>>, vector<16xf32>,
    tpu.vector_store %arg12[%swap3A_860], %gather3A_859 {strides = array<i32>} : memref<480xf32, #tpu.memory_space<vmem>>, vector<16xf32>,
    %add3A_862 = arith.constant 48 : i32
    %add3A_863 = vector.broadcast %add3A_862 : i32 to vector<16xi32>
    %add3A_864 = arith.addi %and3A_813, %add3A_863 : vector<16xi32>
    %add3A_865 = arith.addi %add3A_864, %iota3A : vector<16xi32>
    %shift_right_arithmetic3A_866 = arith.constant 4 : i32
    %shift_right_arithmetic3A_867 = vector.broadcast %shift_right_arithmetic3A_866 : i32 to vector<16xi32>
    %shift_right_arithmetic3A_868 = arith.shrsi %add3A_865, %shift_right_arithmetic3A_867 : vector<16xi32>
    %add3A_869 = arith.constant 32 : i32
    %add3A_870 = vector.broadcast %add3A_869 : i32 to vector<16xi32>
    %add3A_871 = arith.addi %add3A_870, %shift_right_arithmetic3A_868 : vector<16xi32>
    %and3A_872 = arith.constant 15 : i32
    %and3A_873 = vector.broadcast %and3A_872 : i32 to vector<16xi32>
    %and3A_874 = arith.andi %add3A_865, %and3A_873 : vector<16xi32>
    %gather3A_875 = tpu.vector_load_idx %arg11[%add3A_871, %and3A_874] : memref<80x16xf32, #tpu.memory_space<vmem>>[vector<16xi32>, vector<16xi32>], vector<16xf32>,
    %swap3A_876 = arith.constant 240 : index
    %swap3A_877 = tpu.vector_load %arg12[%swap3A_876] {strides = array<i32>} : memref<480xf32, #tpu.memory_space<vmem>>, vector<16xf32>,
    tpu.vector_store %arg12[%swap3A_876], %gather3A_875 {strides = array<i32>} : memref<480xf32, #tpu.memory_space<vmem>>, vector<16xf32>,
    %add3A_878 = arith.constant 64 : i32
    %add3A_879 = vector.broadcast %add3A_878 : i32 to vector<16xi32>
    %add3A_880 = arith.addi %and3A_813, %add3A_879 : vector<16xi32>
    %add3A_881 = arith.addi %add3A_880, %iota3A : vector<16xi32>
    %shift_right_arithmetic3A_882 = arith.constant 4 : i32
    %shift_right_arithmetic3A_883 = vector.broadcast %shift_right_arithmetic3A_882 : i32 to vector<16xi32>
    %shift_right_arithmetic3A_884 = arith.shrsi %add3A_881, %shift_right_arithmetic3A_883 : vector<16xi32>
    %add3A_885 = arith.constant 32 : i32
    %add3A_886 = vector.broadcast %add3A_885 : i32 to vector<16xi32>
    %add3A_887 = arith.addi %add3A_886, %shift_right_arithmetic3A_884 : vector<16xi32>
    %and3A_888 = arith.constant 15 : i32
    %and3A_889 = vector.broadcast %and3A_888 : i32 to vector<16xi32>
    %and3A_890 = arith.andi %add3A_881, %and3A_889 : vector<16xi32>
    %gather3A_891 = tpu.vector_load_idx %arg11[%add3A_887, %and3A_890] : memref<80x16xf32, #tpu.memory_space<vmem>>[vector<16xi32>, vector<16xi32>], vector<16xf32>,
    %swap3A_892 = arith.constant 256 : index
    %swap3A_893 = tpu.vector_load %arg12[%swap3A_892] {strides = array<i32>} : memref<480xf32, #tpu.memory_space<vmem>>, vector<16xf32>,
    tpu.vector_store %arg12[%swap3A_892], %gather3A_891 {strides = array<i32>} : memref<480xf32, #tpu.memory_space<vmem>>, vector<16xf32>,
    %add3A_894 = arith.constant 80 : i32
    %add3A_895 = vector.broadcast %add3A_894 : i32 to vector<16xi32>
    %add3A_896 = arith.addi %and3A_813, %add3A_895 : vector<16xi32>
    %add3A_897 = arith.addi %add3A_896, %iota3A : vector<16xi32>
    %shift_right_arithmetic3A_898 = arith.constant 4 : i32
    %shift_right_arithmetic3A_899 = vector.broadcast %shift_right_arithmetic3A_898 : i32 to vector<16xi32>
    %shift_right_arithmetic3A_900 = arith.shrsi %add3A_897, %shift_right_arithmetic3A_899 : vector<16xi32>
    %add3A_901 = arith.constant 32 : i32
    %add3A_902 = vector.broadcast %add3A_901 : i32 to vector<16xi32>
    %add3A_903 = arith.addi %add3A_902, %shift_right_arithmetic3A_900 : vector<16xi32>
    %and3A_904 = arith.constant 15 : i32
    %and3A_905 = vector.broadcast %and3A_904 : i32 to vector<16xi32>
    %and3A_906 = arith.andi %add3A_897, %and3A_905 : vector<16xi32>
    %gather3A_907 = tpu.vector_load_idx %arg11[%add3A_903, %and3A_906] : memref<80x16xf32, #tpu.memory_space<vmem>>[vector<16xi32>, vector<16xi32>], vector<16xf32>,
    %swap3A_908 = arith.constant 272 : index
    %swap3A_909 = tpu.vector_load %arg12[%swap3A_908] {strides = array<i32>} : memref<480xf32, #tpu.memory_space<vmem>>, vector<16xf32>,
    tpu.vector_store %arg12[%swap3A_908], %gather3A_907 {strides = array<i32>} : memref<480xf32, #tpu.memory_space<vmem>>, vector<16xf32>,
    %mul3A_910 = arith.constant 5 : i32
    %mul3A_911 = arith.muli %add3A, %mul3A_910 : i32
    %add3A_912 = arith.constant 3 : i32
    %add3A_913 = arith.addi %mul3A_911, %add3A_912 : i32
    %broadcast_in_dim3A_914 = arith.constant 0 : i32
    %broadcast_in_dim3A_915 = vector.broadcast %broadcast_in_dim3A_914 : i32 to vector<16xi32>
    %add3A_916 = vector.broadcast %add3A_913 : i32 to vector<16xi32>
    %add3A_917 = arith.addi %broadcast_in_dim3A_915, %add3A_916 : vector<16xi32>
    %gather3A_918 = tpu.vector_load_idx %arg9[%add3A_917] : memref<160xi32, #tpu.memory_space<vmem>>[vector<16xi32>], vector<16xi32>,
    %mul3A_919 = arith.constant 85 : i32
    %mul3A_920 = vector.broadcast %mul3A_919 : i32 to vector<16xi32>
    %mul3A_921 = arith.muli %gather3A_918, %mul3A_920 : vector<16xi32>
    %and3A_922 = arith.constant 15 : i32
    %and3A_923 = vector.broadcast %and3A_922 : i32 to vector<16xi32>
    %and3A_924 = arith.andi %mul3A_921, %and3A_923 : vector<16xi32>
    %add3A_925 = arith.constant 0 : i32
    %add3A_926 = vector.broadcast %add3A_925 : i32 to vector<16xi32>
    %add3A_927 = arith.addi %and3A_924, %add3A_926 : vector<16xi32>
    %add3A_928 = arith.addi %add3A_927, %iota3A : vector<16xi32>
    %shift_right_arithmetic3A_929 = arith.constant 4 : i32
    %shift_right_arithmetic3A_930 = vector.broadcast %shift_right_arithmetic3A_929 : i32 to vector<16xi32>
    %shift_right_arithmetic3A_931 = arith.shrsi %add3A_928, %shift_right_arithmetic3A_930 : vector<16xi32>
    %add3A_932 = arith.constant 48 : i32
    %add3A_933 = vector.broadcast %add3A_932 : i32 to vector<16xi32>
    %add3A_934 = arith.addi %add3A_933, %shift_right_arithmetic3A_931 : vector<16xi32>
    %and3A_935 = arith.constant 15 : i32
    %and3A_936 = vector.broadcast %and3A_935 : i32 to vector<16xi32>
    %and3A_937 = arith.andi %add3A_928, %and3A_936 : vector<16xi32>
    %gather3A_938 = tpu.vector_load_idx %arg11[%add3A_934, %and3A_937] : memref<80x16xf32, #tpu.memory_space<vmem>>[vector<16xi32>, vector<16xi32>], vector<16xf32>,
    %swap3A_939 = arith.constant 288 : index
    %swap3A_940 = tpu.vector_load %arg12[%swap3A_939] {strides = array<i32>} : memref<480xf32, #tpu.memory_space<vmem>>, vector<16xf32>,
    tpu.vector_store %arg12[%swap3A_939], %gather3A_938 {strides = array<i32>} : memref<480xf32, #tpu.memory_space<vmem>>, vector<16xf32>,
    %add3A_941 = arith.constant 16 : i32
    %add3A_942 = vector.broadcast %add3A_941 : i32 to vector<16xi32>
    %add3A_943 = arith.addi %and3A_924, %add3A_942 : vector<16xi32>
    %add3A_944 = arith.addi %add3A_943, %iota3A : vector<16xi32>
    %shift_right_arithmetic3A_945 = arith.constant 4 : i32
    %shift_right_arithmetic3A_946 = vector.broadcast %shift_right_arithmetic3A_945 : i32 to vector<16xi32>
    %shift_right_arithmetic3A_947 = arith.shrsi %add3A_944, %shift_right_arithmetic3A_946 : vector<16xi32>
    %add3A_948 = arith.constant 48 : i32
    %add3A_949 = vector.broadcast %add3A_948 : i32 to vector<16xi32>
    %add3A_950 = arith.addi %add3A_949, %shift_right_arithmetic3A_947 : vector<16xi32>
    %and3A_951 = arith.constant 15 : i32
    %and3A_952 = vector.broadcast %and3A_951 : i32 to vector<16xi32>
    %and3A_953 = arith.andi %add3A_944, %and3A_952 : vector<16xi32>
    %gather3A_954 = tpu.vector_load_idx %arg11[%add3A_950, %and3A_953] : memref<80x16xf32, #tpu.memory_space<vmem>>[vector<16xi32>, vector<16xi32>], vector<16xf32>,
    %swap3A_955 = arith.constant 304 : index
    %swap3A_956 = tpu.vector_load %arg12[%swap3A_955] {strides = array<i32>} : memref<480xf32, #tpu.memory_space<vmem>>, vector<16xf32>,
    tpu.vector_store %arg12[%swap3A_955], %gather3A_954 {strides = array<i32>} : memref<480xf32, #tpu.memory_space<vmem>>, vector<16xf32>,
    %add3A_957 = arith.constant 32 : i32
    %add3A_958 = vector.broadcast %add3A_957 : i32 to vector<16xi32>
    %add3A_959 = arith.addi %and3A_924, %add3A_958 : vector<16xi32>
    %add3A_960 = arith.addi %add3A_959, %iota3A : vector<16xi32>
    %shift_right_arithmetic3A_961 = arith.constant 4 : i32
    %shift_right_arithmetic3A_962 = vector.broadcast %shift_right_arithmetic3A_961 : i32 to vector<16xi32>
    %shift_right_arithmetic3A_963 = arith.shrsi %add3A_960, %shift_right_arithmetic3A_962 : vector<16xi32>
    %add3A_964 = arith.constant 48 : i32
    %add3A_965 = vector.broadcast %add3A_964 : i32 to vector<16xi32>
    %add3A_966 = arith.addi %add3A_965, %shift_right_arithmetic3A_963 : vector<16xi32>
    %and3A_967 = arith.constant 15 : i32
    %and3A_968 = vector.broadcast %and3A_967 : i32 to vector<16xi32>
    %and3A_969 = arith.andi %add3A_960, %and3A_968 : vector<16xi32>
    %gather3A_970 = tpu.vector_load_idx %arg11[%add3A_966, %and3A_969] : memref<80x16xf32, #tpu.memory_space<vmem>>[vector<16xi32>, vector<16xi32>], vector<16xf32>,
    %swap3A_971 = arith.constant 320 : index
    %swap3A_972 = tpu.vector_load %arg12[%swap3A_971] {strides = array<i32>} : memref<480xf32, #tpu.memory_space<vmem>>, vector<16xf32>,
    tpu.vector_store %arg12[%swap3A_971], %gather3A_970 {strides = array<i32>} : memref<480xf32, #tpu.memory_space<vmem>>, vector<16xf32>,
    %add3A_973 = arith.constant 48 : i32
    %add3A_974 = vector.broadcast %add3A_973 : i32 to vector<16xi32>
    %add3A_975 = arith.addi %and3A_924, %add3A_974 : vector<16xi32>
    %add3A_976 = arith.addi %add3A_975, %iota3A : vector<16xi32>
    %shift_right_arithmetic3A_977 = arith.constant 4 : i32
    %shift_right_arithmetic3A_978 = vector.broadcast %shift_right_arithmetic3A_977 : i32 to vector<16xi32>
    %shift_right_arithmetic3A_979 = arith.shrsi %add3A_976, %shift_right_arithmetic3A_978 : vector<16xi32>
    %add3A_980 = arith.constant 48 : i32
    %add3A_981 = vector.broadcast %add3A_980 : i32 to vector<16xi32>
    %add3A_982 = arith.addi %add3A_981, %shift_right_arithmetic3A_979 : vector<16xi32>
    %and3A_983 = arith.constant 15 : i32
    %and3A_984 = vector.broadcast %and3A_983 : i32 to vector<16xi32>
    %and3A_985 = arith.andi %add3A_976, %and3A_984 : vector<16xi32>
    %gather3A_986 = tpu.vector_load_idx %arg11[%add3A_982, %and3A_985] : memref<80x16xf32, #tpu.memory_space<vmem>>[vector<16xi32>, vector<16xi32>], vector<16xf32>,
    %swap3A_987 = arith.constant 336 : index
    %swap3A_988 = tpu.vector_load %arg12[%swap3A_987] {strides = array<i32>} : memref<480xf32, #tpu.memory_space<vmem>>, vector<16xf32>,
    tpu.vector_store %arg12[%swap3A_987], %gather3A_986 {strides = array<i32>} : memref<480xf32, #tpu.memory_space<vmem>>, vector<16xf32>,
    %add3A_989 = arith.constant 64 : i32
    %add3A_990 = vector.broadcast %add3A_989 : i32 to vector<16xi32>
    %add3A_991 = arith.addi %and3A_924, %add3A_990 : vector<16xi32>
    %add3A_992 = arith.addi %add3A_991, %iota3A : vector<16xi32>
    %shift_right_arithmetic3A_993 = arith.constant 4 : i32
    %shift_right_arithmetic3A_994 = vector.broadcast %shift_right_arithmetic3A_993 : i32 to vector<16xi32>
    %shift_right_arithmetic3A_995 = arith.shrsi %add3A_992, %shift_right_arithmetic3A_994 : vector<16xi32>
    %add3A_996 = arith.constant 48 : i32
    %add3A_997 = vector.broadcast %add3A_996 : i32 to vector<16xi32>
    %add3A_998 = arith.addi %add3A_997, %shift_right_arithmetic3A_995 : vector<16xi32>
    %and3A_999 = arith.constant 15 : i32
    %and3A_1000 = vector.broadcast %and3A_999 : i32 to vector<16xi32>
    %and3A_1001 = arith.andi %add3A_992, %and3A_1000 : vector<16xi32>
    %gather3A_1002 = tpu.vector_load_idx %arg11[%add3A_998, %and3A_1001] : memref<80x16xf32, #tpu.memory_space<vmem>>[vector<16xi32>, vector<16xi32>], vector<16xf32>,
    %swap3A_1003 = arith.constant 352 : index
    %swap3A_1004 = tpu.vector_load %arg12[%swap3A_1003] {strides = array<i32>} : memref<480xf32, #tpu.memory_space<vmem>>, vector<16xf32>,
    tpu.vector_store %arg12[%swap3A_1003], %gather3A_1002 {strides = array<i32>} : memref<480xf32, #tpu.memory_space<vmem>>, vector<16xf32>,
    %add3A_1005 = arith.constant 80 : i32
    %add3A_1006 = vector.broadcast %add3A_1005 : i32 to vector<16xi32>
    %add3A_1007 = arith.addi %and3A_924, %add3A_1006 : vector<16xi32>
    %add3A_1008 = arith.addi %add3A_1007, %iota3A : vector<16xi32>
    %shift_right_arithmetic3A_1009 = arith.constant 4 : i32
    %shift_right_arithmetic3A_1010 = vector.broadcast %shift_right_arithmetic3A_1009 : i32 to vector<16xi32>
    %shift_right_arithmetic3A_1011 = arith.shrsi %add3A_1008, %shift_right_arithmetic3A_1010 : vector<16xi32>
    %add3A_1012 = arith.constant 48 : i32
    %add3A_1013 = vector.broadcast %add3A_1012 : i32 to vector<16xi32>
    %add3A_1014 = arith.addi %add3A_1013, %shift_right_arithmetic3A_1011 : vector<16xi32>
    %and3A_1015 = arith.constant 15 : i32
    %and3A_1016 = vector.broadcast %and3A_1015 : i32 to vector<16xi32>
    %and3A_1017 = arith.andi %add3A_1008, %and3A_1016 : vector<16xi32>
    %gather3A_1018 = tpu.vector_load_idx %arg11[%add3A_1014, %and3A_1017] : memref<80x16xf32, #tpu.memory_space<vmem>>[vector<16xi32>, vector<16xi32>], vector<16xf32>,
    %swap3A_1019 = arith.constant 368 : index
    %swap3A_1020 = tpu.vector_load %arg12[%swap3A_1019] {strides = array<i32>} : memref<480xf32, #tpu.memory_space<vmem>>, vector<16xf32>,
    tpu.vector_store %arg12[%swap3A_1019], %gather3A_1018 {strides = array<i32>} : memref<480xf32, #tpu.memory_space<vmem>>, vector<16xf32>,
    %mul3A_1021 = arith.constant 5 : i32
    %mul3A_1022 = arith.muli %add3A, %mul3A_1021 : i32
    %add3A_1023 = arith.constant 4 : i32
    %add3A_1024 = arith.addi %mul3A_1022, %add3A_1023 : i32
    %broadcast_in_dim3A_1025 = arith.constant 0 : i32
    %broadcast_in_dim3A_1026 = vector.broadcast %broadcast_in_dim3A_1025 : i32 to vector<16xi32>
    %add3A_1027 = vector.broadcast %add3A_1024 : i32 to vector<16xi32>
    %add3A_1028 = arith.addi %broadcast_in_dim3A_1026, %add3A_1027 : vector<16xi32>
    %gather3A_1029 = tpu.vector_load_idx %arg9[%add3A_1028] : memref<160xi32, #tpu.memory_space<vmem>>[vector<16xi32>], vector<16xi32>,
    %mul3A_1030 = arith.constant 85 : i32
    %mul3A_1031 = vector.broadcast %mul3A_1030 : i32 to vector<16xi32>
    %mul3A_1032 = arith.muli %gather3A_1029, %mul3A_1031 : vector<16xi32>
    %and3A_1033 = arith.constant 15 : i32
    %and3A_1034 = vector.broadcast %and3A_1033 : i32 to vector<16xi32>
    %and3A_1035 = arith.andi %mul3A_1032, %and3A_1034 : vector<16xi32>
    %add3A_1036 = arith.constant 0 : i32
    %add3A_1037 = vector.broadcast %add3A_1036 : i32 to vector<16xi32>
    %add3A_1038 = arith.addi %and3A_1035, %add3A_1037 : vector<16xi32>
    %add3A_1039 = arith.addi %add3A_1038, %iota3A : vector<16xi32>
    %shift_right_arithmetic3A_1040 = arith.constant 4 : i32
    %shift_right_arithmetic3A_1041 = vector.broadcast %shift_right_arithmetic3A_1040 : i32 to vector<16xi32>
    %shift_right_arithmetic3A_1042 = arith.shrsi %add3A_1039, %shift_right_arithmetic3A_1041 : vector<16xi32>
    %add3A_1043 = arith.constant 64 : i32
    %add3A_1044 = vector.broadcast %add3A_1043 : i32 to vector<16xi32>
    %add3A_1045 = arith.addi %add3A_1044, %shift_right_arithmetic3A_1042 : vector<16xi32>
    %and3A_1046 = arith.constant 15 : i32
    %and3A_1047 = vector.broadcast %and3A_1046 : i32 to vector<16xi32>
    %and3A_1048 = arith.andi %add3A_1039, %and3A_1047 : vector<16xi32>
    %gather3A_1049 = tpu.vector_load_idx %arg11[%add3A_1045, %and3A_1048] : memref<80x16xf32, #tpu.memory_space<vmem>>[vector<16xi32>, vector<16xi32>], vector<16xf32>,
    %swap3A_1050 = arith.constant 384 : index
    %swap3A_1051 = tpu.vector_load %arg12[%swap3A_1050] {strides = array<i32>} : memref<480xf32, #tpu.memory_space<vmem>>, vector<16xf32>,
    tpu.vector_store %arg12[%swap3A_1050], %gather3A_1049 {strides = array<i32>} : memref<480xf32, #tpu.memory_space<vmem>>, vector<16xf32>,
    %add3A_1052 = arith.constant 16 : i32
    %add3A_1053 = vector.broadcast %add3A_1052 : i32 to vector<16xi32>
    %add3A_1054 = arith.addi %and3A_1035, %add3A_1053 : vector<16xi32>
    %add3A_1055 = arith.addi %add3A_1054, %iota3A : vector<16xi32>
    %shift_right_arithmetic3A_1056 = arith.constant 4 : i32
    %shift_right_arithmetic3A_1057 = vector.broadcast %shift_right_arithmetic3A_1056 : i32 to vector<16xi32>
    %shift_right_arithmetic3A_1058 = arith.shrsi %add3A_1055, %shift_right_arithmetic3A_1057 : vector<16xi32>
    %add3A_1059 = arith.constant 64 : i32
    %add3A_1060 = vector.broadcast %add3A_1059 : i32 to vector<16xi32>
    %add3A_1061 = arith.addi %add3A_1060, %shift_right_arithmetic3A_1058 : vector<16xi32>
    %and3A_1062 = arith.constant 15 : i32
    %and3A_1063 = vector.broadcast %and3A_1062 : i32 to vector<16xi32>
    %and3A_1064 = arith.andi %add3A_1055, %and3A_1063 : vector<16xi32>
    %gather3A_1065 = tpu.vector_load_idx %arg11[%add3A_1061, %and3A_1064] : memref<80x16xf32, #tpu.memory_space<vmem>>[vector<16xi32>, vector<16xi32>], vector<16xf32>,
    %swap3A_1066 = arith.constant 400 : index
    %swap3A_1067 = tpu.vector_load %arg12[%swap3A_1066] {strides = array<i32>} : memref<480xf32, #tpu.memory_space<vmem>>, vector<16xf32>,
    tpu.vector_store %arg12[%swap3A_1066], %gather3A_1065 {strides = array<i32>} : memref<480xf32, #tpu.memory_space<vmem>>, vector<16xf32>,
    %add3A_1068 = arith.constant 32 : i32
    %add3A_1069 = vector.broadcast %add3A_1068 : i32 to vector<16xi32>
    %add3A_1070 = arith.addi %and3A_1035, %add3A_1069 : vector<16xi32>
    %add3A_1071 = arith.addi %add3A_1070, %iota3A : vector<16xi32>
    %shift_right_arithmetic3A_1072 = arith.constant 4 : i32
    %shift_right_arithmetic3A_1073 = vector.broadcast %shift_right_arithmetic3A_1072 : i32 to vector<16xi32>
    %shift_right_arithmetic3A_1074 = arith.shrsi %add3A_1071, %shift_right_arithmetic3A_1073 : vector<16xi32>
    %add3A_1075 = arith.constant 64 : i32
    %add3A_1076 = vector.broadcast %add3A_1075 : i32 to vector<16xi32>
    %add3A_1077 = arith.addi %add3A_1076, %shift_right_arithmetic3A_1074 : vector<16xi32>
    %and3A_1078 = arith.constant 15 : i32
    %and3A_1079 = vector.broadcast %and3A_1078 : i32 to vector<16xi32>
    %and3A_1080 = arith.andi %add3A_1071, %and3A_1079 : vector<16xi32>
    %gather3A_1081 = tpu.vector_load_idx %arg11[%add3A_1077, %and3A_1080] : memref<80x16xf32, #tpu.memory_space<vmem>>[vector<16xi32>, vector<16xi32>], vector<16xf32>,
    %swap3A_1082 = arith.constant 416 : index
    %swap3A_1083 = tpu.vector_load %arg12[%swap3A_1082] {strides = array<i32>} : memref<480xf32, #tpu.memory_space<vmem>>, vector<16xf32>,
    tpu.vector_store %arg12[%swap3A_1082], %gather3A_1081 {strides = array<i32>} : memref<480xf32, #tpu.memory_space<vmem>>, vector<16xf32>,
    %add3A_1084 = arith.constant 48 : i32
    %add3A_1085 = vector.broadcast %add3A_1084 : i32 to vector<16xi32>
    %add3A_1086 = arith.addi %and3A_1035, %add3A_1085 : vector<16xi32>
    %add3A_1087 = arith.addi %add3A_1086, %iota3A : vector<16xi32>
    %shift_right_arithmetic3A_1088 = arith.constant 4 : i32
    %shift_right_arithmetic3A_1089 = vector.broadcast %shift_right_arithmetic3A_1088 : i32 to vector<16xi32>
    %shift_right_arithmetic3A_1090 = arith.shrsi %add3A_1087, %shift_right_arithmetic3A_1089 : vector<16xi32>
    %add3A_1091 = arith.constant 64 : i32
    %add3A_1092 = vector.broadcast %add3A_1091 : i32 to vector<16xi32>
    %add3A_1093 = arith.addi %add3A_1092, %shift_right_arithmetic3A_1090 : vector<16xi32>
    %and3A_1094 = arith.constant 15 : i32
    %and3A_1095 = vector.broadcast %and3A_1094 : i32 to vector<16xi32>
    %and3A_1096 = arith.andi %add3A_1087, %and3A_1095 : vector<16xi32>
    %gather3A_1097 = tpu.vector_load_idx %arg11[%add3A_1093, %and3A_1096] : memref<80x16xf32, #tpu.memory_space<vmem>>[vector<16xi32>, vector<16xi32>], vector<16xf32>,
    %swap3A_1098 = arith.constant 432 : index
    %swap3A_1099 = tpu.vector_load %arg12[%swap3A_1098] {strides = array<i32>} : memref<480xf32, #tpu.memory_space<vmem>>, vector<16xf32>,
    tpu.vector_store %arg12[%swap3A_1098], %gather3A_1097 {strides = array<i32>} : memref<480xf32, #tpu.memory_space<vmem>>, vector<16xf32>,
    %add3A_1100 = arith.constant 64 : i32
    %add3A_1101 = vector.broadcast %add3A_1100 : i32 to vector<16xi32>
    %add3A_1102 = arith.addi %and3A_1035, %add3A_1101 : vector<16xi32>
    %add3A_1103 = arith.addi %add3A_1102, %iota3A : vector<16xi32>
    %shift_right_arithmetic3A_1104 = arith.constant 4 : i32
    %shift_right_arithmetic3A_1105 = vector.broadcast %shift_right_arithmetic3A_1104 : i32 to vector<16xi32>
    %shift_right_arithmetic3A_1106 = arith.shrsi %add3A_1103, %shift_right_arithmetic3A_1105 : vector<16xi32>
    %add3A_1107 = arith.constant 64 : i32
    %add3A_1108 = vector.broadcast %add3A_1107 : i32 to vector<16xi32>
    %add3A_1109 = arith.addi %add3A_1108, %shift_right_arithmetic3A_1106 : vector<16xi32>
    %and3A_1110 = arith.constant 15 : i32
    %and3A_1111 = vector.broadcast %and3A_1110 : i32 to vector<16xi32>
    %and3A_1112 = arith.andi %add3A_1103, %and3A_1111 : vector<16xi32>
    %gather3A_1113 = tpu.vector_load_idx %arg11[%add3A_1109, %and3A_1112] : memref<80x16xf32, #tpu.memory_space<vmem>>[vector<16xi32>, vector<16xi32>], vector<16xf32>,
    %swap3A_1114 = arith.constant 448 : index
    %swap3A_1115 = tpu.vector_load %arg12[%swap3A_1114] {strides = array<i32>} : memref<480xf32, #tpu.memory_space<vmem>>, vector<16xf32>,
    tpu.vector_store %arg12[%swap3A_1114], %gather3A_1113 {strides = array<i32>} : memref<480xf32, #tpu.memory_space<vmem>>, vector<16xf32>,
    %add3A_1116 = arith.constant 80 : i32
    %add3A_1117 = vector.broadcast %add3A_1116 : i32 to vector<16xi32>
    %add3A_1118 = arith.addi %and3A_1035, %add3A_1117 : vector<16xi32>
    %add3A_1119 = arith.addi %add3A_1118, %iota3A : vector<16xi32>
    %shift_right_arithmetic3A_1120 = arith.constant 4 : i32
    %shift_right_arithmetic3A_1121 = vector.broadcast %shift_right_arithmetic3A_1120 : i32 to vector<16xi32>
    %shift_right_arithmetic3A_1122 = arith.shrsi %add3A_1119, %shift_right_arithmetic3A_1121 : vector<16xi32>
    %add3A_1123 = arith.constant 64 : i32
    %add3A_1124 = vector.broadcast %add3A_1123 : i32 to vector<16xi32>
    %add3A_1125 = arith.addi %add3A_1124, %shift_right_arithmetic3A_1122 : vector<16xi32>
    %and3A_1126 = arith.constant 15 : i32
    %and3A_1127 = vector.broadcast %and3A_1126 : i32 to vector<16xi32>
    %and3A_1128 = arith.andi %add3A_1119, %and3A_1127 : vector<16xi32>
    %gather3A_1129 = tpu.vector_load_idx %arg11[%add3A_1125, %and3A_1128] : memref<80x16xf32, #tpu.memory_space<vmem>>[vector<16xi32>, vector<16xi32>], vector<16xf32>,
    %swap3A_1130 = arith.constant 464 : index
    %swap3A_1131 = tpu.vector_load %arg12[%swap3A_1130] {strides = array<i32>} : memref<480xf32, #tpu.memory_space<vmem>>, vector<16xf32>,
    tpu.vector_store %arg12[%swap3A_1130], %gather3A_1129 {strides = array<i32>} : memref<480xf32, #tpu.memory_space<vmem>>, vector<16xf32>,
    %mul3A_1132 = arith.constant 5 : i32
    %mul3A_1133 = arith.muli %add3A, %mul3A_1132 : i32
    %mul3A_1134 = arith.constant 96 : i32
    %mul3A_1135 = arith.muli %mul3A_1133, %mul3A_1134 : i32
    "tpu.region"() ({
      %run_scoped3A = tpu.sem_alloc : memref<!tpu.dma_semaphore, #tpu.memory_space<semaphore_mem>>
      %dma_start3A_1136 = tpu.memref_slice %arg5[%mul3A_1135] : memref<15360xf32, #tpu.memory_space<hbm>> -> memref<480xf32, #tpu.memory_space<hbm>>
      %dma_start3A_1137 = tpu.memref_slice %arg5[%mul3A_1135] : memref<15360xf32, #tpu.memory_space<hbm>> -> memref<480xf32, #tpu.memory_space<hbm>>
      tpu.enqueue_dma source(%arg12 : memref<480xf32, #tpu.memory_space<vmem>>) target(%dma_start3A_1137 : memref<480xf32, #tpu.memory_space<hbm>>) target_semaphore(%run_scoped3A : memref<!tpu.dma_semaphore, #tpu.memory_space<semaphore_mem>>)
      %dma_wait3A_1138 = tpu.memref_slice %arg5[%mul3A_1135] : memref<15360xf32, #tpu.memory_space<hbm>> -> memref<480xf32, #tpu.memory_space<hbm>>
      %dma_wait3A_1139 = tpu.memref_slice %arg5[%mul3A_1135] : memref<15360xf32, #tpu.memory_space<hbm>> -> memref<480xf32, #tpu.memory_space<hbm>>
      tpu.wait_dma2 semaphore(%run_scoped3A : memref<!tpu.dma_semaphore, #tpu.memory_space<semaphore_mem>>) src(%arg12 : memref<480xf32, #tpu.memory_space<vmem>>) dst(%dma_wait3A_1139 : memref<480xf32, #tpu.memory_space<hbm>>)
      tpu.yield
    }) : () -> ()
    return
  }
}

module attributes {stable_mosaic.version = 14 : i64} {
  func.func @_assign_body(%arg0: memref<8x20x4xf32, #tpu.memory_space<vmem>>, %arg1: memref<8x20xi32, #tpu.memory_space<vmem>>, %arg2: memref<1x64xf32, #tpu.memory_space<vmem>>, %arg3: memref<1x64xf32, #tpu.memory_space<vmem>>, %arg4: memref<3x2xf32, #tpu.memory_space<smem>>, %arg5: memref<8x20xi32, #tpu.memory_space<vmem>>, %arg6: memref<8x20xf32, #tpu.memory_space<vmem>>, %arg7: memref<8x20xf32, #tpu.memory_space<vmem>>, %arg8: memref<8x20xf32, #tpu.memory_space<vmem>>, %arg9: memref<8x20xf32, #tpu.memory_space<vmem>>, %arg10: memref<8x20xf32, #tpu.memory_space<vmem>>, %arg11: memref<1x1xf32, #tpu.memory_space<smem>>) attributes {dimension_semantics = [], scalar_prefetch = 0 : i64, scratch_operands = 0 : i64, tpu.core_type = #tpu.core_type<tc>} {
    %get3A = arith.constant 0 : index
    %get3A_0 = arith.constant 0 : index
    %get3A_1 = arith.constant 0 : index
    %get3A_2 = vector.load %arg0[%get3A, %get3A_0, %get3A_1] : memref<8x20x4xf32, #tpu.memory_space<vmem>>, vector<8x20x4xf32>
    %slice3A = vector.extract_strided_slice %get3A_2 {offsets = [0, 0, 0], sizes = [8, 20, 1], strides = [1, 1, 1]} : vector<8x20x4xf32> to vector<8x20x1xf32>
    %squeeze3A = vector.shape_cast %slice3A : vector<8x20x1xf32> to vector<8x20xf32>
    %slice3A_3 = vector.extract_strided_slice %get3A_2 {offsets = [0, 0, 1], sizes = [8, 20, 1], strides = [1, 1, 1]} : vector<8x20x4xf32> to vector<8x20x1xf32>
    %squeeze3A_4 = vector.shape_cast %slice3A_3 : vector<8x20x1xf32> to vector<8x20xf32>
    %slice3A_5 = vector.extract_strided_slice %get3A_2 {offsets = [0, 0, 2], sizes = [8, 20, 1], strides = [1, 1, 1]} : vector<8x20x4xf32> to vector<8x20x1xf32>
    %squeeze3A_6 = vector.shape_cast %slice3A_5 : vector<8x20x1xf32> to vector<8x20xf32>
    %slice3A_7 = vector.extract_strided_slice %get3A_2 {offsets = [0, 0, 3], sizes = [8, 20, 1], strides = [1, 1, 1]} : vector<8x20x4xf32> to vector<8x20x1xf32>
    %squeeze3A_8 = vector.shape_cast %slice3A_7 : vector<8x20x1xf32> to vector<8x20xf32>
    %add3A = arith.addf %squeeze3A, %squeeze3A_6 : vector<8x20xf32>
    %mul3A = arith.constant 5.000000e-01 : f32
    %mul3A_9 = vector.broadcast %mul3A : f32 to vector<8x20xf32>
    %mul3A_10 = arith.mulf %add3A, %mul3A_9 : vector<8x20xf32>
    %add3A_11 = arith.addf %squeeze3A_4, %squeeze3A_8 : vector<8x20xf32>
    %mul3A_12 = arith.constant 5.000000e-01 : f32
    %mul3A_13 = vector.broadcast %mul3A_12 : f32 to vector<8x20xf32>
    %mul3A_14 = arith.mulf %add3A_11, %mul3A_13 : vector<8x20xf32>
    %div3A = arith.constant 8.000000e+00 : f32
    %div3A_15 = vector.broadcast %div3A : f32 to vector<8x20xf32>
    %div3A_16 = arith.divf %mul3A_10, %div3A_15 : vector<8x20xf32>
    %convert_element_type3A = arith.fptosi %div3A_16 : vector<8x20xf32> to vector<8x20xi32>
    %jit3A = arith.constant 0 : i32
    %jit3A_17 = arith.constant 63 : i32
    %max3A = vector.broadcast %jit3A : i32 to vector<8x20xi32>
    %max3A_18 = arith.maxsi %max3A, %convert_element_type3A : vector<8x20xi32>
    %min3A = vector.broadcast %jit3A_17 : i32 to vector<8x20xi32>
    %min3A_19 = arith.minsi %min3A, %max3A_18 : vector<8x20xi32>
    %div3A_20 = arith.constant 8.000000e+00 : f32
    %div3A_21 = vector.broadcast %div3A_20 : f32 to vector<8x20xf32>
    %div3A_22 = arith.divf %mul3A_14, %div3A_21 : vector<8x20xf32>
    %convert_element_type3A_23 = arith.fptosi %div3A_22 : vector<8x20xf32> to vector<8x20xi32>
    %jit3A_24 = arith.constant 0 : i32
    %jit3A_25 = arith.constant 63 : i32
    %max3A_26 = vector.broadcast %jit3A_24 : i32 to vector<8x20xi32>
    %max3A_27 = arith.maxsi %max3A_26, %convert_element_type3A_23 : vector<8x20xi32>
    %min3A_28 = vector.broadcast %jit3A_25 : i32 to vector<8x20xi32>
    %min3A_29 = arith.minsi %min3A_28, %max3A_27 : vector<8x20xi32>
    %iota3A = tpu.iota {dimensions = array<i32: 2>} : vector<8x20x64xi32>
    %broadcast_in_dim3A = vector.shape_cast %min3A_19 : vector<8x20xi32> to vector<8x20x1xi32>
    %eq3A = vector.broadcast %broadcast_in_dim3A : vector<8x20x1xi32> to vector<8x20x64xi32>
    %eq3A_30 = arith.cmpi eq, %eq3A, %iota3A : vector<8x20x64xi32>
    %get3A_31 = arith.constant 0 : index
    %get3A_32 = arith.constant 0 : index
    %get3A_33 = vector.load %arg2[%get3A_31, %get3A_32] : memref<1x64xf32, #tpu.memory_space<vmem>>, vector<1x64xf32>
    %broadcast_in_dim3A_34 = vector.shape_cast %get3A_33 : vector<1x64xf32> to vector<1x1x64xf32>
    %jit3A_35 = arith.constant 0.000000e+00 : f32
    %broadcast_in_dim3A_36 = vector.shape_cast %broadcast_in_dim3A_34 : vector<1x1x64xf32> to vector<1x1x64xf32>
    %broadcast_in_dim3A_37 = vector.broadcast %broadcast_in_dim3A_36 : vector<1x1x64xf32> to vector<8x20x64xf32>
    %broadcast_in_dim3A_38 = vector.broadcast %jit3A_35 : f32 to vector<8x20x64xf32>
    %select_n3A = arith.select %eq3A_30, %broadcast_in_dim3A_37, %broadcast_in_dim3A_38 : vector<8x20x64xi1>, vector<8x20x64xf32>
    %reduce_sum3A = arith.constant dense<0.000000e+00> : vector<8x20xf32>
    %reduce_sum3A_39 = vector.multi_reduction <add>, %select_n3A, %reduce_sum3A [2] : vector<8x20x64xf32> to vector<8x20xf32>
    %iota3A_40 = tpu.iota {dimensions = array<i32: 2>} : vector<8x20x64xi32>
    %broadcast_in_dim3A_41 = vector.shape_cast %min3A_29 : vector<8x20xi32> to vector<8x20x1xi32>
    %eq3A_42 = vector.broadcast %broadcast_in_dim3A_41 : vector<8x20x1xi32> to vector<8x20x64xi32>
    %eq3A_43 = arith.cmpi eq, %eq3A_42, %iota3A_40 : vector<8x20x64xi32>
    %get3A_44 = arith.constant 0 : index
    %get3A_45 = arith.constant 0 : index
    %get3A_46 = vector.load %arg3[%get3A_44, %get3A_45] : memref<1x64xf32, #tpu.memory_space<vmem>>, vector<1x64xf32>
    %broadcast_in_dim3A_47 = vector.shape_cast %get3A_46 : vector<1x64xf32> to vector<1x1x64xf32>
    %jit3A_48 = arith.constant 0.000000e+00 : f32
    %broadcast_in_dim3A_49 = vector.shape_cast %broadcast_in_dim3A_47 : vector<1x1x64xf32> to vector<1x1x64xf32>
    %broadcast_in_dim3A_50 = vector.broadcast %broadcast_in_dim3A_49 : vector<1x1x64xf32> to vector<8x20x64xf32>
    %broadcast_in_dim3A_51 = vector.broadcast %jit3A_48 : f32 to vector<8x20x64xf32>
    %select_n3A_52 = arith.select %eq3A_43, %broadcast_in_dim3A_50, %broadcast_in_dim3A_51 : vector<8x20x64xi1>, vector<8x20x64xf32>
    %reduce_sum3A_53 = arith.constant dense<0.000000e+00> : vector<8x20xf32>
    %reduce_sum3A_54 = vector.multi_reduction <add>, %select_n3A_52, %reduce_sum3A_53 [2] : vector<8x20x64xf32> to vector<8x20xf32>
    %sub3A = arith.subf %squeeze3A_6, %squeeze3A : vector<8x20xf32>
    %sub3A_55 = arith.subf %squeeze3A_8, %squeeze3A_4 : vector<8x20xf32>
    %mul3A_56 = arith.mulf %sub3A, %sub3A_55 : vector<8x20xf32>
    %get3A_57 = arith.constant 0 : index
    %get3A_58 = arith.constant 0 : index
    %get3A_59 = memref.load %arg4[%get3A_57, %get3A_58] : memref<3x2xf32, #tpu.memory_space<smem>>
    %get3A_60 = arith.constant 0 : index
    %get3A_61 = arith.constant 1 : index
    %get3A_62 = memref.load %arg4[%get3A_60, %get3A_61] : memref<3x2xf32, #tpu.memory_space<smem>>
    %mul3A_63 = arith.constant 5.000000e-01 : f32
    %mul3A_64 = arith.mulf %get3A_59, %mul3A_63 : f32
    %sub3A_65 = vector.broadcast %mul3A_64 : f32 to vector<8x20xf32>
    %sub3A_66 = arith.subf %reduce_sum3A_39, %sub3A_65 : vector<8x20xf32>
    %mul3A_67 = arith.constant 5.000000e-01 : f32
    %mul3A_68 = arith.mulf %get3A_62, %mul3A_67 : f32
    %sub3A_69 = vector.broadcast %mul3A_68 : f32 to vector<8x20xf32>
    %sub3A_70 = arith.subf %reduce_sum3A_54, %sub3A_69 : vector<8x20xf32>
    %mul3A_71 = arith.constant 5.000000e-01 : f32
    %mul3A_72 = arith.mulf %get3A_59, %mul3A_71 : f32
    %add3A_73 = vector.broadcast %mul3A_72 : f32 to vector<8x20xf32>
    %add3A_74 = arith.addf %reduce_sum3A_39, %add3A_73 : vector<8x20xf32>
    %mul3A_75 = arith.constant 5.000000e-01 : f32
    %mul3A_76 = arith.mulf %get3A_62, %mul3A_75 : f32
    %add3A_77 = vector.broadcast %mul3A_76 : f32 to vector<8x20xf32>
    %add3A_78 = arith.addf %reduce_sum3A_54, %add3A_77 : vector<8x20xf32>
    %min3A_79 = arith.minimumf %squeeze3A_6, %add3A_74 : vector<8x20xf32>
    %max3A_80 = arith.maximumf %squeeze3A, %sub3A_66 : vector<8x20xf32>
    %sub3A_81 = arith.subf %min3A_79, %max3A_80 : vector<8x20xf32>
    %max3A_82 = arith.constant 0.000000e+00 : f32
    %max3A_83 = vector.broadcast %max3A_82 : f32 to vector<8x20xf32>
    %max3A_84 = arith.maximumf %sub3A_81, %max3A_83 : vector<8x20xf32>
    %min3A_85 = arith.minimumf %squeeze3A_8, %add3A_78 : vector<8x20xf32>
    %max3A_86 = arith.maximumf %squeeze3A_4, %sub3A_70 : vector<8x20xf32>
    %sub3A_87 = arith.subf %min3A_85, %max3A_86 : vector<8x20xf32>
    %max3A_88 = arith.constant 0.000000e+00 : f32
    %max3A_89 = vector.broadcast %max3A_88 : f32 to vector<8x20xf32>
    %max3A_90 = arith.maximumf %sub3A_87, %max3A_89 : vector<8x20xf32>
    %mul3A_91 = arith.mulf %max3A_84, %max3A_90 : vector<8x20xf32>
    %sub3A_92 = arith.subf %add3A_74, %sub3A_66 : vector<8x20xf32>
    %sub3A_93 = arith.subf %add3A_78, %sub3A_70 : vector<8x20xf32>
    %mul3A_94 = arith.mulf %sub3A_92, %sub3A_93 : vector<8x20xf32>
    %add3A_95 = arith.addf %mul3A_56, %mul3A_94 : vector<8x20xf32>
    %sub3A_96 = arith.subf %add3A_95, %mul3A_91 : vector<8x20xf32>
    %add3A_97 = arith.constant 1.000000e-16 : f32
    %add3A_98 = vector.broadcast %add3A_97 : f32 to vector<8x20xf32>
    %add3A_99 = arith.addf %sub3A_96, %add3A_98 : vector<8x20xf32>
    %div3A_100 = arith.divf %mul3A_91, %add3A_99 : vector<8x20xf32>
    %get3A_101 = arith.constant 1 : index
    %get3A_102 = arith.constant 0 : index
    %get3A_103 = memref.load %arg4[%get3A_101, %get3A_102] : memref<3x2xf32, #tpu.memory_space<smem>>
    %get3A_104 = arith.constant 1 : index
    %get3A_105 = arith.constant 1 : index
    %get3A_106 = memref.load %arg4[%get3A_104, %get3A_105] : memref<3x2xf32, #tpu.memory_space<smem>>
    %mul3A_107 = arith.constant 5.000000e-01 : f32
    %mul3A_108 = arith.mulf %get3A_103, %mul3A_107 : f32
    %sub3A_109 = vector.broadcast %mul3A_108 : f32 to vector<8x20xf32>
    %sub3A_110 = arith.subf %reduce_sum3A_39, %sub3A_109 : vector<8x20xf32>
    %mul3A_111 = arith.constant 5.000000e-01 : f32
    %mul3A_112 = arith.mulf %get3A_106, %mul3A_111 : f32
    %sub3A_113 = vector.broadcast %mul3A_112 : f32 to vector<8x20xf32>
    %sub3A_114 = arith.subf %reduce_sum3A_54, %sub3A_113 : vector<8x20xf32>
    %mul3A_115 = arith.constant 5.000000e-01 : f32
    %mul3A_116 = arith.mulf %get3A_103, %mul3A_115 : f32
    %add3A_117 = vector.broadcast %mul3A_116 : f32 to vector<8x20xf32>
    %add3A_118 = arith.addf %reduce_sum3A_39, %add3A_117 : vector<8x20xf32>
    %mul3A_119 = arith.constant 5.000000e-01 : f32
    %mul3A_120 = arith.mulf %get3A_106, %mul3A_119 : f32
    %add3A_121 = vector.broadcast %mul3A_120 : f32 to vector<8x20xf32>
    %add3A_122 = arith.addf %reduce_sum3A_54, %add3A_121 : vector<8x20xf32>
    %min3A_123 = arith.minimumf %squeeze3A_6, %add3A_118 : vector<8x20xf32>
    %max3A_124 = arith.maximumf %squeeze3A, %sub3A_110 : vector<8x20xf32>
    %sub3A_125 = arith.subf %min3A_123, %max3A_124 : vector<8x20xf32>
    %max3A_126 = arith.constant 0.000000e+00 : f32
    %max3A_127 = vector.broadcast %max3A_126 : f32 to vector<8x20xf32>
    %max3A_128 = arith.maximumf %sub3A_125, %max3A_127 : vector<8x20xf32>
    %min3A_129 = arith.minimumf %squeeze3A_8, %add3A_122 : vector<8x20xf32>
    %max3A_130 = arith.maximumf %squeeze3A_4, %sub3A_114 : vector<8x20xf32>
    %sub3A_131 = arith.subf %min3A_129, %max3A_130 : vector<8x20xf32>
    %max3A_132 = arith.constant 0.000000e+00 : f32
    %max3A_133 = vector.broadcast %max3A_132 : f32 to vector<8x20xf32>
    %max3A_134 = arith.maximumf %sub3A_131, %max3A_133 : vector<8x20xf32>
    %mul3A_135 = arith.mulf %max3A_128, %max3A_134 : vector<8x20xf32>
    %sub3A_136 = arith.subf %add3A_118, %sub3A_110 : vector<8x20xf32>
    %sub3A_137 = arith.subf %add3A_122, %sub3A_114 : vector<8x20xf32>
    %mul3A_138 = arith.mulf %sub3A_136, %sub3A_137 : vector<8x20xf32>
    %add3A_139 = arith.addf %mul3A_56, %mul3A_138 : vector<8x20xf32>
    %sub3A_140 = arith.subf %add3A_139, %mul3A_135 : vector<8x20xf32>
    %add3A_141 = arith.constant 1.000000e-16 : f32
    %add3A_142 = vector.broadcast %add3A_141 : f32 to vector<8x20xf32>
    %add3A_143 = arith.addf %sub3A_140, %add3A_142 : vector<8x20xf32>
    %div3A_144 = arith.divf %mul3A_135, %add3A_143 : vector<8x20xf32>
    %get3A_145 = arith.constant 2 : index
    %get3A_146 = arith.constant 0 : index
    %get3A_147 = memref.load %arg4[%get3A_145, %get3A_146] : memref<3x2xf32, #tpu.memory_space<smem>>
    %get3A_148 = arith.constant 2 : index
    %get3A_149 = arith.constant 1 : index
    %get3A_150 = memref.load %arg4[%get3A_148, %get3A_149] : memref<3x2xf32, #tpu.memory_space<smem>>
    %mul3A_151 = arith.constant 5.000000e-01 : f32
    %mul3A_152 = arith.mulf %get3A_147, %mul3A_151 : f32
    %sub3A_153 = vector.broadcast %mul3A_152 : f32 to vector<8x20xf32>
    %sub3A_154 = arith.subf %reduce_sum3A_39, %sub3A_153 : vector<8x20xf32>
    %mul3A_155 = arith.constant 5.000000e-01 : f32
    %mul3A_156 = arith.mulf %get3A_150, %mul3A_155 : f32
    %sub3A_157 = vector.broadcast %mul3A_156 : f32 to vector<8x20xf32>
    %sub3A_158 = arith.subf %reduce_sum3A_54, %sub3A_157 : vector<8x20xf32>
    %mul3A_159 = arith.constant 5.000000e-01 : f32
    %mul3A_160 = arith.mulf %get3A_147, %mul3A_159 : f32
    %add3A_161 = vector.broadcast %mul3A_160 : f32 to vector<8x20xf32>
    %add3A_162 = arith.addf %reduce_sum3A_39, %add3A_161 : vector<8x20xf32>
    %mul3A_163 = arith.constant 5.000000e-01 : f32
    %mul3A_164 = arith.mulf %get3A_150, %mul3A_163 : f32
    %add3A_165 = vector.broadcast %mul3A_164 : f32 to vector<8x20xf32>
    %add3A_166 = arith.addf %reduce_sum3A_54, %add3A_165 : vector<8x20xf32>
    %min3A_167 = arith.minimumf %squeeze3A_6, %add3A_162 : vector<8x20xf32>
    %max3A_168 = arith.maximumf %squeeze3A, %sub3A_154 : vector<8x20xf32>
    %sub3A_169 = arith.subf %min3A_167, %max3A_168 : vector<8x20xf32>
    %max3A_170 = arith.constant 0.000000e+00 : f32
    %max3A_171 = vector.broadcast %max3A_170 : f32 to vector<8x20xf32>
    %max3A_172 = arith.maximumf %sub3A_169, %max3A_171 : vector<8x20xf32>
    %min3A_173 = arith.minimumf %squeeze3A_8, %add3A_166 : vector<8x20xf32>
    %max3A_174 = arith.maximumf %squeeze3A_4, %sub3A_158 : vector<8x20xf32>
    %sub3A_175 = arith.subf %min3A_173, %max3A_174 : vector<8x20xf32>
    %max3A_176 = arith.constant 0.000000e+00 : f32
    %max3A_177 = vector.broadcast %max3A_176 : f32 to vector<8x20xf32>
    %max3A_178 = arith.maximumf %sub3A_175, %max3A_177 : vector<8x20xf32>
    %mul3A_179 = arith.mulf %max3A_172, %max3A_178 : vector<8x20xf32>
    %sub3A_180 = arith.subf %add3A_162, %sub3A_154 : vector<8x20xf32>
    %sub3A_181 = arith.subf %add3A_166, %sub3A_158 : vector<8x20xf32>
    %mul3A_182 = arith.mulf %sub3A_180, %sub3A_181 : vector<8x20xf32>
    %add3A_183 = arith.addf %mul3A_56, %mul3A_182 : vector<8x20xf32>
    %sub3A_184 = arith.subf %add3A_183, %mul3A_179 : vector<8x20xf32>
    %add3A_185 = arith.constant 1.000000e-16 : f32
    %add3A_186 = vector.broadcast %add3A_185 : f32 to vector<8x20xf32>
    %add3A_187 = arith.addf %sub3A_184, %add3A_186 : vector<8x20xf32>
    %div3A_188 = arith.divf %mul3A_179, %add3A_187 : vector<8x20xf32>
    %max3A_189 = arith.maximumf %div3A_100, %div3A_144 : vector<8x20xf32>
    %max3A_190 = arith.maximumf %max3A_189, %div3A_188 : vector<8x20xf32>
    %eq3A_191 = arith.cmpf oeq, %div3A_100, %max3A_190 : vector<8x20xf32>
    %eq3A_192 = arith.cmpf oeq, %div3A_144, %max3A_190 : vector<8x20xf32>
    %jit3A_193 = arith.constant 1 : i32
    %jit3A_194 = arith.constant 2 : i32
    %broadcast_in_dim3A_195 = vector.broadcast %jit3A_193 : i32 to vector<8x20xi32>
    %broadcast_in_dim3A_196 = vector.broadcast %jit3A_194 : i32 to vector<8x20xi32>
    %select_n3A_197 = arith.select %eq3A_192, %broadcast_in_dim3A_195, %broadcast_in_dim3A_196 : vector<8x20xi1>, vector<8x20xi32>
    %jit3A_198 = arith.constant 0 : i32
    %broadcast_in_dim3A_199 = vector.broadcast %jit3A_198 : i32 to vector<8x20xi32>
    %select_n3A_200 = arith.select %eq3A_191, %broadcast_in_dim3A_199, %select_n3A_197 : vector<8x20xi1>, vector<8x20xi32>
    %mul3A_201 = arith.constant 4096 : i32
    %mul3A_202 = vector.broadcast %mul3A_201 : i32 to vector<8x20xi32>
    %mul3A_203 = arith.muli %select_n3A_200, %mul3A_202 : vector<8x20xi32>
    %mul3A_204 = arith.constant 64 : i32
    %mul3A_205 = vector.broadcast %mul3A_204 : i32 to vector<8x20xi32>
    %mul3A_206 = arith.muli %min3A_29, %mul3A_205 : vector<8x20xi32>
    %add3A_207 = arith.addi %mul3A_203, %mul3A_206 : vector<8x20xi32>
    %add3A_208 = arith.addi %add3A_207, %min3A_19 : vector<8x20xi32>
    %broadcast_in_dim3A_209 = vector.shape_cast %add3A_208 : vector<8x20xi32> to vector<8x20x1xi32>
    %broadcast_in_dim3A_210 = vector.shape_cast %add3A_208 : vector<8x20xi32> to vector<8x1x20xi32>
    %broadcast_in_dim3A_211 = vector.shape_cast %max3A_190 : vector<8x20xf32> to vector<8x20x1xf32>
    %broadcast_in_dim3A_212 = vector.shape_cast %max3A_190 : vector<8x20xf32> to vector<8x1x20xf32>
    %iota3A_213 = tpu.iota {dimensions = array<i32: 1>} : vector<8x20x20xi32>
    %iota3A_214 = tpu.iota {dimensions = array<i32: 2>} : vector<8x20x20xi32>
    %eq3A_215 = vector.broadcast %broadcast_in_dim3A_209 : vector<8x20x1xi32> to vector<8x20x20xi32>
    %eq3A_216 = vector.broadcast %broadcast_in_dim3A_210 : vector<8x1x20xi32> to vector<8x20x20xi32>
    %eq3A_217 = arith.cmpi eq, %eq3A_215, %eq3A_216 : vector<8x20x20xi32>
    %gt3A = vector.broadcast %broadcast_in_dim3A_212 : vector<8x1x20xf32> to vector<8x20x20xf32>
    %gt3A_218 = vector.broadcast %broadcast_in_dim3A_211 : vector<8x20x1xf32> to vector<8x20x20xf32>
    %gt3A_219 = arith.cmpf ogt, %gt3A, %gt3A_218 : vector<8x20x20xf32>
    %eq3A_220 = vector.broadcast %broadcast_in_dim3A_212 : vector<8x1x20xf32> to vector<8x20x20xf32>
    %eq3A_221 = vector.broadcast %broadcast_in_dim3A_211 : vector<8x20x1xf32> to vector<8x20x20xf32>
    %eq3A_222 = arith.cmpf oeq, %eq3A_220, %eq3A_221 : vector<8x20x20xf32>
    %lt3A = arith.cmpi slt, %iota3A_214, %iota3A_213 : vector<8x20x20xi32>
    %and3A = arith.andi %eq3A_222, %lt3A : vector<8x20x20xi1>
    %or3A = arith.ori %gt3A_219, %and3A : vector<8x20x20xi1>
    %and3A_223 = arith.andi %eq3A_217, %or3A : vector<8x20x20xi1>
    %reduce_or3A = arith.constant 1.000000e+00 : f32
    %reduce_or3A_224 = arith.constant 0.000000e+00 : f32
    %reduce_or3A_225 = vector.broadcast %reduce_or3A : f32 to vector<8x20x20xf32>
    %reduce_or3A_226 = vector.broadcast %reduce_or3A_224 : f32 to vector<8x20x20xf32>
    %reduce_or3A_227 = arith.select %and3A_223, %reduce_or3A_225, %reduce_or3A_226 : vector<8x20x20xi1>, vector<8x20x20xf32>
    %reduce_or3A_228 = arith.constant dense<0xFF800000> : vector<8x20xf32>
    %reduce_or3A_229 = vector.multi_reduction <maximumf>, %reduce_or3A_227, %reduce_or3A_228 [2] : vector<8x20x20xf32> to vector<8x20xf32>
    %reduce_or3A_230 = arith.constant 0.000000e+00 : f32
    %reduce_or3A_231 = vector.broadcast %reduce_or3A_230 : f32 to vector<8x20xf32>
    %reduce_or3A_232 = arith.cmpf ogt, %reduce_or3A_229, %reduce_or3A_231 : vector<8x20xf32>
    %not3A = arith.constant dense<true> : vector<8x20xi1>
    %not3A_233 = arith.xori %reduce_or3A_232, %not3A : vector<8x20xi1>
    %eq3A_234 = arith.constant 0 : i32
    %eq3A_235 = vector.broadcast %eq3A_234 : i32 to vector<8x20xi32>
    %eq3A_236 = arith.cmpi eq, %select_n3A_200, %eq3A_235 : vector<8x20xi32>
    %get3A_237 = arith.constant 0 : index
    %get3A_238 = arith.constant 0 : index
    %get3A_239 = memref.load %arg4[%get3A_237, %get3A_238] : memref<3x2xf32, #tpu.memory_space<smem>>
    %eq3A_240 = arith.constant 1 : i32
    %eq3A_241 = vector.broadcast %eq3A_240 : i32 to vector<8x20xi32>
    %eq3A_242 = arith.cmpi eq, %select_n3A_200, %eq3A_241 : vector<8x20xi32>
    %get3A_243 = arith.constant 1 : index
    %get3A_244 = arith.constant 0 : index
    %get3A_245 = memref.load %arg4[%get3A_243, %get3A_244] : memref<3x2xf32, #tpu.memory_space<smem>>
    %get3A_246 = arith.constant 2 : index
    %get3A_247 = arith.constant 0 : index
    %get3A_248 = memref.load %arg4[%get3A_246, %get3A_247] : memref<3x2xf32, #tpu.memory_space<smem>>
    %broadcast_in_dim3A_249 = vector.broadcast %get3A_245 : f32 to vector<8x20xf32>
    %broadcast_in_dim3A_250 = vector.broadcast %get3A_248 : f32 to vector<8x20xf32>
    %select_n3A_251 = arith.select %eq3A_242, %broadcast_in_dim3A_249, %broadcast_in_dim3A_250 : vector<8x20xi1>, vector<8x20xf32>
    %broadcast_in_dim3A_252 = vector.broadcast %get3A_239 : f32 to vector<8x20xf32>
    %select_n3A_253 = arith.select %eq3A_236, %broadcast_in_dim3A_252, %select_n3A_251 : vector<8x20xi1>, vector<8x20xf32>
    %eq3A_254 = arith.constant 0 : i32
    %eq3A_255 = vector.broadcast %eq3A_254 : i32 to vector<8x20xi32>
    %eq3A_256 = arith.cmpi eq, %select_n3A_200, %eq3A_255 : vector<8x20xi32>
    %get3A_257 = arith.constant 0 : index
    %get3A_258 = arith.constant 1 : index
    %get3A_259 = memref.load %arg4[%get3A_257, %get3A_258] : memref<3x2xf32, #tpu.memory_space<smem>>
    %eq3A_260 = arith.constant 1 : i32
    %eq3A_261 = vector.broadcast %eq3A_260 : i32 to vector<8x20xi32>
    %eq3A_262 = arith.cmpi eq, %select_n3A_200, %eq3A_261 : vector<8x20xi32>
    %get3A_263 = arith.constant 1 : index
    %get3A_264 = arith.constant 1 : index
    %get3A_265 = memref.load %arg4[%get3A_263, %get3A_264] : memref<3x2xf32, #tpu.memory_space<smem>>
    %get3A_266 = arith.constant 2 : index
    %get3A_267 = arith.constant 1 : index
    %get3A_268 = memref.load %arg4[%get3A_266, %get3A_267] : memref<3x2xf32, #tpu.memory_space<smem>>
    %broadcast_in_dim3A_269 = vector.broadcast %get3A_265 : f32 to vector<8x20xf32>
    %broadcast_in_dim3A_270 = vector.broadcast %get3A_268 : f32 to vector<8x20xf32>
    %select_n3A_271 = arith.select %eq3A_262, %broadcast_in_dim3A_269, %broadcast_in_dim3A_270 : vector<8x20xi1>, vector<8x20xf32>
    %broadcast_in_dim3A_272 = vector.broadcast %get3A_259 : f32 to vector<8x20xf32>
    %select_n3A_273 = arith.select %eq3A_256, %broadcast_in_dim3A_272, %select_n3A_271 : vector<8x20xi1>, vector<8x20xf32>
    %sub3A_274 = arith.subf %squeeze3A_6, %squeeze3A : vector<8x20xf32>
    %sub3A_275 = arith.subf %squeeze3A_8, %squeeze3A_4 : vector<8x20xf32>
    %iota3A_276 = tpu.iota {dimensions = array<i32: 0>} : vector<8x20xi32>
    %mul3A_277 = arith.constant 12288 : i32
    %mul3A_278 = vector.broadcast %mul3A_277 : i32 to vector<8x20xi32>
    %mul3A_279 = arith.muli %iota3A_276, %mul3A_278 : vector<8x20xi32>
    %add3A_280 = arith.addi %mul3A_279, %add3A_208 : vector<8x20xi32>
    %swap3A = arith.constant 0 : index
    %swap3A_281 = arith.constant 0 : index
    %swap3A_282 = vector.load %arg5[%swap3A, %swap3A_281] : memref<8x20xi32, #tpu.memory_space<vmem>>, vector<8x20xi32>
    tpu.vector_store %arg5[%swap3A, %swap3A_281], %add3A_280 {strides = array<i32>} : memref<8x20xi32, #tpu.memory_space<vmem>>, vector<8x20xi32>,
    %convert_element_type3A_283 = arith.extui %not3A_233 : vector<8x20xi1> to vector<8x20xi32>
    %convert_element_type3A_284 = arith.sitofp %convert_element_type3A_283 : vector<8x20xi32> to vector<8x20xf32>
    %swap3A_285 = arith.constant 0 : index
    %swap3A_286 = arith.constant 0 : index
    %swap3A_287 = vector.load %arg6[%swap3A_285, %swap3A_286] : memref<8x20xf32, #tpu.memory_space<vmem>>, vector<8x20xf32>
    tpu.vector_store %arg6[%swap3A_285, %swap3A_286], %convert_element_type3A_284 {strides = array<i32>} : memref<8x20xf32, #tpu.memory_space<vmem>>, vector<8x20xf32>,
    %sub3A_288 = arith.subf %mul3A_10, %reduce_sum3A_39 : vector<8x20xf32>
    %div3A_289 = arith.constant 8.000000e+00 : f32
    %div3A_290 = vector.broadcast %div3A_289 : f32 to vector<8x20xf32>
    %div3A_291 = arith.divf %sub3A_288, %div3A_290 : vector<8x20xf32>
    %swap3A_292 = arith.constant 0 : index
    %swap3A_293 = arith.constant 0 : index
    %swap3A_294 = vector.load %arg7[%swap3A_292, %swap3A_293] : memref<8x20xf32, #tpu.memory_space<vmem>>, vector<8x20xf32>
    tpu.vector_store %arg7[%swap3A_292, %swap3A_293], %div3A_291 {strides = array<i32>} : memref<8x20xf32, #tpu.memory_space<vmem>>, vector<8x20xf32>,
    %sub3A_295 = arith.subf %mul3A_14, %reduce_sum3A_54 : vector<8x20xf32>
    %div3A_296 = arith.constant 8.000000e+00 : f32
    %div3A_297 = vector.broadcast %div3A_296 : f32 to vector<8x20xf32>
    %div3A_298 = arith.divf %sub3A_295, %div3A_297 : vector<8x20xf32>
    %swap3A_299 = arith.constant 0 : index
    %swap3A_300 = arith.constant 0 : index
    %swap3A_301 = vector.load %arg8[%swap3A_299, %swap3A_300] : memref<8x20xf32, #tpu.memory_space<vmem>>, vector<8x20xf32>
    tpu.vector_store %arg8[%swap3A_299, %swap3A_300], %div3A_298 {strides = array<i32>} : memref<8x20xf32, #tpu.memory_space<vmem>>, vector<8x20xf32>,
    %div3A_302 = arith.divf %sub3A_274, %select_n3A_253 : vector<8x20xf32>
    %add3A_303 = arith.constant 1.000000e-16 : f32
    %add3A_304 = vector.broadcast %add3A_303 : f32 to vector<8x20xf32>
    %add3A_305 = arith.addf %div3A_302, %add3A_304 : vector<8x20xf32>
    %log3A = math.log %add3A_305 : vector<8x20xf32>
    %swap3A_306 = arith.constant 0 : index
    %swap3A_307 = arith.constant 0 : index
    %swap3A_308 = vector.load %arg9[%swap3A_306, %swap3A_307] : memref<8x20xf32, #tpu.memory_space<vmem>>, vector<8x20xf32>
    tpu.vector_store %arg9[%swap3A_306, %swap3A_307], %log3A {strides = array<i32>} : memref<8x20xf32, #tpu.memory_space<vmem>>, vector<8x20xf32>,
    %div3A_309 = arith.divf %sub3A_275, %select_n3A_273 : vector<8x20xf32>
    %add3A_310 = arith.constant 1.000000e-16 : f32
    %add3A_311 = vector.broadcast %add3A_310 : f32 to vector<8x20xf32>
    %add3A_312 = arith.addf %div3A_309, %add3A_311 : vector<8x20xf32>
    %log3A_313 = math.log %add3A_312 : vector<8x20xf32>
    %swap3A_314 = arith.constant 0 : index
    %swap3A_315 = arith.constant 0 : index
    %swap3A_316 = vector.load %arg10[%swap3A_314, %swap3A_315] : memref<8x20xf32, #tpu.memory_space<vmem>>, vector<8x20xf32>
    tpu.vector_store %arg10[%swap3A_314, %swap3A_315], %log3A_313 {strides = array<i32>} : memref<8x20xf32, #tpu.memory_space<vmem>>, vector<8x20xf32>,
    %convert_element_type3A_317 = arith.extui %not3A_233 : vector<8x20xi1> to vector<8x20xi32>
    %convert_element_type3A_318 = arith.sitofp %convert_element_type3A_317 : vector<8x20xi32> to vector<8x20xf32>
    %reduce_sum3A_319 = vector.shape_cast %convert_element_type3A_318 : vector<8x20xf32> to vector<1x8x20xf32>
    %reduce_sum3A_320 = arith.constant dense<0.000000e+00> : vector<1xf32>
    %reduce_sum3A_321 = vector.multi_reduction <add>, %reduce_sum3A_319, %reduce_sum3A_320 [1, 2] : vector<1x8x20xf32> to vector<1xf32>
    %reduce_sum3A_322 = vector.shape_cast %reduce_sum3A_321 : vector<1xf32> to vector<1x1x1xf32>
    %reduce_sum3A_323 = vector.extract %reduce_sum3A_322[0, 0, 0] : f32 from vector<1x1x1xf32>
    %swap3A_324 = arith.constant 0 : index
    %swap3A_325 = arith.constant 0 : index
    %swap3A_326 = memref.load %arg11[%swap3A_324, %swap3A_325] : memref<1x1xf32, #tpu.memory_space<smem>>
    memref.store %reduce_sum3A_323, %arg11[%swap3A_324, %swap3A_325] : memref<1x1xf32, #tpu.memory_space<smem>>
    return
  }
}

module attributes {stable_mosaic.version = 14 : i64} {
  func.func @_final_body(%arg0: memref<768x128xf32, #tpu.memory_space<vmem>>, %arg1: memref<8x20x96xf32, #tpu.memory_space<vmem>>, %arg2: memref<8x20xf32, #tpu.memory_space<vmem>>, %arg3: memref<8x20xf32, #tpu.memory_space<vmem>>, %arg4: memref<8x20xf32, #tpu.memory_space<vmem>>, %arg5: memref<8x20xf32, #tpu.memory_space<vmem>>, %arg6: memref<8x20xf32, #tpu.memory_space<vmem>>, %arg7: memref<8x20xi32, #tpu.memory_space<vmem>>, %arg8: memref<1x1xf32, #tpu.memory_space<smem>>, %arg9: memref<1x1xf32, #tpu.memory_space<smem>>) attributes {dimension_semantics = [], scalar_prefetch = 0 : i64, scratch_operands = 0 : i64, tpu.core_type = #tpu.core_type<tc>} {
    %get3A = arith.constant 0 : index
    %get3A_0 = arith.constant 0 : index
    %get3A_1 = vector.load %arg0[%get3A, %get3A_0] : memref<768x128xf32, #tpu.memory_space<vmem>>, vector<768x128xf32>
    %max3A = arith.constant 0.000000e+00 : f32
    %max3A_2 = vector.broadcast %max3A : f32 to vector<768x128xf32>
    %max3A_3 = arith.maximumf %get3A_1, %max3A_2 : vector<768x128xf32>
    %abs3A = math.absf %get3A_1 : vector<768x128xf32>
    %neg3A = arith.constant 0.000000e+00 : f32
    %neg3A_4 = vector.broadcast %neg3A : f32 to vector<768x128xf32>
    %neg3A_5 = arith.subf %neg3A_4, %abs3A : vector<768x128xf32>
    %exp3A = math.exp %neg3A_5 : vector<768x128xf32>
    %log1p3A = math.log1p %exp3A : vector<768x128xf32>
    %add3A = arith.addf %max3A_3, %log1p3A : vector<768x128xf32>
    %reduce_sum3A = vector.shape_cast %add3A : vector<768x128xf32> to vector<1x768x128xf32>
    %reduce_sum3A_6 = arith.constant dense<0.000000e+00> : vector<1xf32>
    %reduce_sum3A_7 = vector.multi_reduction <add>, %reduce_sum3A, %reduce_sum3A_6 [1, 2] : vector<1x768x128xf32> to vector<1xf32>
    %reduce_sum3A_8 = vector.shape_cast %reduce_sum3A_7 : vector<1xf32> to vector<1x1x1xf32>
    %reduce_sum3A_9 = vector.extract %reduce_sum3A_8[0, 0, 0] : f32 from vector<1x1x1xf32>
    %get3A_10 = arith.constant 0 : index
    %get3A_11 = arith.constant 0 : index
    %get3A_12 = arith.constant 0 : index
    %get3A_13 = vector.load %arg1[%get3A_10, %get3A_11, %get3A_12] : memref<8x20x96xf32, #tpu.memory_space<vmem>>, vector<8x20x96xf32>
    %iota3A = tpu.iota {dimensions = array<i32: 2>} : vector<8x20x96xi32>
    %eq3A = arith.constant 0 : i32
    %eq3A_14 = vector.broadcast %eq3A : i32 to vector<8x20x96xi32>
    %eq3A_15 = arith.cmpi eq, %iota3A, %eq3A_14 : vector<8x20x96xi32>
    %jit3A = arith.constant 0.000000e+00 : f32
    %broadcast_in_dim3A = vector.broadcast %jit3A : f32 to vector<8x20x96xf32>
    %select_n3A = arith.select %eq3A_15, %get3A_13, %broadcast_in_dim3A : vector<8x20x96xi1>, vector<8x20x96xf32>
    %reduce_sum3A_16 = arith.constant dense<0.000000e+00> : vector<8x20xf32>
    %reduce_sum3A_17 = vector.multi_reduction <add>, %select_n3A, %reduce_sum3A_16 [2] : vector<8x20x96xf32> to vector<8x20xf32>
    %eq3A_18 = arith.constant 1 : i32
    %eq3A_19 = vector.broadcast %eq3A_18 : i32 to vector<8x20x96xi32>
    %eq3A_20 = arith.cmpi eq, %iota3A, %eq3A_19 : vector<8x20x96xi32>
    %jit3A_21 = arith.constant 0.000000e+00 : f32
    %broadcast_in_dim3A_22 = vector.broadcast %jit3A_21 : f32 to vector<8x20x96xf32>
    %select_n3A_23 = arith.select %eq3A_20, %get3A_13, %broadcast_in_dim3A_22 : vector<8x20x96xi1>, vector<8x20x96xf32>
    %reduce_sum3A_24 = arith.constant dense<0.000000e+00> : vector<8x20xf32>
    %reduce_sum3A_25 = vector.multi_reduction <add>, %select_n3A_23, %reduce_sum3A_24 [2] : vector<8x20x96xf32> to vector<8x20xf32>
    %eq3A_26 = arith.constant 2 : i32
    %eq3A_27 = vector.broadcast %eq3A_26 : i32 to vector<8x20x96xi32>
    %eq3A_28 = arith.cmpi eq, %iota3A, %eq3A_27 : vector<8x20x96xi32>
    %jit3A_29 = arith.constant 0.000000e+00 : f32
    %broadcast_in_dim3A_30 = vector.broadcast %jit3A_29 : f32 to vector<8x20x96xf32>
    %select_n3A_31 = arith.select %eq3A_28, %get3A_13, %broadcast_in_dim3A_30 : vector<8x20x96xi1>, vector<8x20x96xf32>
    %reduce_sum3A_32 = arith.constant dense<0.000000e+00> : vector<8x20xf32>
    %reduce_sum3A_33 = vector.multi_reduction <add>, %select_n3A_31, %reduce_sum3A_32 [2] : vector<8x20x96xf32> to vector<8x20xf32>
    %eq3A_34 = arith.constant 3 : i32
    %eq3A_35 = vector.broadcast %eq3A_34 : i32 to vector<8x20x96xi32>
    %eq3A_36 = arith.cmpi eq, %iota3A, %eq3A_35 : vector<8x20x96xi32>
    %jit3A_37 = arith.constant 0.000000e+00 : f32
    %broadcast_in_dim3A_38 = vector.broadcast %jit3A_37 : f32 to vector<8x20x96xf32>
    %select_n3A_39 = arith.select %eq3A_36, %get3A_13, %broadcast_in_dim3A_38 : vector<8x20x96xi1>, vector<8x20x96xf32>
    %reduce_sum3A_40 = arith.constant dense<0.000000e+00> : vector<8x20xf32>
    %reduce_sum3A_41 = vector.multi_reduction <add>, %select_n3A_39, %reduce_sum3A_40 [2] : vector<8x20x96xf32> to vector<8x20xf32>
    %eq3A_42 = arith.constant 4 : i32
    %eq3A_43 = vector.broadcast %eq3A_42 : i32 to vector<8x20x96xi32>
    %eq3A_44 = arith.cmpi eq, %iota3A, %eq3A_43 : vector<8x20x96xi32>
    %jit3A_45 = arith.constant 0.000000e+00 : f32
    %broadcast_in_dim3A_46 = vector.broadcast %jit3A_45 : f32 to vector<8x20x96xf32>
    %select_n3A_47 = arith.select %eq3A_44, %get3A_13, %broadcast_in_dim3A_46 : vector<8x20x96xi1>, vector<8x20x96xf32>
    %reduce_sum3A_48 = arith.constant dense<0.000000e+00> : vector<8x20xf32>
    %reduce_sum3A_49 = vector.multi_reduction <add>, %select_n3A_47, %reduce_sum3A_48 [2] : vector<8x20x96xf32> to vector<8x20xf32>
    %ge3A = arith.constant 5 : i32
    %ge3A_50 = vector.broadcast %ge3A : i32 to vector<8x20x96xi32>
    %ge3A_51 = arith.cmpi sge, %iota3A, %ge3A_50 : vector<8x20x96xi32>
    %lt3A = arith.constant 85 : i32
    %lt3A_52 = vector.broadcast %lt3A : i32 to vector<8x20x96xi32>
    %lt3A_53 = arith.cmpi slt, %iota3A, %lt3A_52 : vector<8x20x96xi32>
    %and3A = arith.andi %ge3A_51, %lt3A_53 : vector<8x20x96xi1>
    %max3A_54 = arith.constant 0.000000e+00 : f32
    %max3A_55 = vector.broadcast %max3A_54 : f32 to vector<8x20x96xf32>
    %max3A_56 = arith.maximumf %get3A_13, %max3A_55 : vector<8x20x96xf32>
    %abs3A_57 = math.absf %get3A_13 : vector<8x20x96xf32>
    %neg3A_58 = arith.constant 0.000000e+00 : f32
    %neg3A_59 = vector.broadcast %neg3A_58 : f32 to vector<8x20x96xf32>
    %neg3A_60 = arith.subf %neg3A_59, %abs3A_57 : vector<8x20x96xf32>
    %exp3A_61 = math.exp %neg3A_60 : vector<8x20x96xf32>
    %log1p3A_62 = math.log1p %exp3A_61 : vector<8x20x96xf32>
    %add3A_63 = arith.addf %max3A_56, %log1p3A_62 : vector<8x20x96xf32>
    %jit3A_64 = arith.constant 0.000000e+00 : f32
    %broadcast_in_dim3A_65 = vector.broadcast %jit3A_64 : f32 to vector<8x20x96xf32>
    %select_n3A_66 = arith.select %and3A, %add3A_63, %broadcast_in_dim3A_65 : vector<8x20x96xi1>, vector<8x20x96xf32>
    %reduce_sum3A_67 = arith.constant dense<0.000000e+00> : vector<8x20xf32>
    %reduce_sum3A_68 = vector.multi_reduction <add>, %select_n3A_66, %reduce_sum3A_67 [2] : vector<8x20x96xf32> to vector<8x20xf32>
    %get3A_69 = arith.constant 0 : index
    %get3A_70 = arith.constant 0 : index
    %get3A_71 = vector.load %arg7[%get3A_69, %get3A_70] : memref<8x20xi32, #tpu.memory_space<vmem>>, vector<8x20xi32>
    %broadcast_in_dim3A_72 = vector.shape_cast %get3A_71 : vector<8x20xi32> to vector<8x20x1xi32>
    %add3A_73 = arith.constant 5 : i32
    %add3A_74 = vector.broadcast %add3A_73 : i32 to vector<8x20x1xi32>
    %add3A_75 = arith.addi %broadcast_in_dim3A_72, %add3A_74 : vector<8x20x1xi32>
    %eq3A_76 = vector.broadcast %add3A_75 : vector<8x20x1xi32> to vector<8x20x96xi32>
    %eq3A_77 = arith.cmpi eq, %iota3A, %eq3A_76 : vector<8x20x96xi32>
    %jit3A_78 = arith.constant 0.000000e+00 : f32
    %broadcast_in_dim3A_79 = vector.broadcast %jit3A_78 : f32 to vector<8x20x96xf32>
    %select_n3A_80 = arith.select %eq3A_77, %get3A_13, %broadcast_in_dim3A_79 : vector<8x20x96xi1>, vector<8x20x96xf32>
    %reduce_sum3A_81 = arith.constant dense<0.000000e+00> : vector<8x20xf32>
    %reduce_sum3A_82 = vector.multi_reduction <add>, %select_n3A_80, %reduce_sum3A_81 [2] : vector<8x20x96xf32> to vector<8x20xf32>
    %get3A_83 = arith.constant 0 : index
    %get3A_84 = arith.constant 0 : index
    %get3A_85 = vector.load %arg2[%get3A_83, %get3A_84] : memref<8x20xf32, #tpu.memory_space<vmem>>, vector<8x20xf32>
    %get3A_86 = arith.constant 0 : index
    %get3A_87 = arith.constant 0 : index
    %get3A_88 = vector.load %arg3[%get3A_86, %get3A_87] : memref<8x20xf32, #tpu.memory_space<vmem>>, vector<8x20xf32>
    %sub3A = arith.subf %reduce_sum3A_17, %get3A_88 : vector<8x20xf32>
    %integer_pow3A = arith.mulf %sub3A, %sub3A : vector<8x20xf32>
    %get3A_89 = arith.constant 0 : index
    %get3A_90 = arith.constant 0 : index
    %get3A_91 = vector.load %arg4[%get3A_89, %get3A_90] : memref<8x20xf32, #tpu.memory_space<vmem>>, vector<8x20xf32>
    %sub3A_92 = arith.subf %reduce_sum3A_25, %get3A_91 : vector<8x20xf32>
    %integer_pow3A_93 = arith.mulf %sub3A_92, %sub3A_92 : vector<8x20xf32>
    %add3A_94 = arith.addf %integer_pow3A, %integer_pow3A_93 : vector<8x20xf32>
    %get3A_95 = arith.constant 0 : index
    %get3A_96 = arith.constant 0 : index
    %get3A_97 = vector.load %arg5[%get3A_95, %get3A_96] : memref<8x20xf32, #tpu.memory_space<vmem>>, vector<8x20xf32>
    %sub3A_98 = arith.subf %reduce_sum3A_33, %get3A_97 : vector<8x20xf32>
    %integer_pow3A_99 = arith.mulf %sub3A_98, %sub3A_98 : vector<8x20xf32>
    %add3A_100 = arith.addf %add3A_94, %integer_pow3A_99 : vector<8x20xf32>
    %get3A_101 = arith.constant 0 : index
    %get3A_102 = arith.constant 0 : index
    %get3A_103 = vector.load %arg6[%get3A_101, %get3A_102] : memref<8x20xf32, #tpu.memory_space<vmem>>, vector<8x20xf32>
    %sub3A_104 = arith.subf %reduce_sum3A_41, %get3A_103 : vector<8x20xf32>
    %integer_pow3A_105 = arith.mulf %sub3A_104, %sub3A_104 : vector<8x20xf32>
    %add3A_106 = arith.addf %add3A_100, %integer_pow3A_105 : vector<8x20xf32>
    %mul3A = arith.mulf %get3A_85, %add3A_106 : vector<8x20xf32>
    %reduce_sum3A_107 = vector.shape_cast %mul3A : vector<8x20xf32> to vector<1x8x20xf32>
    %reduce_sum3A_108 = arith.constant dense<0.000000e+00> : vector<1xf32>
    %reduce_sum3A_109 = vector.multi_reduction <add>, %reduce_sum3A_107, %reduce_sum3A_108 [1, 2] : vector<1x8x20xf32> to vector<1xf32>
    %reduce_sum3A_110 = vector.shape_cast %reduce_sum3A_109 : vector<1xf32> to vector<1x1x1xf32>
    %reduce_sum3A_111 = vector.extract %reduce_sum3A_110[0, 0, 0] : f32 from vector<1x1x1xf32>
    %mul3A_112 = arith.mulf %get3A_85, %reduce_sum3A_49 : vector<8x20xf32>
    %reduce_sum3A_113 = vector.shape_cast %mul3A_112 : vector<8x20xf32> to vector<1x8x20xf32>
    %reduce_sum3A_114 = arith.constant dense<0.000000e+00> : vector<1xf32>
    %reduce_sum3A_115 = vector.multi_reduction <add>, %reduce_sum3A_113, %reduce_sum3A_114 [1, 2] : vector<1x8x20xf32> to vector<1xf32>
    %reduce_sum3A_116 = vector.shape_cast %reduce_sum3A_115 : vector<1xf32> to vector<1x1x1xf32>
    %reduce_sum3A_117 = vector.extract %reduce_sum3A_116[0, 0, 0] : f32 from vector<1x1x1xf32>
    %sub3A_118 = arith.subf %reduce_sum3A_68, %reduce_sum3A_82 : vector<8x20xf32>
    %mul3A_119 = arith.mulf %get3A_85, %sub3A_118 : vector<8x20xf32>
    %reduce_sum3A_120 = vector.shape_cast %mul3A_119 : vector<8x20xf32> to vector<1x8x20xf32>
    %reduce_sum3A_121 = arith.constant dense<0.000000e+00> : vector<1xf32>
    %reduce_sum3A_122 = vector.multi_reduction <add>, %reduce_sum3A_120, %reduce_sum3A_121 [1, 2] : vector<1x8x20xf32> to vector<1xf32>
    %reduce_sum3A_123 = vector.shape_cast %reduce_sum3A_122 : vector<1xf32> to vector<1x1x1xf32>
    %reduce_sum3A_124 = vector.extract %reduce_sum3A_123[0, 0, 0] : f32 from vector<1x1x1xf32>
    %get3A_125 = arith.constant 0 : index
    %get3A_126 = arith.constant 0 : index
    %get3A_127 = memref.load %arg8[%get3A_125, %get3A_126] : memref<1x1xf32, #tpu.memory_space<smem>>
    %sub3A_128 = arith.subf %reduce_sum3A_9, %reduce_sum3A_117 : f32
    %div3A = arith.constant 9.830400e+04 : f32
    %div3A_129 = arith.divf %sub3A_128, %div3A : f32
    %gt3A = arith.constant 0.000000e+00 : f32
    %gt3A_130 = arith.cmpf ogt, %get3A_127, %gt3A : f32
    %jit3A_131 = arith.constant 1.000000e+00 : f32
    %select_n3A_132 = arith.select %gt3A_130, %get3A_127, %jit3A_131 : f32
    %gt3A_133 = arith.constant 0.000000e+00 : f32
    %gt3A_134 = arith.cmpf ogt, %get3A_127, %gt3A_133 : f32
    %mul3A_135 = arith.constant 4.000000e+00 : f32
    %mul3A_136 = arith.mulf %select_n3A_132, %mul3A_135 : f32
    %div3A_137 = arith.divf %reduce_sum3A_111, %mul3A_136 : f32
    %jit3A_138 = arith.constant 0.000000e+00 : f32
    %select_n3A_139 = arith.select %gt3A_134, %div3A_137, %jit3A_138 : f32
    %gt3A_140 = arith.constant 0.000000e+00 : f32
    %gt3A_141 = arith.cmpf ogt, %get3A_127, %gt3A_140 : f32
    %mul3A_142 = arith.constant 8.000000e+01 : f32
    %mul3A_143 = arith.mulf %select_n3A_132, %mul3A_142 : f32
    %div3A_144 = arith.divf %reduce_sum3A_124, %mul3A_143 : f32
    %jit3A_145 = arith.constant 0.000000e+00 : f32
    %select_n3A_146 = arith.select %gt3A_141, %div3A_144, %jit3A_145 : f32
    %mul3A_147 = arith.constant 5.000000e-02 : f32
    %mul3A_148 = arith.mulf %mul3A_147, %select_n3A_139 : f32
    %add3A_149 = arith.addf %mul3A_148, %div3A_129 : f32
    %mul3A_150 = arith.constant 5.000000e-01 : f32
    %mul3A_151 = arith.mulf %mul3A_150, %select_n3A_146 : f32
    %add3A_152 = arith.addf %add3A_149, %mul3A_151 : f32
    %swap3A = arith.constant 0 : index
    %swap3A_153 = arith.constant 0 : index
    %swap3A_154 = memref.load %arg9[%swap3A, %swap3A_153] : memref<1x1xf32, #tpu.memory_space<smem>>
    memref.store %add3A_152, %arg9[%swap3A, %swap3A_153] : memref<1x1xf32, #tpu.memory_space<smem>>
    return
  }
}

</mosaic_0001>

<sc_bundles>
// kernel: kernel.5.cloned.1.call-start
scs
__scs_entry_jumppad:
0x0: {  	(pc) =	sbr.rel $0x88, $3  }
0x1: {  	(tag) =	ssettag $0x0;
	lr =	simm.s32 $0x1  }
0x2: {  	[smem:$0x3F9D] =	sst lr;
	_ =	strace $0xD0000000  }
0x3: {  	_ = 	snop  }
0x4: {  	_ = 	snop  }
0x5: {  	_ = 	snop  }
0x6: {  	_ = 	snop  }
0x7: {  	_ = 	snop  }
__scs_overlays_trampoline_lowered:
0x8: {  	[smem:$0x3FAC] =	sst s0  }
0x9: {  	[smem:$0x3FAD] =	sst s1  }
0xa: {  	[smem:$0x3FAE] =	sst s2  }
0xb: {  	[smem:$0x3FAF] =	sst s3  }
0xc: {  	[smem:$0x3FB0] =	sst s4  }
0xd: {  	[smem:$0x3FB1] =	sst s5  }
0xe: {  	[smem:$0x3FB2] =	sst s6  }
0xf: {  	[smem:$0x3FB3] =	sst s7  }
0x10: {  	[smem:$0x3FB4] =	sst s8  }
0x11: {  	[smem:$0x3FB5] =	sst s9;
	s0 =	simm.s32 @!p0 $0x0  }
0x12: {  	s1 =	sld [smem:$0x3F9B];
	s0 =	simm.s32 @p0 $0x1  }
0x13: {  	[smem:$0x3FB6] =	sst s0;
	s0 =	simm.s32 @!p1 $0x0  }
0x14: {  	s2 =	sld [smem:$0x3F9A];
	s0 =	simm.s32 @p1 $0x1  }
0x15: {  	[smem:$0x3FB7] =	sst s0;
	s0 =	simm.s32 @!p2 $0x0  }
0x16: {  	s3 =	sld [smem:$0x3FDB];
	s0 =	simm.s32 @p2 $0x1  }
0x17: {  	s4 =	simm.s32 $0x1BF5;
	[smem:$0x3FB9] =	sst s0  }
0x18: {  	s0 =	sld [smem:$0x3F9C];
	_ =	swait.ge [sflag:s4], $0x0  }
0x19: {  	s7 =	sld [smem:$0x3F9D]  }
0x1a: {  	s8 =	sadd.s32 $0xFFFFE003, lr  }
0x1b: {  	s9 =	sadd.s32 $0xFFFFFEF7, lr;
	s5 =	simm.s32 $0xFFFFFFFF;
	p2 =	slt.u32 s8, $0xFFFFF086  }
0x1c: {  	p1 =	slt.u32 s9, $0xF7A;
	s5 =	simm.s32 @!p2 $0x0  }
0x1d: {  	s5 =	simm.s32 @p1 $0x1;
	p0 =	seq.s32 s7, s2  }
0x1e: {  	s7 =	smul.u32 @!p0 $0xF7A, s2;
	p2 =	seq.s32 @!p0 s5, $0x0  }
0x1f: {  	s9 =	smul.u32 $0xF7A, s1;
	s8 =	simm.s32 @!p0 $0x1BF5;
	p2 =	por !p2, p0  }
0x20: {  	[sflag:s8] =	ssyncset.s32 @!p0 $0xFFFFF086;
	s6 =	sadd.s32 @!p0 s3, s7;
	s7 =	simm.s32 @!p0 $0x108  }
0x21: {  	s3 =	sadd.s32 s3, s9;
	s6 =	sadd.s32 @!p0 $0x88, s6;
	s7 =	simm.s32 @p2 $0x1082  }
0x22: {  	[simem:s7], [sflag:s8] =	dma.local @!p0 [hbm:s6], $0xF7A  }
0x23: {  	s9 =	sor.u32 $0xD0000000, s2;
	s6 =	simm.s32 $0x108;
	_ =	swait.ge @!p0 [sflag:s8], $0x0  }
0x24: {  	s3 =	sadd.s32 $0x88, s3;
	s6 =	simm.s32 @!p1 $0x1082;
	[sflag:s4] =	ssyncset.s32 $0xFFFFF086  }
0x25: {  	[simem:s6], [sflag:s4] =	dma.local [hbm:s3], $0xF7A  }
0x26: {  	[smem:$0x3F9D] =	sst s1;
	(tag) =	ssettag s2;
	_ =	strace s9  }
0x27: {  	s1 =	sld [smem:$0x3FAD]  }
0x28: {  	s2 =	sld [smem:$0x3FAE]  }
0x29: {  	s4 =	sld [smem:$0x3FB0]  }
0x2a: {  	p0 =	seq.s32 s5, $0x0;
	s5 =	sld [smem:$0x3FB1]  }
0x2b: {  	s6 =	sld [smem:$0x3FB2]  }
0x2c: {  	s7 =	sld [smem:$0x3FB3]  }
0x2d: {  	s3 =	simm.s32 $0x108;
	s8 =	sld [smem:$0x3FB4]  }
0x2e: {  	s3 =	simm.s32 @!p0 $0x1082;
	s9 =	sld [smem:$0x3FB5]  }
0x2f: {  	lr =	sadd.s32 s0, s3;
	s0 =	sld [smem:$0x3FAC]  }
0x30: {  	s3 =	sld [smem:$0x3FAF]  }
0x31: {  	[smem:$0x3FB8] =	sst s10  }
0x32: {  	s10 =	sld [smem:$0x3FB6];
	_ =	sdelay $0x3  }
0x33: {  	p0 =	seq.s32 s10, $0x1;
	s10 =	sld [smem:$0x3FB8];
	_ =	sdelay $0x3  }
0x34: {  	[smem:$0x3FB8] =	sst s10  }
0x35: {  	s10 =	sld [smem:$0x3FB7];
	_ =	sdelay $0x3  }
0x36: {  	p1 =	seq.s32 s10, $0x1;
	s10 =	sld [smem:$0x3FB8];
	_ =	sdelay $0x3  }
0x37: {  	[smem:$0x3FB8] =	sst s10  }
0x38: {  	s10 =	sld [smem:$0x3FB9]  }
0x39: {  	_ = 	snop;
	(pc) =	sbr.ind lr, $3  }
0x3a: {  	_ = 	snop  }
0x3b: {  	_ = 	snop  }
0x3c: {  	p2 =	seq.s32 s10, $0x1;
	s10 =	sld [smem:$0x3FB8]  }
0x3d: {  	_ =	shalt  }
0x3e: {  	_ =	shalt  }
0x3f: {  	_ =	shalt  }
0x40: {  	_ =	shalt  }
0x41: {  	_ =	shalt  }
0x42: {  	_ =	shalt  }
0x43: {  	_ =	shalt  }
0x44: {  	_ =	shalt  }
0x45: {  	_ =	shalt  }
0x46: {  	_ =	shalt  }
0x47: {  	_ =	shalt  }
0x48: {  	_ =	shalt  }
0x49: {  	_ =	shalt  }
0x4a: {  	_ =	shalt  }
0x4b: {  	_ =	shalt  }
0x4c: {  	_ =	shalt  }
0x4d: {  	_ =	shalt  }
0x4e: {  	_ =	shalt  }
0x4f: {  	_ =	shalt  }
0x50: {  	_ =	shalt  }
0x51: {  	_ =	shalt  }
0x52: {  	_ =	shalt  }
0x53: {  	_ =	shalt  }
0x54: {  	_ =	shalt  }
0x55: {  	_ =	shalt  }
0x56: {  	_ =	shalt  }
0x57: {  	_ =	shalt  }
0x58: {  	_ =	shalt  }
0x59: {  	_ =	shalt  }
0x5a: {  	_ =	shalt  }
0x5b: {  	_ =	shalt  }
0x5c: {  	_ =	shalt  }
0x5d: {  	_ =	shalt  }
0x5e: {  	_ =	shalt  }
0x5f: {  	_ =	shalt  }
0x60: {  	_ =	shalt  }
0x61: {  	_ =	shalt  }
0x62: {  	_ =	shalt  }
0x63: {  	_ =	shalt  }
0x64: {  	_ =	shalt  }
0x65: {  	_ =	shalt  }
0x66: {  	_ =	shalt  }
0x67: {  	_ =	shalt  }
0x68: {  	_ =	shalt  }
0x69: {  	_ =	shalt  }
0x6a: {  	_ =	shalt  }
0x6b: {  	_ =	shalt  }
0x6c: {  	_ =	shalt  }
0x6d: {  	_ =	shalt  }
0x6e: {  	_ =	shalt  }
0x6f: {  	_ =	shalt  }
0x70: {  	_ =	shalt  }
0x71: {  	_ =	shalt  }
0x72: {  	_ =	shalt  }
0x73: {  	_ =	shalt  }
0x74: {  	_ =	shalt  }
0x75: {  	_ =	shalt  }
0x76: {  	_ =	shalt  }
0x77: {  	_ =	shalt  }
0x78: {  	_ =	shalt  }
0x79: {  	_ =	shalt  }
0x7a: {  	_ =	shalt  }
0x7b: {  	_ =	shalt  }
0x7c: {  	_ =	shalt  }
0x7d: {  	_ =	shalt  }
0x7e: {  	_ =	shalt  }
0x7f: {  	_ =	shalt  }
0x80: {  	_ =	shalt  }
0x81: {  	_ =	shalt  }
0x82: {  	_ =	shalt  }
0x83: {  	_ =	shalt  }
0x84: {  	_ =	shalt  }
0x85: {  	_ =	shalt  }
0x86: {  	_ =	shalt  }
0x87: {  	_ =	shalt  }
.Lfunc_end0:
.L_simem_size_0:
called_computation_lowered:
.L_overlay_start_0:
0x88: {  	s2 =	sld [smem:$0x3FD9]  }
0x89: {  	s3 =	sld [smem:$0x3FFE];
	_ =	sdelay $0x1  }
0x8a: {  	s1 =	srdreg.scid  }
0x8b: {  	s0 =	sand.u32 $0x1, s1  }
0x8c: {  	s16 =	sshll.u32 s0, $0xA;
	s2 =	sadd.s32 s3, s2  }
0x8d: {  	s2 =	sadd.s32 s2, s16  }
0x8e: {  	[smem:$0x3FC4] =	sst s2  }
0x8f: {  	_ = 	snop  }
0x90: {  	(tm) =	ssettm $0x1  }
0x91: {  	s17 =	sld [smem:$0x3FFB];
	_ =	sdelay $0x3  }
0x92: {  	_ =	strace s17  }
0x93: {  	s2 =	sld [smem:$0x3FFC];
	_ =	sdelay $0x3  }
0x94: {  	_ =	strace s2  }
0x95: {  	s2 =	sld [smem:$0x3FFD];
	_ =	sdelay $0x3  }
0x96: {  	_ =	strace s2  }
0x97: {  	_ =	strace $0x8FFFFFFF  }
0x98: {  	s18 =	sld [smem:$0x3FDB];
	_ =	sdelay $0x1  }
0x99: {  	s19 =	simm.s32 $_scs_section_size  }
0x9a: {  	s4 =	simm.s32 $_size__tile_overlayer_lowered;
	s5 =	simm.s32 $_tile_overlayer_lowered  }
0x9b: {  	s22 =	simm.s32 $0x1BFF;
	s21 =	sshll.u32 s5, $0x1;
	s2 =	sadd.s32 s19, s18  }
0x9c: {  	s6 =	simm.s32 $0x0;
	s20 =	sshll.u32 s4, $0x1;
	s4 =	sadd.s32 s21, s2  }
0x9d: {  	[timem:s6], [sflag:s22] =	dma.local [hbm:s4], s20  }
0x9e: {  	_ =	swait.ge [sflag:s22], s20  }
0x9f: {  	s3 =	ssub.s32 $0x0, s20;
	[sflag:s22] =	ssyncset.done $0x0  }
0xa0: {  	[sflag:s22] =	ssyncadd.s32 s3;
	_ =	sdelay $0x1  }
0xa1: {  	s23 =	simm.s32 $0x1B8B  }
0xa2: {  	_ =	swait.ge [sflag:s23], $0x1  }
0xa3: {  	[sflag:s23] =	ssyncset.done $0x0  }
0xa4: {  	s25 =	simm.s32 $0x1B8E;
	s24 =	sld [smem:$0x3FFE];
	[sflag:s23] =	ssyncadd.s32 $0xFFFFFFFF  }
0xa5: {  	s26 =	simm.s32 $execute0_lowered;
	[smem:$0x3FD2] =	sst s25  }
0xa6: {  	s4 =	sshll.u32 s26, $0x1;
	_ =	strace $0x80000046;
	[dreg:$0x1] =	wrdreg $0xFFFFFFFF  }
0xa7: {  	s28 =	simm.s32 $_size_execute0_lowered;
	s2 =	sadd.s32 s2, s4;
	[dreg:$0x0] =	wrdreg $0x0  }
0xa8: {  	s4 =	sshll.u32 s28, $0x1;
	[dreg:$0x2] =	wrdreg s2  }
0xa9: {  	[dreg:$0x3] =	wrdreg s4  }
0xaa: {  	[dreg:$0x4] =	wrdreg $0xC0  }
0xab: {  	_ =	task [dreg:s6], $0x5FFFF  }
0xac: {  	[dreg:$0x1] =	wrdreg $0xFFFFFFFF  }
0xad: {  	[dreg:$0x0] =	wrdreg $0x60  }
0xae: {  	[dreg:$0x2] =	wrdreg s24  }
0xaf: {  	[dreg:$0x3] =	wrdreg $0x9  }
0xb0: {  	_ =	task.clear_ibuf [dreg:s6], $0x4FFFF;
	_ =	strace $0x90000046  }
0xb1: {  	s29 =	simm.s32 $0x9;
	_ =	strace $0x80000048  }
0xb2: {  	_ =	swait.ge [sflag:s29], $0x1  }
0xb3: {  	[sflag:s29] =	ssyncadd.s32 $0xFFFFFFFF  }
0xb4: {  	_ =	strace $0x90000048  }
0xb5: {  	_ =	sfence  }
0xb6: {  	s30 =	sld [smem:$0x0];
	_ =	sdelay $0x2  }
0xb7: {  	s31 =	sshll.u32 s1, $0xD;
	s1 =	sshrl.u32 s1, $0x2  }
0xb8: {  	s3 =	sand.u32 $0x4000, s31;
	s1 =	sadd.s32 s1, s30  }
0xb9: {  	s0 =	sor.u32 s3, s0;
	s1 =	sshll.u32 s1, $0x11  }
0xba: {  	s0 =	sor.u32 s1, s0  }
0xbb: {  	s0 =	sadd.s32 $0x8F2B, s0  }
0xbc: {  	[sflag:s0] =	ssyncadd.remote.s32 $0x1  }
0xbd: {  	_ =	sfence.sel $0xFFFF  }
0xbe: {  	[dreg:$0x0] =	wrdreg $0xFFFFFFFF;
	(pc) =	sbr.abs _section_cstart, $3  }
0xbf: {  	[dreg:$0x1] =	wrdreg $0xFFFFFFFF  }
0xc0: {  	_ =	task.clear_ibuf [dreg:s6], $0x2FFFF;
	_ =	strace $0x9FFFFFFF  }
0xc1: {  	(tm) =	ssettm $0x7FFFFFFF  }
tec
execute0_lowered:
.L_overlay_start_1:
0x0: {  	(tag) =	ssettag $0x1  }
0x1: {  	s0 =	rddreg [dreg:$0x0];
	s1 =	srdreg.scid  }
0x2: {  	s10 =	stileid.u32;
	s2 =	simm.s32 $0x0;
	s16 =	simm.s32 $0xD8F0  }
0x3: {  	v0 =	vlaneseq.u32;
	s19 =	simm.s32 $0xD8C0;
	s20 =	simm.s32 $0xDAF0;
	s21 =	simm.s32 $0xD8D0  }
0x4: {  	s22 =	simm.s32 $0xDBF0;
	s23 =	simm.s32 $0xD8E0;
	s24 =	simm.s32 $0xDCF0;
	v6 =	vmul.u32 $0x55, v0  }
0x5: {  	s28 =	simm.s32 $0x2;
	s29 =	simm.s32 $0xDDF0;
	s1 =	sand.u32 $0x1, s1;
	v7 =	vmul.u32 $0x10, v0;
	v8 =	vor.u32 $0x10, v0;
	v9 =	vor.u32 $0x20, v0  }
0x6: {  	s3 =	sshll.u32 s10, $0x1;
	[smem:$0x7FF] =	sst s2;
	s31 =	smul.u32 $0x1800, s10;
	v10 =	vor.u32 $0x30, v0;
	v11 =	vor.u32 $0x40, v0;
	v12 =	vor.u32 $0x50, v0  }
0x7: {  	v13 =	vor.u32 $0x100, v0;
	v14 =	vor.u32 $0x110, v0;
	v15 =	vor.u32 $0x120, v0;
	s5 =	sor.u32 s1, s3;
	s8 =	ssub.s32 $0x2, s1;
	s1 =	smul.u32 $0xC00, s1  }
0x8: {  	s4 =	sadd.s32 $0xE00, s0;
	s10 =	simm.s32 $0xC00;
	v16 =	vor.u32 $0x130, v0;
	v17 =	vor.u32 $0x140, v0;
	v18 =	vor.u32 $0x150, v0;
	s6 =	smul.u32 $0xC00, s5  }
0x9: {  	s30 =	simm.s32 $0x0;
	v19 =	vor.u32 $0x200, v0;
	v20 =	vor.u32 $0x210, v0;
	v21 =	vor.u32 $0x220, v0;
	_ =	strace $0x80000047;
	s7 =	smul.u32 $0x3C, s5  }
0xa: {  	v22 =	vor.u32 $0x230, v0;
	v23 =	vor.u32 $0x240, v0;
	v24 =	vor.u32 $0x250, v0;
	s3 =	sadd.s32 $0x1000, s0;
	s9 =	sshrl.u32 s8, $0x1;
	s11 =	smul.u32 $0x5, s5  }
0xb: {  	v25 =	vor.u32 $0x300, v0;
	v26 =	vor.u32 $0x310, v0;
	v27 =	vor.u32 $0x320, v0;
	s26 =	ssub.s32 s8, s9;
	s8 =	sadd.s32 s1, s31;
	s9 =	simm.s32 $0x80  }
0xc: {  	v28 =	vor.u32 $0x330, v0;
	v29 =	vor.u32 $0x340, v0;
	v30 =	vor.u32 $0x350, v0;
	s6 =	sshrl.u32 s6, $0x3;
	s12 =	sadd.s32 $0x1, s11;
	s13 =	sadd.s32 $0x2, s11  }
0xd: {  	v31 =	vor.u32 $0x400, v0;
	v32 =	vor.u32 $0x410, v0;
	v33 =	vor.u32 $0x420, v0;
	s14 =	sadd.s32 $0x3, s11;
	s15 =	sadd.s32 $0x4, s11;
	s25 =	sadd.s32 s6, s0  }
0xe: {  	v34 =	vor.u32 $0x430, v0;
	v35 =	vor.u32 $0x440, v0;
	s0 =	sadd.s32 s7, s0;
	s7 =	smax.u32 s26, $0x1;
	v2 =	vmov s12;
	s12 =	simm.s32 $0xD800  }
0xf: {  	v36 =	vor.u32 $0x450, v0;
	v3 =	vmov s13;
	v4 =	vmov s14;
	s13 =	simm.s32 $0x3;
	s14 =	simm.s32 $0x10;
	s26 =	simm.s32 $0xCC00  }
0x10: {  	v6 =	vadd.s32 $0x4, v6;
	v1 =	vmov s11;
	v5 =	vmov s15;
	s5 =	sadd.s32 $0x100800, s25;
	s6 =	sadd.s32 $0x100000, s0;
	s25 =	simm.s32 $0x1  }
.LBB2_1:
0x11: {  	s0 =	sadd.s32 $0x0, s8  }
0x12: {  	v37 =	vmov s0  }
0x13: {  	s1 =	sadd.s32 $0x10, s0;
	s11 =	sadd.s32 $0x70, s0;
	s15 =	sadd.s32 $0x20, s0;
	v37 =	vmul.u32 $0x55, v37  }
0x14: {  	s31 =	sadd.s32 $0x30, s0;
	s17 =	sadd.s32 $0x40, s0;
	s18 =	sadd.s32 $0x50, s0;
	v38 =	vmov s1;
	v39 =	vmov s11;
	v40 =	vmov s15  }
0x15: {  	s0 =	sadd.s32 $0x60, s0;
	v41 =	vmov s31;
	v42 =	vmov s17;
	v43 =	vmov s18  }
0x16: {  	v44 =	vmov s0;
	v39 =	vmul.u32 $0x55, v39;
	v38 =	vmul.u32 $0x55, v38  }
0x17: {  	v40 =	vmul.u32 $0x55, v40;
	v41 =	vmul.u32 $0x55, v41;
	v42 =	vmul.u32 $0x55, v42  }
0x18: {  	v43 =	vmul.u32 $0x55, v43;
	v37 =	vbroadcast v37, $0x0;
	v39 =	vbroadcast v39, $0x0  }
0x19: {  	v44 =	vmul.u32 $0x55, v44;
	v38 =	vbroadcast v38, $0x0;
	v40 =	vbroadcast v40, $0x0  }
0x1a: {  	v41 =	vbroadcast v41, $0x0;
	v42 =	vbroadcast v42, $0x0  }
0x1b: {  	v43 =	vbroadcast v43, $0x0;
	v44 =	vbroadcast v44, $0x0;
	v37 =	vadd.s32 v6, v37  }
0x1c: {  	v39 =	vadd.s32 v6, v39;
	v38 =	vadd.s32 v6, v38;
	v40 =	vadd.s32 v6, v40  }
0x1d: {  	s31 =	simm.s32 $0x40;
	v41 =	vadd.s32 v6, v41;
	v42 =	vadd.s32 v6, v42;
	v39 =	vshra.s32 v39, $0x4  }
0x1e: {  	v43 =	vadd.s32 v6, v43;
	v44 =	vadd.s32 v6, v44;
	v38 =	vshra.s32 v38, $0x4;
	[tilespmem:s31+$0x30] =	vst v39  }
0x1f: {  	v37 =	vshra.s32 v37, $0x4;
	v63 =	vshra.s32 v40, $0x4;
	v41 =	vshra.s32 v41, $0x4;
	[tilespmem:s31+$0xFFFFFFD0] =	vst v38  }
0x20: {  	s1 =	sadd.s32 $0x80, s8;
	s0 =	simm.s32 $0x100;
	v40 =	vshra.s32 v43, $0x4;
	v39 =	vshra.s32 v42, $0x4;
	[tilespmem:s31+$0xFFFFFFE0] =	vst v63;
	v38 =	vshra.s32 v44, $0x4  }
.LBB2_2:
0x21: {  	p0 =	sne.s32 s0, $0xB80;
	v42 =	vmov s1;
	s11 =	sadd.s32 $0x10, s1;
	s15 =	sadd.s32 $0x70, s1;
	[tilespmem:s31+$0xFFFFFFF0] =	vst v41  }
0x22: {  	s17 =	sadd.s32 $0x30, s1;
	s18 =	sadd.s32 $0x40, s1;
	v41 =	vmul.u32 $0x55, v42;
	v42 =	vmov s11;
	s11 =	sadd.s32 $0x20, s1;
	v43 =	vmov s15;
	[tilespmem:s31+$0x0] =	vst v39  }
0x23: {  	v44 =	vmov s17;
	v39 =	vmov s11;
	s11 =	sadd.s32 $0x50, s1;
	s1 =	sadd.s32 $0x60, s1;
	v43 =	vmul.u32 $0x55, v43;
	[tilespmem:s31+$0x10] =	vst v40  }
0x24: {  	v40 =	vmov s18;
	v45 =	vmov s11;
	v46 =	vmov s1;
	[tilespmem:s31+$0x20] =	vst v38  }
0x25: {  	v38 =	vmul.u32 $0x55, v42;
	v39 =	vmul.u32 $0x55, v39;
	v42 =	vbroadcast v43, $0x0;
	[tilespmem:s31+$0xFFFFFFC0] =	vst v37  }
0x26: {  	v40 =	vmul.u32 $0x55, v40;
	v37 =	vmul.u32 $0x55, v44;
	v43 =	vmul.u32 $0x55, v45  }
0x27: {  	v44 =	vmul.u32 $0x55, v46;
	v38 =	vbroadcast v38, $0x0;
	v42 =	vadd.s32 v6, v42  }
0x28: {  	s31 =	sadd.s32 $0x80, s31;
	v39 =	vbroadcast v39, $0x0;
	v37 =	vbroadcast v37, $0x0;
	v42 =	vshra.s32 v42, $0x4  }
0x29: {  	v40 =	vbroadcast v40, $0x0;
	v43 =	vbroadcast v43, $0x0;
	v38 =	vadd.s32 v6, v38;
	[tilespmem:s31+$0x30] =	vst v42  }
.Ltmp0:
0x2a: {  	v41 =	vbroadcast v41, $0x0;
	v39 =	vadd.s32 v6, v39;
	v42 =	vbroadcast v44, $0x0;
	(pc) =	sbr.rel @p0 .LBB2_2-.Ltmp0, $4  }
0x2b: {  	v40 =	vadd.s32 v6, v40;
	v37 =	vadd.s32 v6, v37;
	v43 =	vadd.s32 v6, v43  }
0x2c: {  	v44 =	vadd.s32 v6, v41;
	v38 =	vshra.s32 v38, $0x4;
	v42 =	vadd.s32 v6, v42  }
0x2d: {  	v41 =	vshra.s32 v37, $0x4;
	[tilespmem:s31+$0xFFFFFFD0] =	vst v38;
	v38 =	vshra.s32 v39, $0x4;
	v39 =	vshra.s32 v40, $0x4  }
0x2e: {  	s1 =	sadd.s32 s0, s8;
	s0 =	sadd.s32 $0x80, s0;
	v37 =	vshra.s32 v44, $0x4;
	v40 =	vshra.s32 v43, $0x4;
	[tilespmem:s31+$0xFFFFFFE0] =	vst v38;
	v38 =	vshra.s32 v42, $0x4  }
0x2f: {  	s0 =	sadd.s32 $0x10, s1  }
0x30: {  	v42 =	vmov s1;
	s11 =	sadd.s32 $0x70, s1;
	s17 =	sadd.s32 $0x20, s1;
	v43 =	vmov s0  }
0x31: {  	s18 =	sadd.s32 $0x30, s1;
	s15 =	sadd.s32 $0x40, s1;
	v42 =	vmul.u32 $0x55, v42;
	v44 =	vmov s11;
	v45 =	vmov s17  }
0x32: {  	v46 =	vmov s18;
	s17 =	sadd.s32 $0x50, s1;
	s18 =	sadd.s32 $0x60, s1;
	v47 =	vmov s15;
	v44 =	vmul.u32 $0x55, v44  }
0x33: {  	[tilespmem:s31+$0xFFFFFFF0] =	vst v41;
	v60 =	vmov s17;
	v48 =	vmov s18;
	v43 =	vmul.u32 $0x55, v43  }
0x34: {  	[tilespmem:s31+$0x0] =	vst v39;
	v61 =	vmul.u32 $0x55, v45;
	v62 =	vmul.u32 $0x55, v46;
	v44 =	vbroadcast v44, $0x0  }
0x35: {  	[tilespmem:s31+$0x10] =	vst v40;
	v63 =	vmul.u32 $0x55, v47;
	v41 =	vmul.u32 $0x55, v60;
	v43 =	vbroadcast v43, $0x0  }
0x36: {  	[tilespmem:s31+$0x20] =	vst v38;
	v49 =	vmul.u32 $0x55, v48;
	v39 =	vbroadcast v61, $0x0;
	v44 =	vadd.s32 v6, v44  }
0x37: {  	[tilespmem:s31+$0xFFFFFFC0] =	vst v37;
	s11 =	sadd.s32 $0x80, s31;
	v50 =	vbroadcast v62, $0x0;
	v43 =	vadd.s32 v6, v43;
	v44 =	vshra.s32 v44, $0x4  }
0x38: {  	v40 =	vbroadcast v63, $0x0;
	v39 =	vadd.s32 v6, v39;
	v43 =	vshra.s32 v43, $0x4;
	[tilespmem:s11+$0x30] =	vst v44  }
0x39: {  	v41 =	vbroadcast v41, $0x0;
	v37 =	vadd.s32 v6, v50;
	v39 =	vshra.s32 v39, $0x4;
	[tilespmem:s11+$0xFFFFFFD0] =	vst v43  }
0x3a: {  	v38 =	vbroadcast v49, $0x0;
	v40 =	vadd.s32 v6, v40;
	v37 =	vshra.s32 v37, $0x4;
	[tilespmem:s11+$0xFFFFFFE0] =	vst v39  }
0x3b: {  	v51 =	vbroadcast v42, $0x0;
	v41 =	vadd.s32 v6, v41;
	v40 =	vshra.s32 v40, $0x4;
	[tilespmem:s11+$0xFFFFFFF0] =	vst v37  }
0x3c: {  	v52 =	vadd.s32 v6, v38;
	v53 =	vshra.s32 v41, $0x4;
	[tilespmem:s11+$0x0] =	vst v40  }
0x3d: {  	v39 =	vadd.s32 v6, v51;
	v37 =	vshra.s32 v52, $0x4;
	[tilespmem:s11+$0x10] =	vst v53  }
0x3e: {  	v54 =	vshra.s32 v39, $0x4;
	[tilespmem:s11+$0x20] =	vst v37  }
0x3f: {  	s31 =	simm.s32 $0x0;
	[tilespmem:s11+$0xFFFFFFC0] =	vst v54  }
0x40: {  	[tilespmem:s10], [sflag:$0x1] =	stream.indirect.gather [hbm4b:s3+s9], $0x10, s31, s9, $0xb8;
	[tilespmem:$0xDFD0] =	vst v63  }
0x41: {  	s15 =	simm.s32 $0x1400  }
0x42: {  	[tilespmem:s15], [sflag:$0x1] =	stream.indirect.gather [hbm4b:s3+s9], $0x10, s9, s9, $0xb8;
	[tilespmem:$0xDFD0] =	vst v63  }
0x43: {  	s17 =	simm.s32 $0x100;
	s18 =	simm.s32 $0x1C00  }
0x44: {  	[tilespmem:s18], [sflag:$0x1] =	stream.indirect.gather [hbm4b:s3+s9], $0x10, s17, s9, $0xb8;
	[tilespmem:$0xDFD0] =	vst v63  }
0x45: {  	s11 =	simm.s32 $0x180;
	s15 =	simm.s32 $0x2400  }
0x46: {  	[tilespmem:s15], [sflag:$0x1] =	stream.indirect.gather [hbm4b:s3+s9], $0x10, s11, s9, $0xb8;
	[tilespmem:$0xDFD0] =	vst v63  }
0x47: {  	s17 =	simm.s32 $0x200;
	s18 =	simm.s32 $0x2C00  }
0x48: {  	[tilespmem:s18], [sflag:$0x1] =	stream.indirect.gather [hbm4b:s3+s9], $0x10, s17, s9, $0xb8;
	[tilespmem:$0xDFD0] =	vst v63  }
0x49: {  	s11 =	simm.s32 $0x280;
	s15 =	simm.s32 $0x3400  }
0x4a: {  	[tilespmem:s15], [sflag:$0x1] =	stream.indirect.gather [hbm4b:s3+s9], $0x10, s11, s9, $0xb8;
	[tilespmem:$0xDFD0] =	vst v63  }
0x4b: {  	s17 =	simm.s32 $0x300;
	s18 =	simm.s32 $0x3C00  }
0x4c: {  	[tilespmem:s18], [sflag:$0x1] =	stream.indirect.gather [hbm4b:s3+s9], $0x10, s17, s9, $0xb8;
	[tilespmem:$0xDFD0] =	vst v63  }
0x4d: {  	s11 =	simm.s32 $0x380;
	s15 =	simm.s32 $0x4400  }
0x4e: {  	[tilespmem:s15], [sflag:$0x1] =	stream.indirect.gather [hbm4b:s3+s9], $0x10, s11, s9, $0xb8;
	[tilespmem:$0xDFD0] =	vst v63  }
0x4f: {  	s17 =	simm.s32 $0x400;
	s18 =	simm.s32 $0x4C00  }
0x50: {  	[tilespmem:s18], [sflag:$0x1] =	stream.indirect.gather [hbm4b:s3+s9], $0x10, s17, s9, $0xb8;
	[tilespmem:$0xDFD0] =	vst v63  }
0x51: {  	s11 =	simm.s32 $0x480;
	s15 =	simm.s32 $0x5400  }
0x52: {  	[tilespmem:s15], [sflag:$0x1] =	stream.indirect.gather [hbm4b:s3+s9], $0x10, s11, s9, $0xb8;
	[tilespmem:$0xDFD0] =	vst v63  }
0x53: {  	s17 =	simm.s32 $0x500;
	s18 =	simm.s32 $0x5C00  }
0x54: {  	[tilespmem:s18], [sflag:$0x1] =	stream.indirect.gather [hbm4b:s3+s9], $0x10, s17, s9, $0xb8;
	[tilespmem:$0xDFD0] =	vst v63  }
0x55: {  	s11 =	simm.s32 $0x580;
	s15 =	simm.s32 $0x6400  }
0x56: {  	[tilespmem:s15], [sflag:$0x1] =	stream.indirect.gather [hbm4b:s3+s9], $0x10, s11, s9, $0xb8;
	[tilespmem:$0xDFD0] =	vst v63  }
0x57: {  	s17 =	simm.s32 $0x600;
	s18 =	simm.s32 $0x6C00  }
0x58: {  	[tilespmem:s18], [sflag:$0x1] =	stream.indirect.gather [hbm4b:s3+s9], $0x10, s17, s9, $0xb8;
	[tilespmem:$0xDFD0] =	vst v63  }
0x59: {  	s11 =	simm.s32 $0x680;
	s15 =	simm.s32 $0x7400  }
0x5a: {  	[tilespmem:s15], [sflag:$0x1] =	stream.indirect.gather [hbm4b:s3+s9], $0x10, s11, s9, $0xb8;
	[tilespmem:$0xDFD0] =	vst v63  }
0x5b: {  	s17 =	simm.s32 $0x700;
	s18 =	simm.s32 $0x7C00  }
0x5c: {  	[tilespmem:s18], [sflag:$0x1] =	stream.indirect.gather [hbm4b:s3+s9], $0x10, s17, s9, $0xb8;
	[tilespmem:$0xDFD0] =	vst v63  }
0x5d: {  	s11 =	simm.s32 $0x780;
	s15 =	simm.s32 $0x8400  }
0x5e: {  	[tilespmem:s15], [sflag:$0x1] =	stream.indirect.gather [hbm4b:s3+s9], $0x10, s11, s9, $0xb8;
	[tilespmem:$0xDFD0] =	vst v63  }
0x5f: {  	s17 =	simm.s32 $0x800;
	s18 =	simm.s32 $0x8C00  }
0x60: {  	[tilespmem:s18], [sflag:$0x1] =	stream.indirect.gather [hbm4b:s3+s9], $0x10, s17, s9, $0xb8;
	[tilespmem:$0xDFD0] =	vst v63  }
0x61: {  	s11 =	simm.s32 $0x880;
	s15 =	simm.s32 $0x9400  }
0x62: {  	[tilespmem:s15], [sflag:$0x1] =	stream.indirect.gather [hbm4b:s3+s9], $0x10, s11, s9, $0xb8;
	[tilespmem:$0xDFD0] =	vst v63  }
0x63: {  	s17 =	simm.s32 $0x900;
	s18 =	simm.s32 $0x9C00  }
0x64: {  	[tilespmem:s18], [sflag:$0x1] =	stream.indirect.gather [hbm4b:s3+s9], $0x10, s17, s9, $0xb8;
	[tilespmem:$0xDFD0] =	vst v63  }
0x65: {  	s11 =	simm.s32 $0x980;
	s15 =	simm.s32 $0xA400  }
0x66: {  	[tilespmem:s15], [sflag:$0x1] =	stream.indirect.gather [hbm4b:s3+s9], $0x10, s11, s9, $0xb8;
	[tilespmem:$0xDFD0] =	vst v63  }
0x67: {  	s17 =	simm.s32 $0xA00;
	s18 =	simm.s32 $0xAC00  }
0x68: {  	[tilespmem:s18], [sflag:$0x1] =	stream.indirect.gather [hbm4b:s3+s9], $0x10, s17, s9, $0xb8;
	[tilespmem:$0xDFD0] =	vst v63  }
0x69: {  	s11 =	simm.s32 $0xA80;
	s15 =	simm.s32 $0xB400  }
0x6a: {  	[tilespmem:s15], [sflag:$0x1] =	stream.indirect.gather [hbm4b:s3+s9], $0x10, s11, s9, $0xb8;
	[tilespmem:$0xDFD0] =	vst v63  }
0x6b: {  	s17 =	simm.s32 $0xB00;
	s18 =	simm.s32 $0xBC00  }
0x6c: {  	[tilespmem:s18], [sflag:$0x1] =	stream.indirect.gather [hbm4b:s3+s9], $0x10, s17, s9, $0xb8;
	[tilespmem:$0xDFD0] =	vst v63  }
0x6d: {  	s1 =	simm.s32 $0xB80;
	s11 =	simm.s32 $0xC400  }
0x6e: {  	[tilespmem:s11], [sflag:$0x1] =	stream.indirect.gather [hbm4b:s3+s9], $0x10, s1, s9, $0xb8;
	[tilespmem:$0xDFD0] =	vst v63  }
0x6f: {  	_ = 	snop  }
0x70: {  	[tilespmem:s12], [sflag:$0x3] =	stream.linear.gather [hbm4b:s4+s31], $0xA0, $0x38;
	[tilespmem:$0xDFD0] =	vst v63  }
0x71: {  	_ =	swait.ge [sflag:s13], $0xA0  }
0x72: {  	[sflag:s13] =	ssyncset.done $0x0  }
0x73: {  	[sflag:s13] =	ssyncadd.s32 $0xFFFFFF60  }
0x74: {  	v55 =	vld.idx.msk [tilespmem:v1+s12+$0x0], $0xffff;
	_ =	sdelay $0x4  }
0x75: {  	v37 =	vmul.u32 $0x55, v55;
	_ =	sdelay $0x1  }
0x76: {  	v37 =	vshra.s32 v37, $0x4  }
0x77: {  	v37 =	vadd.s32 v0, v37  }
0x78: {  	vm0 =	vlt.s32 v37, $0x7F7FF  }
0x79: {  	v37 =	vnsel vm0, $0x7F7FF, v37  }
0x7a: {  	[tilespmem:$0xD8A0] =	vst v37  }
0x7b: {  	v37 =	vld.idx.msk [tilespmem:v2+s12+$0x0], $0xffff;
	_ =	sdelay $0x4  }
0x7c: {  	v37 =	vmul.u32 $0x55, v37;
	_ =	sdelay $0x1  }
0x7d: {  	v37 =	vshra.s32 v37, $0x4  }
0x7e: {  	v37 =	vadd.s32 v0, v37  }
0x7f: {  	vm12 =	vlt.s32 v37, $0x7F7FF  }
0x80: {  	v37 =	vnsel vm12, $0x7F7FF, v37  }
0x81: {  	[tilespmem:$0xD8B0] =	vst v37  }
0x82: {  	v37 =	vld.idx.msk [tilespmem:v3+s12+$0x0], $0xffff;
	_ =	sdelay $0x4  }
0x83: {  	v37 =	vmul.u32 $0x55, v37;
	_ =	sdelay $0x1  }
0x84: {  	v37 =	vshra.s32 v37, $0x4  }
0x85: {  	v37 =	vadd.s32 v0, v37  }
0x86: {  	vm13 =	vlt.s32 v37, $0x7F7FF  }
0x87: {  	v37 =	vnsel vm13, $0x7F7FF, v37  }
0x88: {  	[tilespmem:$0xD8C0] =	vst v37  }
0x89: {  	v37 =	vld.idx.msk [tilespmem:v4+s12+$0x0], $0xffff;
	_ =	sdelay $0x4  }
0x8a: {  	v37 =	vmul.u32 $0x55, v37;
	_ =	sdelay $0x1  }
0x8b: {  	v37 =	vshra.s32 v37, $0x4  }
0x8c: {  	v37 =	vadd.s32 v0, v37  }
0x8d: {  	vm14 =	vlt.s32 v37, $0x7F7FF  }
0x8e: {  	v37 =	vnsel vm14, $0x7F7FF, v37  }
0x8f: {  	[tilespmem:$0xD8D0] =	vst v37  }
0x90: {  	v37 =	vld.idx.msk [tilespmem:v5+s12+$0x0], $0xffff;
	_ =	sdelay $0x4  }
0x91: {  	v37 =	vmul.u32 $0x55, v37;
	_ =	sdelay $0x1  }
0x92: {  	v37 =	vshra.s32 v37, $0x4  }
0x93: {  	v37 =	vadd.s32 v0, v37  }
0x94: {  	vm15 =	vlt.s32 v37, $0x7F7FF  }
0x95: {  	v37 =	vnsel vm15, $0x7F7FF, v37  }
0x96: {  	s15 =	simm.s32 $0xD8A0;
	[tilespmem:$0xD8E0] =	vst v37  }
0x97: {  	[tilespmem:s16], [sflag:$0x2] =	stream.indirect.gather [hbm4b:s3+s14], $0x10, s15, s14, $0xb8;
	[tilespmem:$0xDFD0] =	vst v63  }
0x98: {  	s17 =	simm.s32 $0xD8B0;
	s18 =	simm.s32 $0xD9F0  }
0x99: {  	[tilespmem:s18], [sflag:$0x2] =	stream.indirect.gather [hbm4b:s3+s14], $0x10, s17, s14, $0xb8;
	[tilespmem:$0xDFD0] =	vst v63  }
0x9a: {  	_ = 	snop  }
0x9b: {  	[tilespmem:s20], [sflag:$0x2] =	stream.indirect.gather [hbm4b:s3+s14], $0x10, s19, s14, $0xb8;
	[tilespmem:$0xDFD0] =	vst v63  }
0x9c: {  	_ = 	snop  }
0x9d: {  	[tilespmem:s22], [sflag:$0x2] =	stream.indirect.gather [hbm4b:s3+s14], $0x10, s21, s14, $0xb8;
	[tilespmem:$0xDFD0] =	vst v63  }
0x9e: {  	_ = 	snop  }
0x9f: {  	[tilespmem:s24], [sflag:$0x2] =	stream.indirect.gather [hbm4b:s3+s14], $0x10, s23, s14, $0xb8;
	[tilespmem:$0xDFD0] =	vst v63  }
0xa0: {  	_ =	swait.ge [sflag:s25], $0x800  }
0xa1: {  	[sflag:s25] =	ssyncset.done $0x0  }
0xa2: {  	[sflag:s25] =	ssyncadd.s32 $0xFFFFF800  }
0xa3: {  	_ =	swait.ge [sflag:s25], $0x800  }
0xa4: {  	[sflag:s25] =	ssyncset.done $0x0  }
0xa5: {  	[sflag:s25] =	ssyncadd.s32 $0xFFFFF800  }
0xa6: {  	_ =	swait.ge [sflag:s25], $0x800  }
0xa7: {  	[sflag:s25] =	ssyncset.done $0x0  }
0xa8: {  	[sflag:s25] =	ssyncadd.s32 $0xFFFFF800  }
0xa9: {  	_ =	swait.ge [sflag:s25], $0x800  }
0xaa: {  	[sflag:s25] =	ssyncset.done $0x0  }
0xab: {  	[sflag:s25] =	ssyncadd.s32 $0xFFFFF800  }
0xac: {  	_ =	swait.ge [sflag:s25], $0x800  }
0xad: {  	[sflag:s25] =	ssyncset.done $0x0  }
0xae: {  	[sflag:s25] =	ssyncadd.s32 $0xFFFFF800  }
0xaf: {  	_ =	swait.ge [sflag:s25], $0x800  }
0xb0: {  	[sflag:s25] =	ssyncset.done $0x0  }
0xb1: {  	[sflag:s25] =	ssyncadd.s32 $0xFFFFF800  }
0xb2: {  	_ =	swait.ge [sflag:s25], $0x800  }
0xb3: {  	[sflag:s25] =	ssyncset.done $0x0  }
0xb4: {  	[sflag:s25] =	ssyncadd.s32 $0xFFFFF800  }
0xb5: {  	_ =	swait.ge [sflag:s25], $0x800  }
0xb6: {  	[sflag:s25] =	ssyncset.done $0x0  }
0xb7: {  	[sflag:s25] =	ssyncadd.s32 $0xFFFFF800  }
0xb8: {  	_ =	swait.ge [sflag:s25], $0x800  }
0xb9: {  	[sflag:s25] =	ssyncset.done $0x0  }
0xba: {  	[sflag:s25] =	ssyncadd.s32 $0xFFFFF800  }
0xbb: {  	_ =	swait.ge [sflag:s25], $0x800  }
0xbc: {  	[sflag:s25] =	ssyncset.done $0x0  }
0xbd: {  	[sflag:s25] =	ssyncadd.s32 $0xFFFFF800  }
0xbe: {  	_ =	swait.ge [sflag:s25], $0x800  }
0xbf: {  	[sflag:s25] =	ssyncset.done $0x0  }
0xc0: {  	[sflag:s25] =	ssyncadd.s32 $0xFFFFF800  }
0xc1: {  	_ =	swait.ge [sflag:s25], $0x800  }
0xc2: {  	[sflag:s25] =	ssyncset.done $0x0  }
0xc3: {  	[sflag:s25] =	ssyncadd.s32 $0xFFFFF800  }
0xc4: {  	_ =	swait.ge [sflag:s25], $0x800  }
0xc5: {  	[sflag:s25] =	ssyncset.done $0x0  }
0xc6: {  	[sflag:s25] =	ssyncadd.s32 $0xFFFFF800  }
0xc7: {  	_ =	swait.ge [sflag:s25], $0x800  }
0xc8: {  	[sflag:s25] =	ssyncset.done $0x0  }
0xc9: {  	[sflag:s25] =	ssyncadd.s32 $0xFFFFF800  }
0xca: {  	_ =	swait.ge [sflag:s25], $0x800  }
0xcb: {  	[sflag:s25] =	ssyncset.done $0x0  }
0xcc: {  	[sflag:s25] =	ssyncadd.s32 $0xFFFFF800  }
0xcd: {  	_ =	swait.ge [sflag:s25], $0x800  }
0xce: {  	[sflag:s25] =	ssyncset.done $0x0  }
0xcf: {  	[sflag:s25] =	ssyncadd.s32 $0xFFFFF800  }
0xd0: {  	_ =	swait.ge [sflag:s25], $0x800  }
0xd1: {  	[sflag:s25] =	ssyncset.done $0x0  }
0xd2: {  	[sflag:s25] =	ssyncadd.s32 $0xFFFFF800  }
0xd3: {  	_ =	swait.ge [sflag:s25], $0x800  }
0xd4: {  	[sflag:s25] =	ssyncset.done $0x0  }
0xd5: {  	[sflag:s25] =	ssyncadd.s32 $0xFFFFF800  }
0xd6: {  	_ =	swait.ge [sflag:s25], $0x800  }
0xd7: {  	[sflag:s25] =	ssyncset.done $0x0  }
0xd8: {  	[sflag:s25] =	ssyncadd.s32 $0xFFFFF800  }
0xd9: {  	_ =	swait.ge [sflag:s25], $0x800  }
0xda: {  	[sflag:s25] =	ssyncset.done $0x0  }
0xdb: {  	s1 =	sadd.s32 $0x0, s8;
	[sflag:s25] =	ssyncadd.s32 $0xFFFFF800  }
0xdc: {  	v56 =	vmov s1;
	_ =	swait.ge [sflag:s25], $0x800  }
0xdd: {  	v37 =	vmul.u32 $0x55, v56;
	[sflag:s25] =	ssyncset.done $0x0  }
0xde: {  	[sflag:s25] =	ssyncadd.s32 $0xFFFFF800  }
0xdf: {  	v37 =	vbroadcast v37, $0x0;
	_ =	swait.ge [sflag:s25], $0x800  }
0xe0: {  	v57 =	vmov s31;
	[sflag:s25] =	ssyncset.done $0x0  }
0xe1: {  	v38 =	vshll.u32 v57, $0x4;
	s11 =	sadd.s32 $0x10, s8;
	v37 =	vadd.s32 v6, v37;
	[sflag:s25] =	ssyncadd.s32 $0xFFFFF800  }
0xe2: {  	v38 =	vor.u32 v7, v38;
	v58 =	vmov s11;
	v37 =	vand.u32 $0xF, v37;
	_ =	swait.ge [sflag:s25], $0x800  }
0xe3: {  	v59 =	vmul.u32 $0x55, v58;
	v37 =	vor.u32 v38, v37;
	[sflag:s25] =	ssyncset.done $0x0  }
0xe4: {  	[sflag:s25] =	ssyncadd.s32 $0xFFFFF800  }
0xe5: {  	s15 =	simm.s32 $0x10;
	v38 =	vbroadcast v59, $0x0;
	_ =	swait.ge [sflag:s25], $0x800  }
0xe6: {  	v60 =	vmov s15;
	[sflag:s25] =	ssyncset.done $0x0  }
0xe7: {  	v39 =	vshll.u32 v60, $0x4;
	s17 =	sadd.s32 $0x20, s8;
	v38 =	vadd.s32 v6, v38;
	[sflag:s25] =	ssyncadd.s32 $0xFFFFF800  }
0xe8: {  	v39 =	vor.u32 v7, v39;
	v61 =	vmov s17;
	v38 =	vand.u32 $0xF, v38;
	v37 =	vld.idx.msk [tilespmem:v37+s10+$0x0], $0xffff  }
0xe9: {  	v62 =	vmul.u32 $0x55, v61;
	v38 =	vor.u32 v39, v38;
	_ =	sdelay $0x1  }
0xea: {  	s18 =	simm.s32 $0x20;
	v39 =	vbroadcast v62, $0x0  }
0xeb: {  	s0 =	simm.s32 $0xCC00;
	v63 =	vmov s18  }
0xec: {  	v40 =	vshll.u32 v63, $0x4;
	v39 =	vadd.s32 v6, v39;
	[tilespmem:s0+$0x0] =	vst v37  }
0xed: {  	s1 =	simm.s32 $0x30;
	s11 =	sadd.s32 $0x30, s8;
	s31 =	simm.s32 $0x40;
	v39 =	vand.u32 $0xF, v39;
	v37 =	vld.idx.msk [tilespmem:v38+s10+$0x0], $0xffff;
	v38 =	vor.u32 v7, v40  }
.LBB2_4:
0xee: {  	p0 =	sne.s32 s31, $0xBF0;
	v40 =	vmov s11;
	v38 =	vor.u32 v38, v39  }
0xef: {  	v39 =	vmul.u32 $0x55, v40  }
.Ltmp1:
0xf0: {  	(pc) =	sbr.rel @p0 .LBB2_4-.Ltmp1, $4  }
0xf1: {  	s0 =	sadd.s32 $0x10, s0;
	v39 =	vbroadcast v39, $0x0  }
0xf2: {  	v40 =	vmov s1;
	s1 =	smov.u32 s31;
	[tilespmem:s0+$0x0] =	vst v37  }
0xf3: {  	v40 =	vshll.u32 v40, $0x4;
	v39 =	vadd.s32 v6, v39;
	v37 =	vld.idx.msk [tilespmem:v38+s10+$0x0], $0xffff  }
0xf4: {  	s31 =	sadd.s32 $0x10, s31;
	s11 =	sadd.s32 s1, s8;
	v38 =	vor.u32 v7, v40;
	v39 =	vand.u32 $0xF, v39  }
0xf5: {  	v40 =	vmov s11  }
0xf6: {  	v38 =	vor.u32 v38, v39;
	v56 =	vmul.u32 $0x55, v40;
	_ =	sdelay $0x1  }
0xf7: {  	v39 =	vbroadcast v56, $0x0  }
0xf8: {  	s0 =	sadd.s32 $0x10, s0;
	v57 =	vmov s1  }
0xf9: {  	v59 =	vshll.u32 v57, $0x4;
	[tilespmem:s0+$0x0] =	vst v37;
	v58 =	vadd.s32 v6, v39  }
0xfa: {  	v38 =	vld.idx.msk [tilespmem:v38+s10+$0x0], $0xffff;
	v39 =	vor.u32 v7, v59;
	v37 =	vand.u32 $0xF, v58  }
0xfb: {  	v37 =	vor.u32 v39, v37;
	_ =	sdelay $0x2  }
0xfc: {  	s0 =	sadd.s32 $0x10, s0  }
0xfd: {  	[tilespmem:s0+$0x0] =	vst v38  }
0xfe: {  	v37 =	vld.idx.msk [tilespmem:v37+s10+$0x0], $0xffff;
	_ =	sdelay $0x3  }
0xff: {  	s0 =	sadd.s32 $0x10, s0  }
0x100: {  	[tilespmem:s0+$0x0] =	vst v37  }
0x101: {  	[hbm4b:s5+s2] =	stream.linear.scatter [tilespmem:s26], [sflag:$0x3], $0xC00, $0x38;
	[tilespmem:$0xDFD0] =	vst v63  }
0x102: {  	_ =	swait.ge [sflag:s13], $0xC00  }
0x103: {  	[sflag:s13] =	ssyncset.done $0x0  }
0x104: {  	[sflag:s13] =	ssyncadd.s32 $0xFFFFF400  }
0x105: {  	_ =	swait.ge [sflag:s28], $0x100  }
0x106: {  	[sflag:s28] =	ssyncset.done $0x0  }
0x107: {  	[sflag:s28] =	ssyncadd.s32 $0xFFFFFF00  }
0x108: {  	_ =	swait.ge [sflag:s28], $0x100  }
0x109: {  	[sflag:s28] =	ssyncset.done $0x0  }
0x10a: {  	[sflag:s28] =	ssyncadd.s32 $0xFFFFFF00  }
0x10b: {  	_ =	swait.ge [sflag:s28], $0x100  }
0x10c: {  	[sflag:s28] =	ssyncset.done $0x0  }
0x10d: {  	[sflag:s28] =	ssyncadd.s32 $0xFFFFFF00  }
0x10e: {  	_ =	swait.ge [sflag:s28], $0x100  }
0x10f: {  	[sflag:s28] =	ssyncset.done $0x0  }
0x110: {  	[sflag:s28] =	ssyncadd.s32 $0xFFFFFF00  }
0x111: {  	_ =	swait.ge [sflag:s28], $0x100  }
0x112: {  	[sflag:s28] =	ssyncset.done $0x0  }
0x113: {  	[sflag:s28] =	ssyncadd.s32 $0xFFFFFF00  }
0x114: {  	v60 =	vld.idx.msk [tilespmem:v1+s12+$0x0], $0xffff;
	_ =	sdelay $0x4  }
0x115: {  	v37 =	vmul.u32 $0x5, v60;
	_ =	sdelay $0x1  }
0x116: {  	v37 =	vand.u32 $0xF, v37  }
0x117: {  	v61 =	vadd.s32 v0, v37;
	_ =	sdelay $0x4  }
0x118: {  	v38 =	vld.idx.msk [tilespmem:v61+s16+$0x0], $0xffff  }
0x119: {  	v62 =	vadd.s32 v8, v37;
	_ =	sdelay $0x3  }
0x11a: {  	[tilespmem:$0xDDF0] =	vst v38  }
0x11b: {  	v38 =	vld.idx.msk [tilespmem:v62+s16+$0x0], $0xffff  }
0x11c: {  	v63 =	vadd.s32 v9, v37;
	_ =	sdelay $0x3  }
0x11d: {  	[tilespmem:$0xDE00] =	vst v38  }
0x11e: {  	v38 =	vld.idx.msk [tilespmem:v63+s16+$0x0], $0xffff  }
0x11f: {  	v42 =	vadd.s32 v10, v37;
	_ =	sdelay $0x3  }
0x120: {  	[tilespmem:$0xDE10] =	vst v38  }
0x121: {  	v38 =	vld.idx.msk [tilespmem:v42+s16+$0x0], $0xffff  }
0x122: {  	v43 =	vadd.s32 v11, v37;
	_ =	sdelay $0x3  }
0x123: {  	[tilespmem:$0xDE20] =	vst v38  }
0x124: {  	v38 =	vld.idx.msk [tilespmem:v43+s16+$0x0], $0xffff  }
0x125: {  	v37 =	vadd.s32 v12, v37;
	_ =	sdelay $0x3  }
0x126: {  	[tilespmem:$0xDE30] =	vst v38  }
0x127: {  	v37 =	vld.idx.msk [tilespmem:v37+s16+$0x0], $0xffff;
	_ =	sdelay $0x4  }
0x128: {  	[tilespmem:$0xDE40] =	vst v37  }
0x129: {  	v37 =	vld.idx.msk [tilespmem:v2+s12+$0x0], $0xffff;
	_ =	sdelay $0x4  }
0x12a: {  	v37 =	vmul.u32 $0x5, v37;
	_ =	sdelay $0x1  }
0x12b: {  	v37 =	vand.u32 $0xF, v37  }
0x12c: {  	v44 =	vadd.s32 v13, v37;
	_ =	sdelay $0x4  }
0x12d: {  	v38 =	vld.idx.msk [tilespmem:v44+s16+$0x0], $0xffff  }
0x12e: {  	v45 =	vadd.s32 v14, v37;
	_ =	sdelay $0x3  }
0x12f: {  	[tilespmem:$0xDE50] =	vst v38  }
0x130: {  	v38 =	vld.idx.msk [tilespmem:v45+s16+$0x0], $0xffff  }
0x131: {  	v46 =	vadd.s32 v15, v37;
	_ =	sdelay $0x3  }
0x132: {  	[tilespmem:$0xDE60] =	vst v38  }
0x133: {  	v38 =	vld.idx.msk [tilespmem:v46+s16+$0x0], $0xffff  }
0x134: {  	v47 =	vadd.s32 v16, v37;
	_ =	sdelay $0x3  }
0x135: {  	[tilespmem:$0xDE70] =	vst v38  }
0x136: {  	v38 =	vld.idx.msk [tilespmem:v47+s16+$0x0], $0xffff  }
0x137: {  	v48 =	vadd.s32 v17, v37;
	_ =	sdelay $0x3  }
0x138: {  	[tilespmem:$0xDE80] =	vst v38  }
0x139: {  	v38 =	vld.idx.msk [tilespmem:v48+s16+$0x0], $0xffff  }
0x13a: {  	v37 =	vadd.s32 v18, v37;
	_ =	sdelay $0x3  }
0x13b: {  	[tilespmem:$0xDE90] =	vst v38  }
0x13c: {  	v37 =	vld.idx.msk [tilespmem:v37+s16+$0x0], $0xffff;
	_ =	sdelay $0x4  }
0x13d: {  	[tilespmem:$0xDEA0] =	vst v37  }
0x13e: {  	v37 =	vld.idx.msk [tilespmem:v3+s12+$0x0], $0xffff;
	_ =	sdelay $0x4  }
0x13f: {  	v37 =	vmul.u32 $0x5, v37;
	_ =	sdelay $0x1  }
0x140: {  	v37 =	vand.u32 $0xF, v37  }
0x141: {  	v49 =	vadd.s32 v19, v37;
	_ =	sdelay $0x4  }
0x142: {  	v38 =	vld.idx.msk [tilespmem:v49+s16+$0x0], $0xffff  }
0x143: {  	v50 =	vadd.s32 v20, v37;
	_ =	sdelay $0x3  }
0x144: {  	[tilespmem:$0xDEB0] =	vst v38  }
0x145: {  	v38 =	vld.idx.msk [tilespmem:v50+s16+$0x0], $0xffff  }
0x146: {  	v51 =	vadd.s32 v21, v37;
	_ =	sdelay $0x3  }
0x147: {  	[tilespmem:$0xDEC0] =	vst v38  }
0x148: {  	v38 =	vld.idx.msk [tilespmem:v51+s16+$0x0], $0xffff  }
0x149: {  	v52 =	vadd.s32 v22, v37;
	_ =	sdelay $0x3  }
0x14a: {  	[tilespmem:$0xDED0] =	vst v38  }
0x14b: {  	v38 =	vld.idx.msk [tilespmem:v52+s16+$0x0], $0xffff  }
0x14c: {  	v53 =	vadd.s32 v23, v37;
	_ =	sdelay $0x3  }
0x14d: {  	[tilespmem:$0xDEE0] =	vst v38  }
0x14e: {  	v38 =	vld.idx.msk [tilespmem:v53+s16+$0x0], $0xffff  }
0x14f: {  	v37 =	vadd.s32 v24, v37;
	_ =	sdelay $0x3  }
0x150: {  	[tilespmem:$0xDEF0] =	vst v38  }
0x151: {  	v37 =	vld.idx.msk [tilespmem:v37+s16+$0x0], $0xffff;
	_ =	sdelay $0x4  }
0x152: {  	[tilespmem:$0xDF00] =	vst v37  }
0x153: {  	v37 =	vld.idx.msk [tilespmem:v4+s12+$0x0], $0xffff;
	_ =	sdelay $0x4  }
0x154: {  	v37 =	vmul.u32 $0x5, v37;
	_ =	sdelay $0x1  }
0x155: {  	v37 =	vand.u32 $0xF, v37  }
0x156: {  	v54 =	vadd.s32 v25, v37;
	_ =	sdelay $0x4  }
0x157: {  	v38 =	vld.idx.msk [tilespmem:v54+s16+$0x0], $0xffff  }
0x158: {  	v55 =	vadd.s32 v26, v37;
	_ =	sdelay $0x3  }
0x159: {  	[tilespmem:$0xDF10] =	vst v38  }
0x15a: {  	v38 =	vld.idx.msk [tilespmem:v55+s16+$0x0], $0xffff  }
0x15b: {  	v56 =	vadd.s32 v27, v37;
	_ =	sdelay $0x3  }
0x15c: {  	[tilespmem:$0xDF20] =	vst v38  }
0x15d: {  	v38 =	vld.idx.msk [tilespmem:v56+s16+$0x0], $0xffff  }
0x15e: {  	v57 =	vadd.s32 v28, v37;
	_ =	sdelay $0x3  }
0x15f: {  	[tilespmem:$0xDF30] =	vst v38  }
0x160: {  	v38 =	vld.idx.msk [tilespmem:v57+s16+$0x0], $0xffff  }
0x161: {  	v58 =	vadd.s32 v29, v37;
	_ =	sdelay $0x3  }
0x162: {  	[tilespmem:$0xDF40] =	vst v38  }
0x163: {  	v38 =	vld.idx.msk [tilespmem:v58+s16+$0x0], $0xffff  }
0x164: {  	v37 =	vadd.s32 v30, v37;
	_ =	sdelay $0x3  }
0x165: {  	[tilespmem:$0xDF50] =	vst v38  }
0x166: {  	v37 =	vld.idx.msk [tilespmem:v37+s16+$0x0], $0xffff;
	_ =	sdelay $0x4  }
0x167: {  	[tilespmem:$0xDF60] =	vst v37  }
0x168: {  	v37 =	vld.idx.msk [tilespmem:v5+s12+$0x0], $0xffff;
	_ =	sdelay $0x4  }
0x169: {  	v37 =	vmul.u32 $0x5, v37;
	_ =	sdelay $0x1  }
0x16a: {  	v37 =	vand.u32 $0xF, v37  }
0x16b: {  	v59 =	vadd.s32 v31, v37;
	_ =	sdelay $0x4  }
0x16c: {  	v38 =	vld.idx.msk [tilespmem:v59+s16+$0x0], $0xffff  }
0x16d: {  	v60 =	vadd.s32 v32, v37;
	_ =	sdelay $0x3  }
0x16e: {  	[tilespmem:$0xDF70] =	vst v38  }
0x16f: {  	v38 =	vld.idx.msk [tilespmem:v60+s16+$0x0], $0xffff  }
0x170: {  	v61 =	vadd.s32 v33, v37;
	_ =	sdelay $0x3  }
0x171: {  	[tilespmem:$0xDF80] =	vst v38  }
0x172: {  	v38 =	vld.idx.msk [tilespmem:v61+s16+$0x0], $0xffff  }
0x173: {  	v62 =	vadd.s32 v34, v37;
	_ =	sdelay $0x3  }
0x174: {  	[tilespmem:$0xDF90] =	vst v38  }
0x175: {  	v38 =	vld.idx.msk [tilespmem:v62+s16+$0x0], $0xffff  }
0x176: {  	v63 =	vadd.s32 v35, v37;
	_ =	sdelay $0x3  }
0x177: {  	[tilespmem:$0xDFA0] =	vst v38  }
0x178: {  	v38 =	vld.idx.msk [tilespmem:v63+s16+$0x0], $0xffff  }
0x179: {  	v37 =	vadd.s32 v36, v37;
	_ =	sdelay $0x3  }
0x17a: {  	[tilespmem:$0xDFB0] =	vst v38  }
0x17b: {  	v37 =	vld.idx.msk [tilespmem:v37+s16+$0x0], $0xffff;
	_ =	sdelay $0x2  }
0x17c: {  	s30 =	sadd.s32 $0x1, s30  }
0x17d: {  	p0 =	sne.s32 s30, s7  }
.Ltmp2:
0x17e: {  	[tilespmem:$0xDFC0] =	vst v37;
	(pc) =	sbr.rel @p0 .LBB2_1-.Ltmp2, $4  }
0x17f: {  	[hbm4b:s6+s2] =	stream.linear.scatter [tilespmem:s29], [sflag:$0x3], $0x1E0, $0x38;
	[tilespmem:$0xDFD0] =	vst v63  }
0x180: {  	_ =	swait.ge [sflag:s13], $0x1E0  }
0x181: {  	[sflag:s13] =	ssyncset.done $0x0  }
0x182: {  	[sflag:s13] =	ssyncadd.s32 $0xFFFFFE20  }
0x183: {  	_ =	sfence.sel $0x180000  }
0x184: {  	[bflag:$0x0] =	sbarrier.arrive $0xFFFF  }
0x185: {  	_ =	strace $0x90000047  }
0x186: {  	s0 =	stileid.u32;
	[bflag:$0x2] =	sbarrier.arrive $0xFFFF  }
0x187: {  	p0 =	sne.s32 s0, $0x0;
	s0 =	rddreg [dreg:$0x1]  }
0x188: {  	s0 =	sadd.s32 @!p0 $0x100000, s0  }
0x189: {  	[sflag:s0] =	ssyncadd.tile.s32 @!p0 $0x1;
	_ =	shalt  }
.Lfunc_end2:
_tile_overlayer_lowered:
.L_overlay_start_2:
0x18a: {  	(tag) =	ssettag $0x2  }
0x18b: {  	s0 =	rddreg [dreg:$0x0];
	s2 =	stileid.u32  }
0x18c: {  	s1 =	rddreg [dreg:$0x1];
	p0 =	sne.s32 s2, $0x0  }
0x18d: {  	s3 =	rddreg [dreg:$0x2];
	[bflag:$0x3] =	sbarrier.arrive $0xFFFF;
	s2 =	simm.s32 @!p0 $0x1C03  }
0x18e: {  	[timem:s3], [sflag:s2] =	dma.local @!p0 [hbm:s0], s1  }
0x18f: {  	s0 =	simm.s32 @!p0 $0x3  }
0x190: {  	_ =	swait.ge @!p0 [sflag:s0], s1  }
0x191: {  	s1 =	ssub.s32 @!p0 $0x0, s1;
	[sflag:s0] =	ssyncset.done @!p0 $0x0  }
0x192: {  	[sflag:s0] =	ssyncadd.s32 @!p0 s1  }
0x193: {  	[bflag:$0x3] =	sbarrier.arrive $0xFFFF  }
0x194: {  	_ =	shalt  }

</sc_bundles>
